<compile_context>
chip_gen: v7x
topology: tpu7x:2x2x1
jax: 0.10.2.dev20260603
libtpu: 0.0.44.dev20260713+nightly
codegen_flags: <defaults>
</compile_context>

<pallas_src>
import functools

import jax
import jax.numpy as jnp
from jax import lax
from jax.experimental import pallas as pl
from jax.experimental.pallas import tpu as pltpu
from jax.experimental.pallas import tpu_sc as plsc

_D = 128
_NC = 2
_NS = 16
_NW = _NC * _NS
_CH = 128
_NPH = 2
_DEGW = 16


def _mesh():
    return plsc.VectorSubcoreMesh(core_axis_name="c", subcore_axis_name="s")



def _deg_partials(dst2, npad, steps):
    rows_per_tile = npad // _NS

    @functools.partial(
        pl.kernel,
        out_type=jax.ShapeDtypeStruct((_NC * npad,), jnp.float32),
        mesh=_mesh(),
        scratch_types=[
            pltpu.VMEM_SHARED((npad,), jnp.float32),
            pltpu.VMEM((steps, _CH), jnp.int32),
            pltpu.VMEM((_CH,), jnp.float32),
            pltpu.VMEM((rows_per_tile,), jnp.float32),
        ],
    )
    def k(dst_hbm, out_hbm, acc, dbuf, ones, stage):
        c = lax.axis_index("c")
        s = lax.axis_index("s")
        w = c * _NS + s

        @pl.loop(0, _CH, step=16)
        def _(i):
            ones[pl.ds(i, 16)] = jnp.ones((16,), jnp.float32)

        @pl.loop(0, rows_per_tile, step=16)
        def _(i):
            stage[pl.ds(i, 16)] = jnp.zeros((16,), jnp.float32)

        pltpu.sync_copy(stage, acc.at[pl.ds(s * rows_per_tile, rows_per_tile)])
        plsc.subcore_barrier()

        pltpu.sync_copy(dst_hbm.at[pl.ds(w * steps, steps)], dbuf)

        @pl.loop(0, steps)
        def _(g):
            pltpu.sync_copy(ones, acc.at[dbuf.at[g]], add=True)

        plsc.subcore_barrier()
        pltpu.sync_copy(
            acc.at[pl.ds(s * rows_per_tile, rows_per_tile)],
            out_hbm.at[pl.ds(c * npad + s * rows_per_tile, rows_per_tile)])

    return k(dst2)


def _edge_partials(hws, src2, dst2, npad, steps):
    rows_per_tile = npad // _NS
    n_chunks = rows_per_tile // _CH
    ps = steps // _NPH

    @functools.partial(
        pl.kernel,
        out_type=jax.ShapeDtypeStruct((_NC, npad, _D), jnp.float32),
        mesh=_mesh(),
        scratch_types=[
            pltpu.VMEM_SHARED((npad, _D), jnp.float32),
            pltpu.VMEM((ps, _CH), jnp.int32),
            pltpu.VMEM((ps, _CH), jnp.int32),
            pltpu.VMEM((2, _CH, _D), jnp.float32),
            pltpu.SemaphoreType.DMA,
            pltpu.SemaphoreType.DMA,
            pltpu.SemaphoreType.DMA,
            pltpu.SemaphoreType.DMA,
        ],
    )
    def k(hws_hbm, src_hbm, dst_hbm, out_hbm, acc, sbuf, dbuf, rows,
          gsem0, gsem1, ssem0, ssem1):
        c = lax.axis_index("c")
        s = lax.axis_index("s")
        w = c * _NS + s
        gsems = (gsem0, gsem1)
        ssems = (ssem0, ssem1)

        @pl.loop(0, _CH)
        def _(i):
            @pl.loop(0, _D, step=16)
            def _(j):
                rows[0, i, pl.ds(j, 16)] = jnp.zeros((16,), jnp.float32)

        @pl.loop(0, n_chunks)
        def _(kk):
            pltpu.sync_copy(
                rows.at[0], acc.at[pl.ds(s * rows_per_tile + kk * _CH, _CH)])

        plsc.subcore_barrier()

        for ph in range(_NPH):
            base = w * steps + ph * ps
            pltpu.sync_copy(src_hbm.at[pl.ds(base, ps)], sbuf)
            pltpu.sync_copy(dst_hbm.at[pl.ds(base, ps)], dbuf)

            pltpu.async_copy(hws_hbm.at[sbuf.at[0]], rows.at[0], gsem0)

            @pl.loop(0, ps, step=2)
            def _(g):
                for b in (0, 1):
                    gg = g + b

                    @pl.when(gg + 1 < ps)
                    def _():
                        @pl.when(gg >= 1)
                        def _():
                            pltpu.make_async_copy(
                                rows.at[1 - b], acc.at[dbuf.at[gg - 1]],
                                ssems[1 - b]).wait()

                        pltpu.async_copy(
                            hws_hbm.at[sbuf.at[gg + 1]], rows.at[1 - b],
                            gsems[1 - b])

                    pltpu.make_async_copy(
                        hws_hbm.at[sbuf.at[gg]], rows.at[b], gsems[b]).wait()
                    pltpu.async_copy(
                        rows.at[b], acc.at[dbuf.at[gg]], ssems[b], add=True)

            pltpu.make_async_copy(
                rows.at[0], acc.at[dbuf.at[ps - 2]], ssem0).wait()
            pltpu.make_async_copy(
                rows.at[1], acc.at[dbuf.at[ps - 1]], ssem1).wait()

        plsc.subcore_barrier()

        @pl.loop(0, n_chunks)
        def _(kk):
            r0 = s * rows_per_tile + kk * _CH
            pltpu.sync_copy(acc.at[pl.ds(r0, _CH)], rows.at[0])
            pltpu.sync_copy(rows.at[0], out_hbm.at[c, pl.ds(r0, _CH)])

    return k(hws, src2, dst2)



_R = 2000


def _row_spec(r, d):
    return pl.BlockSpec((r, d), lambda i: (i, 0))


def _full_spec(shape):
    nd = len(shape)
    return pl.BlockSpec(shape, lambda i: (0,) * nd)


def _mm(x, w):
    n, d = x.shape

    def body(x_ref, w_ref, o_ref):
        o_ref[...] = jnp.dot(x_ref[...], w_ref[...],
                             preferred_element_type=jnp.float32)

    return pl.pallas_call(
        body,
        grid=(n // _R,),
        in_specs=[_row_spec(_R, d), _full_spec(w.shape)],
        out_specs=_row_spec(_R, d),
        out_shape=jax.ShapeDtypeStruct((n, d), jnp.float32),
    )(x, w)


def _scale(hw, d0, d1):
    n, d = hw.shape

    def body(hw_ref, d0_ref, d1_ref, o_ref):
        dinv = lax.rsqrt(d0_ref[...] + d1_ref[...] + 1.0)
        o_ref[...] = hw_ref[...] * dinv

    return pl.pallas_call(
        body,
        grid=(n // _R,),
        in_specs=[_row_spec(_R, d), _row_spec(_R, 1), _row_spec(_R, 1)],
        out_specs=_row_spec(_R, d),
        out_shape=jax.ShapeDtypeStruct((n, d), jnp.float32),
    )(hw, d0, d1)


def _norm_act(p0, p1, hws, d0, d1, b, g, be, pw):
    dinv = lax.rsqrt(d0 + d1 + 1.0)
    agg = dinv * (p0 + p1 + hws) + b
    mu = jnp.mean(agg, axis=-1, keepdims=True)
    var = jnp.mean((agg - mu) ** 2, axis=-1, keepdims=True)
    h = (agg - mu) * lax.rsqrt(var + 1e-5) * g + be
    return jnp.where(h > 0, h, h * pw)


def _part_spec(core, r, d):
    return pl.BlockSpec((1, r, d), lambda i, _c=core: (_c, i, 0))


def _mid(P, hws, d0, d1, b, g, be, pw, w2):
    n, d = hws.shape

    def body(p0_r, p1_r, hws_r, d0_r, d1_r, b_r, g_r, be_r, pw_r, w2_r, o_ref):
        h = _norm_act(p0_r[0], p1_r[0], hws_r[...], d0_r[...], d1_r[...],
                      b_r[...], g_r[...], be_r[...], pw_r[...])
        dinv = lax.rsqrt(d0_r[...] + d1_r[...] + 1.0)
        o_ref[...] = jnp.dot(h, w2_r[...],
                             preferred_element_type=jnp.float32) * dinv

    return pl.pallas_call(
        body,
        grid=(n // _R,),
        in_specs=[_part_spec(0, _R, d), _part_spec(1, _R, d), _row_spec(_R, d),
                  _row_spec(_R, 1), _row_spec(_R, 1),
                  _full_spec((1, d)), _full_spec((1, d)), _full_spec((1, d)),
                  _full_spec((1, d)), _full_spec((d, d))],
        out_specs=_row_spec(_R, d),
        out_shape=jax.ShapeDtypeStruct((n, d), jnp.float32),
    )(P, P, hws, d0, d1, b, g, be, pw, w2)


def _post(P, hws, d0, d1, b, g, be, pw):
    n, d = hws.shape

    def body(p0_r, p1_r, hws_r, d0_r, d1_r, b_r, g_r, be_r, pw_r, o_ref):
        o_ref[...] = _norm_act(p0_r[0], p1_r[0], hws_r[...], d0_r[...],
                               d1_r[...], b_r[...], g_r[...], be_r[...],
                               pw_r[...])

    return pl.pallas_call(
        body,
        grid=(n // _R,),
        in_specs=[_part_spec(0, _R, d), _part_spec(1, _R, d), _row_spec(_R, d),
                  _row_spec(_R, 1), _row_spec(_R, 1),
                  _full_spec((1, d)), _full_spec((1, d)), _full_spec((1, d)),
                  _full_spec((1, d))],
        out_specs=_row_spec(_R, d),
        out_shape=jax.ShapeDtypeStruct((n, d), jnp.float32),
    )(P, P, hws, d0, d1, b, g, be, pw)



def kernel(x, edge_index, W1, b1, g1, be1, pw, W2, b2, g2, be2):
    n, d = x.shape
    e = edge_index.shape[1]

    align = _NPH * 8
    steps = -(-e // (_NW * _CH * align)) * align
    epad = _NW * steps * _CH
    npad = -(-(n + 1) // (_NS * _CH)) * (_NS * _CH)

    src = edge_index[0]
    dst = edge_index[1]
    padn = epad - e
    pad_iota = jnp.arange(padn, dtype=jnp.int32)
    pad_dst = n + pad_iota % (npad - n)
    pad_src = pad_iota % n
    src2 = jnp.concatenate([src, pad_src]).reshape(-1, _CH)
    dst2 = jnp.concatenate([dst, pad_dst]).reshape(-1, _CH)

    degp = _deg_partials(dst2, npad, steps).reshape(_NC, npad)
    hw1 = _mm(x, W1)
    d0 = degp[0, :n, None]
    d1 = degp[1, :n, None]

    hws1 = _scale(hw1, d0, d1)
    P1 = _edge_partials(hws1, src2, dst2, npad, steps)
    b1r, g1r, be1r, pwr = (v.reshape(1, d) for v in (b1, g1, be1, pw))
    hws2 = _mid(P1, hws1, d0, d1, b1r, g1r, be1r, pwr, W2)

    P2 = _edge_partials(hws2, src2, dst2, npad, steps)
    b2r, g2r, be2r = (v.reshape(1, d) for v in (b2, g2, be2))
    return _post(P2, hws2, d0, d1, b2r, g2r, be2r, pwr)

# --- scband reference (transcript-rebuilt; emitter-appended) ---
"""Pipeline reference for scband-encoder-74852690034970 (READ-ONLY COPY).

The authoritative reference and input builder live on the scoring server;
editing this copy changes nothing except your own understanding.
"""

import jax, jax.numpy as jnp
import numpy as np

N = 10000
E = 320000
D = 128

def setup_inputs(seed: int = 0):
    key = jax.random.key(seed)
    ks = jax.random.split(key, 12)
    x = jax.random.normal(ks[0], (N, D), dtype=jnp.float32)
    edge_index = jax.random.randint(ks[1], (2, E), 0, N, dtype=jnp.int32)
    s = 1.0 / np.sqrt(D)
    W1 = jax.random.normal(ks[2], (D, D), dtype=jnp.float32) * s
    b1 = jnp.zeros((D,), jnp.float32)
    W2 = jax.random.normal(ks[3], (D, D), dtype=jnp.float32) * s
    b2 = jnp.zeros((D,), jnp.float32)
    g1 = jnp.ones((D,), jnp.float32)
    be1 = jnp.zeros((D,), jnp.float32)
    g2 = jnp.ones((D,), jnp.float32)
    be2 = jnp.zeros((D,), jnp.float32)
    pw = jnp.full((D,), 0.25, jnp.float32)
    return {"x": x, "edge_index": edge_index, "W1": W1, "b1": b1, "g1": g1, "be1": be1, "pw": pw, "W2": W2, "b2": b2, "g2": g2, "be2": be2}

def _layer_norm(h, g, b):
    mu = jnp.mean(h, axis=-1, keepdims=True)
    var = jnp.mean((h - mu) ** 2, axis=-1, keepdims=True)
    return (h - mu) / jnp.sqrt(var + 1e-5) * g + b

def _prelu(h, a):
    return jnp.where(h > 0, h, h * a)

def _gcn_conv(h, edge_index, W, b):
    loop = jnp.arange(N, dtype=edge_index.dtype)
    src = jnp.concatenate([edge_index[0], loop])
    dst = jnp.concatenate([edge_index[1], loop])
    deg = jnp.zeros((N,), jnp.float32).at[dst].add(1.0)
    dinv = jnp.where(deg > 0, 1.0 / jnp.sqrt(deg), 0.0)
    norm = dinv[src] * dinv[dst]
    hw = h @ W
    msg = hw[src] * norm[:, None]
    agg = jnp.zeros((N, W.shape[1]), jnp.float32).at[dst].add(msg)
    return agg + b

def reference(x, edge_index, W1, b1, g1, be1, pw, W2, b2, g2, be2):
    h = _gcn_conv(x, edge_index, W1, b1)
    h = _layer_norm(h, g1, be1)
    h = _prelu(h, pw)
    h = _gcn_conv(h, edge_index, W2, b2)
    h = _layer_norm(h, g2, be2)
    h = _prelu(h, pw)
    return h

if __name__ == "__main__":
    import jax
    _d = setup_inputs()
    print(jax.jit(kernel)(*tuple(_d.values())))

</pallas_src>

<mosaic_0001>
#map = affine_map<(d0, d1) -> (0, 0)>
#map1 = affine_map<(d0, d1) -> (0, 0, 0)>
module attributes {stable_mosaic.version = 14 : i64} {
  func.func @k(%arg0: i32, %arg1: i32, %arg2: memref<10000x128xf32, #tpu.memory_space<hbm>>, %arg3: memref<2560x128xi32, #tpu.memory_space<hbm>>, %arg4: memref<2560x128xi32, #tpu.memory_space<hbm>>, %arg5: memref<2x10240x128xf32, #tpu.memory_space<hbm>>, %arg6: memref<10240x128xf32, #tpu.memory_space<vmem_shared>>, %arg7: memref<40x128xi32, #tpu.memory_space<vmem>>, %arg8: memref<40x128xi32, #tpu.memory_space<vmem>>, %arg9: memref<2x128x128xf32, #tpu.memory_space<vmem>>, %arg10: memref<!tpu.dma_semaphore, #tpu.memory_space<semaphore_mem>>, %arg11: memref<!tpu.dma_semaphore, #tpu.memory_space<semaphore_mem>>, %arg12: memref<!tpu.dma_semaphore, #tpu.memory_space<semaphore_mem>>, %arg13: memref<!tpu.dma_semaphore, #tpu.memory_space<semaphore_mem>>) attributes {dimension_semantics = [#tpu.dimension_semantics<core_parallel>, #tpu.dimension_semantics<subcore_parallel>], iteration_bounds = array<i64: 2, 16>, scalar_prefetch = 0 : i64, scratch_operands = 8 : i64, tpu.core_type = #tpu.core_type<sc_vector_subcore>, window_params = [{transform_indices = #map}, {transform_indices = #map}, {transform_indices = #map}, {transform_indices = #map1}]} {
    %mul3A = arith.constant 16 : i32
    %mul3A_0 = arith.muli %arg0, %mul3A : i32
    %add3A = arith.addi %mul3A_0, %arg1 : i32
    %scan3A = arith.constant 0 : i32
    %scan3A_1 = arith.constant 128 : i32
    %scan3A_2 = arith.addi %scan3A, %scan3A_1 : i32
    %scan3A_3 = arith.constant 1 : i32
    scf.for %scan3A_104 = %scan3A to %scan3A_2 step %scan3A_3  : i32 {
      %mul3A_105 = arith.constant 1 : i32
      %mul3A_106 = arith.muli %scan3A_104, %mul3A_105 : i32
      %add3A_107 = arith.constant 0 : i32
      %add3A_108 = arith.addi %add3A_107, %mul3A_106 : i32
      %scan3A_109 = arith.constant 0 : i32
      %scan3A_110 = arith.constant 8 : i32
      %scan3A_111 = arith.addi %scan3A_109, %scan3A_110 : i32
      %scan3A_112 = arith.constant 1 : i32
      scf.for %scan3A_114 = %scan3A_109 to %scan3A_111 step %scan3A_112  : i32 {
        %mul3A_115 = arith.constant 16 : i32
        %mul3A_116 = arith.muli %scan3A_114, %mul3A_115 : i32
        %add3A_117 = arith.constant 0 : i32
        %add3A_118 = arith.addi %add3A_117, %mul3A_116 : i32
        %broadcast_in_dim3A = arith.constant 0.000000e+00 : f32
        %broadcast_in_dim3A_119 = vector.broadcast %broadcast_in_dim3A : f32 to vector<16xf32>
        %swap3A = arith.constant 0 : i32
        %swap3A_120 = arith.index_cast %swap3A : i32 to index
        %swap3A_121 = arith.index_cast %add3A_108 : i32 to index
        %swap3A_122 = arith.index_cast %add3A_118 : i32 to index
        %swap3A_123 = tpu.vector_load %arg9[%swap3A_120, %swap3A_121, %swap3A_122] {strides = array<i32>} : memref<2x128x128xf32, #tpu.memory_space<vmem>>, vector<1x1x16xf32>,
        %swap3A_124 = vector.shape_cast %swap3A_123 : vector<1x1x16xf32> to vector<16xf32>
        %swap3A_125 = vector.shape_cast %broadcast_in_dim3A_119 : vector<16xf32> to vector<1x1x16xf32>
        tpu.vector_store %arg9[%swap3A_120, %swap3A_121, %swap3A_122], %swap3A_125 {strides = array<i32>} : memref<2x128x128xf32, #tpu.memory_space<vmem>>, vector<1x1x16xf32>,
      }
      %scan3A_113 = arith.constant 8 : i32
    }
    %scan3A_4 = arith.constant 128 : i32
    %scan3A_5 = arith.constant 0 : i32
    %scan3A_6 = arith.constant 5 : i32
    %scan3A_7 = arith.addi %scan3A_5, %scan3A_6 : i32
    %scan3A_8 = arith.constant 1 : i32
    scf.for %scan3A_104 = %scan3A_5 to %scan3A_7 step %scan3A_8  : i32 {
      %mul3A_105 = arith.constant 1 : i32
      %mul3A_106 = arith.muli %scan3A_104, %mul3A_105 : i32
      %add3A_107 = arith.constant 0 : i32
      %add3A_108 = arith.addi %add3A_107, %mul3A_106 : i32
      %mul3A_109 = arith.constant 640 : i32
      %mul3A_110 = arith.muli %arg1, %mul3A_109 : i32
      %mul3A_111 = arith.constant 128 : i32
      %mul3A_112 = arith.muli %add3A_108, %mul3A_111 : i32
      %add3A_113 = arith.addi %mul3A_110, %mul3A_112 : i32
      %run_scoped3A = arith.constant 0 : i32
      "tpu.region"() ({
        %run_scoped3A_114 = tpu.sem_alloc : memref<!tpu.dma_semaphore, #tpu.memory_space<semaphore_mem>>
        %dma_start3A_115 = arith.constant 0 : i32
        %dma_start3A_116 = arith.constant 0 : i32
        %dma_start3A_117 = tpu.memref_slice %arg9[%run_scoped3A, %dma_start3A_115, %dma_start3A_116] : memref<2x128x128xf32, #tpu.memory_space<vmem>> -> memref<1x128x128xf32, #tpu.memory_space<vmem>>
        %dma_start3A_118 = tpu.memref_squeeze %dma_start3A_117 : memref<1x128x128xf32, #tpu.memory_space<vmem>> -> memref<128x128xf32, #tpu.memory_space<vmem>>
        %dma_start3A_119 = arith.constant 0 : i32
        %dma_start3A_120 = tpu.memref_slice %arg6[%add3A_113, %dma_start3A_119] : memref<10240x128xf32, #tpu.memory_space<vmem_shared>> -> memref<128x128xf32, #tpu.memory_space<vmem_shared>>
        %dma_start3A_121 = arith.constant 0 : i32
        %dma_start3A_122 = tpu.memref_slice %arg6[%add3A_113, %dma_start3A_121] : memref<10240x128xf32, #tpu.memory_space<vmem_shared>> -> memref<128x128xf32, #tpu.memory_space<vmem_shared>>
        %dma_start3A_123 = arith.constant 0 : i32
        %dma_start3A_124 = arith.constant 0 : i32
        %dma_start3A_125 = tpu.memref_slice %arg9[%run_scoped3A, %dma_start3A_123, %dma_start3A_124] : memref<2x128x128xf32, #tpu.memory_space<vmem>> -> memref<1x128x128xf32, #tpu.memory_space<vmem>>
        %dma_start3A_126 = tpu.memref_squeeze %dma_start3A_125 : memref<1x128x128xf32, #tpu.memory_space<vmem>> -> memref<128x128xf32, #tpu.memory_space<vmem>>
        tpu.enqueue_dma source(%dma_start3A_126 : memref<128x128xf32, #tpu.memory_space<vmem>>) target(%dma_start3A_122 : memref<128x128xf32, #tpu.memory_space<vmem_shared>>) target_semaphore(%run_scoped3A_114 : memref<!tpu.dma_semaphore, #tpu.memory_space<semaphore_mem>>)
        %dma_wait3A_127 = arith.constant 0 : i32
        %dma_wait3A_128 = arith.constant 0 : i32
        %dma_wait3A_129 = tpu.memref_slice %arg9[%run_scoped3A, %dma_wait3A_127, %dma_wait3A_128] : memref<2x128x128xf32, #tpu.memory_space<vmem>> -> memref<1x128x128xf32, #tpu.memory_space<vmem>>
        %dma_wait3A_130 = tpu.memref_squeeze %dma_wait3A_129 : memref<1x128x128xf32, #tpu.memory_space<vmem>> -> memref<128x128xf32, #tpu.memory_space<vmem>>
        %dma_wait3A_131 = arith.constant 0 : i32
        %dma_wait3A_132 = tpu.memref_slice %arg6[%add3A_113, %dma_wait3A_131] : memref<10240x128xf32, #tpu.memory_space<vmem_shared>> -> memref<128x128xf32, #tpu.memory_space<vmem_shared>>
        %dma_wait3A_133 = arith.constant 0 : i32
        %dma_wait3A_134 = tpu.memref_slice %arg6[%add3A_113, %dma_wait3A_133] : memref<10240x128xf32, #tpu.memory_space<vmem_shared>> -> memref<128x128xf32, #tpu.memory_space<vmem_shared>>
        %dma_wait3A_135 = arith.constant 0 : i32
        %dma_wait3A_136 = arith.constant 0 : i32
        %dma_wait3A_137 = tpu.memref_slice %arg9[%run_scoped3A, %dma_wait3A_135, %dma_wait3A_136] : memref<2x128x128xf32, #tpu.memory_space<vmem>> -> memref<1x128x128xf32, #tpu.memory_space<vmem>>
        %dma_wait3A_138 = tpu.memref_squeeze %dma_wait3A_137 : memref<1x128x128xf32, #tpu.memory_space<vmem>> -> memref<128x128xf32, #tpu.memory_space<vmem>>
        tpu.wait_dma2 semaphore(%run_scoped3A_114 : memref<!tpu.dma_semaphore, #tpu.memory_space<semaphore_mem>>) src(%dma_wait3A_138 : memref<128x128xf32, #tpu.memory_space<vmem>>) dst(%dma_wait3A_134 : memref<128x128xf32, #tpu.memory_space<vmem_shared>>)
        tpu.yield
      }) : () -> ()
    }
    %scan3A_9 = arith.constant 5 : i32
    %barrier3A = arith.constant 0 : index
    tpu.barrier barrier_id(%barrier3A)
    %mul3A_10 = arith.constant 80 : i32
    %mul3A_11 = arith.muli %add3A, %mul3A_10 : i32
    %add3A_12 = arith.constant 0 : i32
    %add3A_13 = arith.addi %mul3A_11, %add3A_12 : i32
    "tpu.region"() ({
      %run_scoped3A = tpu.sem_alloc : memref<!tpu.dma_semaphore, #tpu.memory_space<semaphore_mem>>
      %dma_start3A_104 = arith.constant 0 : i32
      %dma_start3A_105 = tpu.memref_slice %arg3[%add3A_13, %dma_start3A_104] : memref<2560x128xi32, #tpu.memory_space<hbm>> -> memref<40x128xi32, #tpu.memory_space<hbm>>
      %dma_start3A_106 = arith.constant 0 : i32
      %dma_start3A_107 = tpu.memref_slice %arg3[%add3A_13, %dma_start3A_106] : memref<2560x128xi32, #tpu.memory_space<hbm>> -> memref<40x128xi32, #tpu.memory_space<hbm>>
      tpu.enqueue_dma source(%dma_start3A_107 : memref<40x128xi32, #tpu.memory_space<hbm>>) target(%arg7 : memref<40x128xi32, #tpu.memory_space<vmem>>) target_semaphore(%run_scoped3A : memref<!tpu.dma_semaphore, #tpu.memory_space<semaphore_mem>>)
      %dma_wait3A_108 = arith.constant 0 : i32
      %dma_wait3A_109 = tpu.memref_slice %arg3[%add3A_13, %dma_wait3A_108] : memref<2560x128xi32, #tpu.memory_space<hbm>> -> memref<40x128xi32, #tpu.memory_space<hbm>>
      %dma_wait3A_110 = arith.constant 0 : i32
      %dma_wait3A_111 = tpu.memref_slice %arg3[%add3A_13, %dma_wait3A_110] : memref<2560x128xi32, #tpu.memory_space<hbm>> -> memref<40x128xi32, #tpu.memory_space<hbm>>
      tpu.wait_dma2 semaphore(%run_scoped3A : memref<!tpu.dma_semaphore, #tpu.memory_space<semaphore_mem>>) src(%dma_wait3A_111 : memref<40x128xi32, #tpu.memory_space<hbm>>) dst(%arg7 : memref<40x128xi32, #tpu.memory_space<vmem>>)
      tpu.yield
    }) : () -> ()
    "tpu.region"() ({
      %run_scoped3A = tpu.sem_alloc : memref<!tpu.dma_semaphore, #tpu.memory_space<semaphore_mem>>
      %dma_start3A_104 = arith.constant 0 : i32
      %dma_start3A_105 = tpu.memref_slice %arg4[%add3A_13, %dma_start3A_104] : memref<2560x128xi32, #tpu.memory_space<hbm>> -> memref<40x128xi32, #tpu.memory_space<hbm>>
      %dma_start3A_106 = arith.constant 0 : i32
      %dma_start3A_107 = tpu.memref_slice %arg4[%add3A_13, %dma_start3A_106] : memref<2560x128xi32, #tpu.memory_space<hbm>> -> memref<40x128xi32, #tpu.memory_space<hbm>>
      tpu.enqueue_dma source(%dma_start3A_107 : memref<40x128xi32, #tpu.memory_space<hbm>>) target(%arg8 : memref<40x128xi32, #tpu.memory_space<vmem>>) target_semaphore(%run_scoped3A : memref<!tpu.dma_semaphore, #tpu.memory_space<semaphore_mem>>)
      %dma_wait3A_108 = arith.constant 0 : i32
      %dma_wait3A_109 = tpu.memref_slice %arg4[%add3A_13, %dma_wait3A_108] : memref<2560x128xi32, #tpu.memory_space<hbm>> -> memref<40x128xi32, #tpu.memory_space<hbm>>
      %dma_wait3A_110 = arith.constant 0 : i32
      %dma_wait3A_111 = tpu.memref_slice %arg4[%add3A_13, %dma_wait3A_110] : memref<2560x128xi32, #tpu.memory_space<hbm>> -> memref<40x128xi32, #tpu.memory_space<hbm>>
      tpu.wait_dma2 semaphore(%run_scoped3A : memref<!tpu.dma_semaphore, #tpu.memory_space<semaphore_mem>>) src(%dma_wait3A_111 : memref<40x128xi32, #tpu.memory_space<hbm>>) dst(%arg8 : memref<40x128xi32, #tpu.memory_space<vmem>>)
      tpu.yield
    }) : () -> ()
    %dma_start3A = arith.constant 0 : i32
    %dma_start3A_14 = arith.constant 0 : i32
    %dma_start3A_15 = arith.constant 0 : i32
    %dma_start3A_16 = arith.constant 0 : i32
    %dma_start3A_17 = tpu.memref_slice %arg9[%dma_start3A_14, %dma_start3A_15, %dma_start3A_16] : memref<2x128x128xf32, #tpu.memory_space<vmem>> -> memref<1x128x128xf32, #tpu.memory_space<vmem>>
    %dma_start3A_18 = tpu.memref_squeeze %dma_start3A_17 : memref<1x128x128xf32, #tpu.memory_space<vmem>> -> memref<128x128xf32, #tpu.memory_space<vmem>>
    %dma_start3A_19 = arith.constant 0 : i32
    %dma_start3A_20 = tpu.memref_slice %arg7[%dma_start3A, %dma_start3A_19] : memref<40x128xi32, #tpu.memory_space<vmem>> -> memref<1x128xi32, #tpu.memory_space<vmem>>
    %dma_start3A_21 = tpu.memref_squeeze %dma_start3A_20 : memref<1x128xi32, #tpu.memory_space<vmem>> -> memref<128xi32, #tpu.memory_space<vmem>>
    %dma_start3A_22 = arith.constant 0 : i32
    %dma_start3A_23 = arith.constant 0 : i32
    %dma_start3A_24 = tpu.memref_slice %arg2[%dma_start3A_22, %dma_start3A_23] : memref<10000x128xf32, #tpu.memory_space<hbm>> -> memref<10000x128xf32, #tpu.memory_space<hbm>>
    tpu.enqueue_indirect_dma source(%dma_start3A_24 : memref<10000x128xf32, #tpu.memory_space<hbm>>) target(%dma_start3A_18 : memref<128x128xf32, #tpu.memory_space<vmem>>) offsets(%dma_start3A_21 : memref<128xi32, #tpu.memory_space<vmem>>) semaphore(%arg10 : memref<!tpu.dma_semaphore, #tpu.memory_space<semaphore_mem>>)
    %scan3A_25 = arith.constant 0 : i32
    %scan3A_26 = arith.constant 20 : i32
    %scan3A_27 = arith.addi %scan3A_25, %scan3A_26 : i32
    %scan3A_28 = arith.constant 1 : i32
    scf.for %scan3A_104 = %scan3A_25 to %scan3A_27 step %scan3A_28  : i32 {
      %mul3A_105 = arith.constant 2 : i32
      %mul3A_106 = arith.muli %scan3A_104, %mul3A_105 : i32
      %add3A_107 = arith.constant 0 : i32
      %add3A_108 = arith.addi %add3A_107, %mul3A_106 : i32
      %add3A_109 = arith.constant 0 : i32
      %add3A_110 = arith.addi %add3A_108, %add3A_109 : i32
      %add3A_111 = arith.constant 1 : i32
      %add3A_112 = arith.addi %add3A_110, %add3A_111 : i32
      %lt3A = arith.constant 40 : i32
      %lt3A_113 = arith.cmpi slt, %add3A_112, %lt3A : i32
      %convert_element_type3A = arith.extui %lt3A_113 : i1 to i32
      %cond3A = arith.constant 0 : i32
      %cond3A_114 = arith.cmpi ne, %convert_element_type3A, %cond3A : i32
      scf.if %cond3A_114 {
        %ge3A = arith.constant 1 : i32
        %ge3A_168 = arith.cmpi sge, %add3A_110, %ge3A : i32
        %convert_element_type3A_169 = arith.extui %ge3A_168 : i1 to i32
        %cond3A_170 = arith.constant 0 : i32
        %cond3A_171 = arith.cmpi ne, %convert_element_type3A_169, %cond3A_170 : i32
        scf.if %cond3A_171 {
          %sub3A = arith.constant 1 : i32
          %sub3A_185 = arith.subi %add3A_110, %sub3A : i32
          %dma_wait3A_186 = arith.constant 1 : i32
          %dma_wait3A_187 = arith.constant 0 : i32
          %dma_wait3A_188 = arith.constant 0 : i32
          %dma_wait3A_189 = tpu.memref_slice %arg9[%dma_wait3A_186, %dma_wait3A_187, %dma_wait3A_188] : memref<2x128x128xf32, #tpu.memory_space<vmem>> -> memref<1x128x128xf32, #tpu.memory_space<vmem>>
          %dma_wait3A_190 = tpu.memref_squeeze %dma_wait3A_189 : memref<1x128x128xf32, #tpu.memory_space<vmem>> -> memref<128x128xf32, #tpu.memory_space<vmem>>
          %dma_wait3A_191 = arith.constant 0 : i32
          %dma_wait3A_192 = tpu.memref_slice %arg8[%sub3A_185, %dma_wait3A_191] : memref<40x128xi32, #tpu.memory_space<vmem>> -> memref<1x128xi32, #tpu.memory_space<vmem>>
          %dma_wait3A_193 = tpu.memref_squeeze %dma_wait3A_192 : memref<1x128xi32, #tpu.memory_space<vmem>> -> memref<128xi32, #tpu.memory_space<vmem>>
          %dma_wait3A_194 = arith.constant 0 : i32
          %dma_wait3A_195 = arith.constant 0 : i32
          %dma_wait3A_196 = tpu.memref_slice %arg6[%dma_wait3A_194, %dma_wait3A_195] : memref<10240x128xf32, #tpu.memory_space<vmem_shared>> -> memref<10240x128xf32, #tpu.memory_space<vmem_shared>>
          tpu.wait_indirect_dma semaphore(%arg13 : memref<!tpu.dma_semaphore, #tpu.memory_space<semaphore_mem>>) src(%dma_wait3A_190 : memref<128x128xf32, #tpu.memory_space<vmem>>) dst(%dma_wait3A_196 : memref<10240x128xf32, #tpu.memory_space<vmem_shared>>)
        } else {
        }
        %add3A_172 = arith.constant 1 : i32
        %add3A_173 = arith.addi %add3A_110, %add3A_172 : i32
        %dma_start3A_174 = arith.constant 1 : i32
        %dma_start3A_175 = arith.constant 0 : i32
        %dma_start3A_176 = arith.constant 0 : i32
        %dma_start3A_177 = tpu.memref_slice %arg9[%dma_start3A_174, %dma_start3A_175, %dma_start3A_176] : memref<2x128x128xf32, #tpu.memory_space<vmem>> -> memref<1x128x128xf32, #tpu.memory_space<vmem>>
        %dma_start3A_178 = tpu.memref_squeeze %dma_start3A_177 : memref<1x128x128xf32, #tpu.memory_space<vmem>> -> memref<128x128xf32, #tpu.memory_space<vmem>>
        %dma_start3A_179 = arith.constant 0 : i32
        %dma_start3A_180 = tpu.memref_slice %arg7[%add3A_173, %dma_start3A_179] : memref<40x128xi32, #tpu.memory_space<vmem>> -> memref<1x128xi32, #tpu.memory_space<vmem>>
        %dma_start3A_181 = tpu.memref_squeeze %dma_start3A_180 : memref<1x128xi32, #tpu.memory_space<vmem>> -> memref<128xi32, #tpu.memory_space<vmem>>
        %dma_start3A_182 = arith.constant 0 : i32
        %dma_start3A_183 = arith.constant 0 : i32
        %dma_start3A_184 = tpu.memref_slice %arg2[%dma_start3A_182, %dma_start3A_183] : memref<10000x128xf32, #tpu.memory_space<hbm>> -> memref<10000x128xf32, #tpu.memory_space<hbm>>
        tpu.enqueue_indirect_dma source(%dma_start3A_184 : memref<10000x128xf32, #tpu.memory_space<hbm>>) target(%dma_start3A_178 : memref<128x128xf32, #tpu.memory_space<vmem>>) offsets(%dma_start3A_181 : memref<128xi32, #tpu.memory_space<vmem>>) semaphore(%arg11 : memref<!tpu.dma_semaphore, #tpu.memory_space<semaphore_mem>>)
      } else {
      }
      %dma_wait3A_115 = arith.constant 0 : i32
      %dma_wait3A_116 = arith.constant 0 : i32
      %dma_wait3A_117 = arith.constant 0 : i32
      %dma_wait3A_118 = tpu.memref_slice %arg9[%dma_wait3A_115, %dma_wait3A_116, %dma_wait3A_117] : memref<2x128x128xf32, #tpu.memory_space<vmem>> -> memref<1x128x128xf32, #tpu.memory_space<vmem>>
      %dma_wait3A_119 = tpu.memref_squeeze %dma_wait3A_118 : memref<1x128x128xf32, #tpu.memory_space<vmem>> -> memref<128x128xf32, #tpu.memory_space<vmem>>
      %dma_wait3A_120 = arith.constant 0 : i32
      %dma_wait3A_121 = tpu.memref_slice %arg7[%add3A_110, %dma_wait3A_120] : memref<40x128xi32, #tpu.memory_space<vmem>> -> memref<1x128xi32, #tpu.memory_space<vmem>>
      %dma_wait3A_122 = tpu.memref_squeeze %dma_wait3A_121 : memref<1x128xi32, #tpu.memory_space<vmem>> -> memref<128xi32, #tpu.memory_space<vmem>>
      %dma_wait3A_123 = arith.constant 0 : i32
      %dma_wait3A_124 = arith.constant 0 : i32
      %dma_wait3A_125 = tpu.memref_slice %arg2[%dma_wait3A_123, %dma_wait3A_124] : memref<10000x128xf32, #tpu.memory_space<hbm>> -> memref<10000x128xf32, #tpu.memory_space<hbm>>
      tpu.wait_indirect_dma semaphore(%arg10 : memref<!tpu.dma_semaphore, #tpu.memory_space<semaphore_mem>>) src(%dma_wait3A_125 : memref<10000x128xf32, #tpu.memory_space<hbm>>) dst(%dma_wait3A_119 : memref<128x128xf32, #tpu.memory_space<vmem>>)
      %dma_start3A_126 = arith.constant 0 : i32
      %dma_start3A_127 = arith.constant 0 : i32
      %dma_start3A_128 = arith.constant 0 : i32
      %dma_start3A_129 = tpu.memref_slice %arg9[%dma_start3A_126, %dma_start3A_127, %dma_start3A_128] : memref<2x128x128xf32, #tpu.memory_space<vmem>> -> memref<1x128x128xf32, #tpu.memory_space<vmem>>
      %dma_start3A_130 = tpu.memref_squeeze %dma_start3A_129 : memref<1x128x128xf32, #tpu.memory_space<vmem>> -> memref<128x128xf32, #tpu.memory_space<vmem>>
      %dma_start3A_131 = arith.constant 0 : i32
      %dma_start3A_132 = tpu.memref_slice %arg8[%add3A_110, %dma_start3A_131] : memref<40x128xi32, #tpu.memory_space<vmem>> -> memref<1x128xi32, #tpu.memory_space<vmem>>
      %dma_start3A_133 = tpu.memref_squeeze %dma_start3A_132 : memref<1x128xi32, #tpu.memory_space<vmem>> -> memref<128xi32, #tpu.memory_space<vmem>>
      %dma_start3A_134 = arith.constant 0 : i32
      %dma_start3A_135 = arith.constant 0 : i32
      %dma_start3A_136 = tpu.memref_slice %arg6[%dma_start3A_134, %dma_start3A_135] : memref<10240x128xf32, #tpu.memory_space<vmem_shared>> -> memref<10240x128xf32, #tpu.memory_space<vmem_shared>>
      tpu.enqueue_indirect_dma source(%dma_start3A_130 : memref<128x128xf32, #tpu.memory_space<vmem>>) target(%dma_start3A_136 : memref<10240x128xf32, #tpu.memory_space<vmem_shared>>) offsets(%dma_start3A_133 : memref<128xi32, #tpu.memory_space<vmem>>) semaphore(%arg12 : memref<!tpu.dma_semaphore, #tpu.memory_space<semaphore_mem>>) {add = true}
      %add3A_137 = arith.constant 1 : i32
      %add3A_138 = arith.addi %add3A_108, %add3A_137 : i32
      %add3A_139 = arith.constant 1 : i32
      %add3A_140 = arith.addi %add3A_138, %add3A_139 : i32
      %lt3A_141 = arith.constant 40 : i32
      %lt3A_142 = arith.cmpi slt, %add3A_140, %lt3A_141 : i32
      %convert_element_type3A_143 = arith.extui %lt3A_142 : i1 to i32
      %cond3A_144 = arith.constant 0 : i32
      %cond3A_145 = arith.cmpi ne, %convert_element_type3A_143, %cond3A_144 : i32
      scf.if %cond3A_145 {
        %ge3A = arith.constant 1 : i32
        %ge3A_168 = arith.cmpi sge, %add3A_138, %ge3A : i32
        %convert_element_type3A_169 = arith.extui %ge3A_168 : i1 to i32
        %cond3A_170 = arith.constant 0 : i32
        %cond3A_171 = arith.cmpi ne, %convert_element_type3A_169, %cond3A_170 : i32
        scf.if %cond3A_171 {
          %sub3A = arith.constant 1 : i32
          %sub3A_185 = arith.subi %add3A_138, %sub3A : i32
          %dma_wait3A_186 = arith.constant 0 : i32
          %dma_wait3A_187 = arith.constant 0 : i32
          %dma_wait3A_188 = arith.constant 0 : i32
          %dma_wait3A_189 = tpu.memref_slice %arg9[%dma_wait3A_186, %dma_wait3A_187, %dma_wait3A_188] : memref<2x128x128xf32, #tpu.memory_space<vmem>> -> memref<1x128x128xf32, #tpu.memory_space<vmem>>
          %dma_wait3A_190 = tpu.memref_squeeze %dma_wait3A_189 : memref<1x128x128xf32, #tpu.memory_space<vmem>> -> memref<128x128xf32, #tpu.memory_space<vmem>>
          %dma_wait3A_191 = arith.constant 0 : i32
          %dma_wait3A_192 = tpu.memref_slice %arg8[%sub3A_185, %dma_wait3A_191] : memref<40x128xi32, #tpu.memory_space<vmem>> -> memref<1x128xi32, #tpu.memory_space<vmem>>
          %dma_wait3A_193 = tpu.memref_squeeze %dma_wait3A_192 : memref<1x128xi32, #tpu.memory_space<vmem>> -> memref<128xi32, #tpu.memory_space<vmem>>
          %dma_wait3A_194 = arith.constant 0 : i32
          %dma_wait3A_195 = arith.constant 0 : i32
          %dma_wait3A_196 = tpu.memref_slice %arg6[%dma_wait3A_194, %dma_wait3A_195] : memref<10240x128xf32, #tpu.memory_space<vmem_shared>> -> memref<10240x128xf32, #tpu.memory_space<vmem_shared>>
          tpu.wait_indirect_dma semaphore(%arg12 : memref<!tpu.dma_semaphore, #tpu.memory_space<semaphore_mem>>) src(%dma_wait3A_190 : memref<128x128xf32, #tpu.memory_space<vmem>>) dst(%dma_wait3A_196 : memref<10240x128xf32, #tpu.memory_space<vmem_shared>>)
        } else {
        }
        %add3A_172 = arith.constant 1 : i32
        %add3A_173 = arith.addi %add3A_138, %add3A_172 : i32
        %dma_start3A_174 = arith.constant 0 : i32
        %dma_start3A_175 = arith.constant 0 : i32
        %dma_start3A_176 = arith.constant 0 : i32
        %dma_start3A_177 = tpu.memref_slice %arg9[%dma_start3A_174, %dma_start3A_175, %dma_start3A_176] : memref<2x128x128xf32, #tpu.memory_space<vmem>> -> memref<1x128x128xf32, #tpu.memory_space<vmem>>
        %dma_start3A_178 = tpu.memref_squeeze %dma_start3A_177 : memref<1x128x128xf32, #tpu.memory_space<vmem>> -> memref<128x128xf32, #tpu.memory_space<vmem>>
        %dma_start3A_179 = arith.constant 0 : i32
        %dma_start3A_180 = tpu.memref_slice %arg7[%add3A_173, %dma_start3A_179] : memref<40x128xi32, #tpu.memory_space<vmem>> -> memref<1x128xi32, #tpu.memory_space<vmem>>
        %dma_start3A_181 = tpu.memref_squeeze %dma_start3A_180 : memref<1x128xi32, #tpu.memory_space<vmem>> -> memref<128xi32, #tpu.memory_space<vmem>>
        %dma_start3A_182 = arith.constant 0 : i32
        %dma_start3A_183 = arith.constant 0 : i32
        %dma_start3A_184 = tpu.memref_slice %arg2[%dma_start3A_182, %dma_start3A_183] : memref<10000x128xf32, #tpu.memory_space<hbm>> -> memref<10000x128xf32, #tpu.memory_space<hbm>>
        tpu.enqueue_indirect_dma source(%dma_start3A_184 : memref<10000x128xf32, #tpu.memory_space<hbm>>) target(%dma_start3A_178 : memref<128x128xf32, #tpu.memory_space<vmem>>) offsets(%dma_start3A_181 : memref<128xi32, #tpu.memory_space<vmem>>) semaphore(%arg10 : memref<!tpu.dma_semaphore, #tpu.memory_space<semaphore_mem>>)
      } else {
      }
      %dma_wait3A_146 = arith.constant 1 : i32
      %dma_wait3A_147 = arith.constant 0 : i32
      %dma_wait3A_148 = arith.constant 0 : i32
      %dma_wait3A_149 = tpu.memref_slice %arg9[%dma_wait3A_146, %dma_wait3A_147, %dma_wait3A_148] : memref<2x128x128xf32, #tpu.memory_space<vmem>> -> memref<1x128x128xf32, #tpu.memory_space<vmem>>
      %dma_wait3A_150 = tpu.memref_squeeze %dma_wait3A_149 : memref<1x128x128xf32, #tpu.memory_space<vmem>> -> memref<128x128xf32, #tpu.memory_space<vmem>>
      %dma_wait3A_151 = arith.constant 0 : i32
      %dma_wait3A_152 = tpu.memref_slice %arg7[%add3A_138, %dma_wait3A_151] : memref<40x128xi32, #tpu.memory_space<vmem>> -> memref<1x128xi32, #tpu.memory_space<vmem>>
      %dma_wait3A_153 = tpu.memref_squeeze %dma_wait3A_152 : memref<1x128xi32, #tpu.memory_space<vmem>> -> memref<128xi32, #tpu.memory_space<vmem>>
      %dma_wait3A_154 = arith.constant 0 : i32
      %dma_wait3A_155 = arith.constant 0 : i32
      %dma_wait3A_156 = tpu.memref_slice %arg2[%dma_wait3A_154, %dma_wait3A_155] : memref<10000x128xf32, #tpu.memory_space<hbm>> -> memref<10000x128xf32, #tpu.memory_space<hbm>>
      tpu.wait_indirect_dma semaphore(%arg11 : memref<!tpu.dma_semaphore, #tpu.memory_space<semaphore_mem>>) src(%dma_wait3A_156 : memref<10000x128xf32, #tpu.memory_space<hbm>>) dst(%dma_wait3A_150 : memref<128x128xf32, #tpu.memory_space<vmem>>)
      %dma_start3A_157 = arith.constant 1 : i32
      %dma_start3A_158 = arith.constant 0 : i32
      %dma_start3A_159 = arith.constant 0 : i32
      %dma_start3A_160 = tpu.memref_slice %arg9[%dma_start3A_157, %dma_start3A_158, %dma_start3A_159] : memref<2x128x128xf32, #tpu.memory_space<vmem>> -> memref<1x128x128xf32, #tpu.memory_space<vmem>>
      %dma_start3A_161 = tpu.memref_squeeze %dma_start3A_160 : memref<1x128x128xf32, #tpu.memory_space<vmem>> -> memref<128x128xf32, #tpu.memory_space<vmem>>
      %dma_start3A_162 = arith.constant 0 : i32
      %dma_start3A_163 = tpu.memref_slice %arg8[%add3A_138, %dma_start3A_162] : memref<40x128xi32, #tpu.memory_space<vmem>> -> memref<1x128xi32, #tpu.memory_space<vmem>>
      %dma_start3A_164 = tpu.memref_squeeze %dma_start3A_163 : memref<1x128xi32, #tpu.memory_space<vmem>> -> memref<128xi32, #tpu.memory_space<vmem>>
      %dma_start3A_165 = arith.constant 0 : i32
      %dma_start3A_166 = arith.constant 0 : i32
      %dma_start3A_167 = tpu.memref_slice %arg6[%dma_start3A_165, %dma_start3A_166] : memref<10240x128xf32, #tpu.memory_space<vmem_shared>> -> memref<10240x128xf32, #tpu.memory_space<vmem_shared>>
      tpu.enqueue_indirect_dma source(%dma_start3A_161 : memref<128x128xf32, #tpu.memory_space<vmem>>) target(%dma_start3A_167 : memref<10240x128xf32, #tpu.memory_space<vmem_shared>>) offsets(%dma_start3A_164 : memref<128xi32, #tpu.memory_space<vmem>>) semaphore(%arg13 : memref<!tpu.dma_semaphore, #tpu.memory_space<semaphore_mem>>) {add = true}
    }
    %scan3A_29 = arith.constant 20 : i32
    %dma_wait3A = arith.constant 0 : i32
    %dma_wait3A_30 = arith.constant 38 : i32
    %dma_wait3A_31 = arith.constant 0 : i32
    %dma_wait3A_32 = arith.constant 0 : i32
    %dma_wait3A_33 = tpu.memref_slice %arg9[%dma_wait3A, %dma_wait3A_31, %dma_wait3A_32] : memref<2x128x128xf32, #tpu.memory_space<vmem>> -> memref<1x128x128xf32, #tpu.memory_space<vmem>>
    %dma_wait3A_34 = tpu.memref_squeeze %dma_wait3A_33 : memref<1x128x128xf32, #tpu.memory_space<vmem>> -> memref<128x128xf32, #tpu.memory_space<vmem>>
    %dma_wait3A_35 = arith.constant 0 : i32
    %dma_wait3A_36 = tpu.memref_slice %arg8[%dma_wait3A_30, %dma_wait3A_35] : memref<40x128xi32, #tpu.memory_space<vmem>> -> memref<1x128xi32, #tpu.memory_space<vmem>>
    %dma_wait3A_37 = tpu.memref_squeeze %dma_wait3A_36 : memref<1x128xi32, #tpu.memory_space<vmem>> -> memref<128xi32, #tpu.memory_space<vmem>>
    %dma_wait3A_38 = arith.constant 0 : i32
    %dma_wait3A_39 = arith.constant 0 : i32
    %dma_wait3A_40 = tpu.memref_slice %arg6[%dma_wait3A_38, %dma_wait3A_39] : memref<10240x128xf32, #tpu.memory_space<vmem_shared>> -> memref<10240x128xf32, #tpu.memory_space<vmem_shared>>
    tpu.wait_indirect_dma semaphore(%arg12 : memref<!tpu.dma_semaphore, #tpu.memory_space<semaphore_mem>>) src(%dma_wait3A_34 : memref<128x128xf32, #tpu.memory_space<vmem>>) dst(%dma_wait3A_40 : memref<10240x128xf32, #tpu.memory_space<vmem_shared>>)
    %dma_wait3A_41 = arith.constant 1 : i32
    %dma_wait3A_42 = arith.constant 39 : i32
    %dma_wait3A_43 = arith.constant 0 : i32
    %dma_wait3A_44 = arith.constant 0 : i32
    %dma_wait3A_45 = tpu.memref_slice %arg9[%dma_wait3A_41, %dma_wait3A_43, %dma_wait3A_44] : memref<2x128x128xf32, #tpu.memory_space<vmem>> -> memref<1x128x128xf32, #tpu.memory_space<vmem>>
    %dma_wait3A_46 = tpu.memref_squeeze %dma_wait3A_45 : memref<1x128x128xf32, #tpu.memory_space<vmem>> -> memref<128x128xf32, #tpu.memory_space<vmem>>
    %dma_wait3A_47 = arith.constant 0 : i32
    %dma_wait3A_48 = tpu.memref_slice %arg8[%dma_wait3A_42, %dma_wait3A_47] : memref<40x128xi32, #tpu.memory_space<vmem>> -> memref<1x128xi32, #tpu.memory_space<vmem>>
    %dma_wait3A_49 = tpu.memref_squeeze %dma_wait3A_48 : memref<1x128xi32, #tpu.memory_space<vmem>> -> memref<128xi32, #tpu.memory_space<vmem>>
    %dma_wait3A_50 = arith.constant 0 : i32
    %dma_wait3A_51 = arith.constant 0 : i32
    %dma_wait3A_52 = tpu.memref_slice %arg6[%dma_wait3A_50, %dma_wait3A_51] : memref<10240x128xf32, #tpu.memory_space<vmem_shared>> -> memref<10240x128xf32, #tpu.memory_space<vmem_shared>>
    tpu.wait_indirect_dma semaphore(%arg13 : memref<!tpu.dma_semaphore, #tpu.memory_space<semaphore_mem>>) src(%dma_wait3A_46 : memref<128x128xf32, #tpu.memory_space<vmem>>) dst(%dma_wait3A_52 : memref<10240x128xf32, #tpu.memory_space<vmem_shared>>)
    %mul3A_53 = arith.constant 80 : i32
    %mul3A_54 = arith.muli %add3A, %mul3A_53 : i32
    %add3A_55 = arith.constant 40 : i32
    %add3A_56 = arith.addi %mul3A_54, %add3A_55 : i32
    "tpu.region"() ({
      %run_scoped3A = tpu.sem_alloc : memref<!tpu.dma_semaphore, #tpu.memory_space<semaphore_mem>>
      %dma_start3A_104 = arith.constant 0 : i32
      %dma_start3A_105 = tpu.memref_slice %arg3[%add3A_56, %dma_start3A_104] : memref<2560x128xi32, #tpu.memory_space<hbm>> -> memref<40x128xi32, #tpu.memory_space<hbm>>
      %dma_start3A_106 = arith.constant 0 : i32
      %dma_start3A_107 = tpu.memref_slice %arg3[%add3A_56, %dma_start3A_106] : memref<2560x128xi32, #tpu.memory_space<hbm>> -> memref<40x128xi32, #tpu.memory_space<hbm>>
      tpu.enqueue_dma source(%dma_start3A_107 : memref<40x128xi32, #tpu.memory_space<hbm>>) target(%arg7 : memref<40x128xi32, #tpu.memory_space<vmem>>) target_semaphore(%run_scoped3A : memref<!tpu.dma_semaphore, #tpu.memory_space<semaphore_mem>>)
      %dma_wait3A_108 = arith.constant 0 : i32
      %dma_wait3A_109 = tpu.memref_slice %arg3[%add3A_56, %dma_wait3A_108] : memref<2560x128xi32, #tpu.memory_space<hbm>> -> memref<40x128xi32, #tpu.memory_space<hbm>>
      %dma_wait3A_110 = arith.constant 0 : i32
      %dma_wait3A_111 = tpu.memref_slice %arg3[%add3A_56, %dma_wait3A_110] : memref<2560x128xi32, #tpu.memory_space<hbm>> -> memref<40x128xi32, #tpu.memory_space<hbm>>
      tpu.wait_dma2 semaphore(%run_scoped3A : memref<!tpu.dma_semaphore, #tpu.memory_space<semaphore_mem>>) src(%dma_wait3A_111 : memref<40x128xi32, #tpu.memory_space<hbm>>) dst(%arg7 : memref<40x128xi32, #tpu.memory_space<vmem>>)
      tpu.yield
    }) : () -> ()
    "tpu.region"() ({
      %run_scoped3A = tpu.sem_alloc : memref<!tpu.dma_semaphore, #tpu.memory_space<semaphore_mem>>
      %dma_start3A_104 = arith.constant 0 : i32
      %dma_start3A_105 = tpu.memref_slice %arg4[%add3A_56, %dma_start3A_104] : memref<2560x128xi32, #tpu.memory_space<hbm>> -> memref<40x128xi32, #tpu.memory_space<hbm>>
      %dma_start3A_106 = arith.constant 0 : i32
      %dma_start3A_107 = tpu.memref_slice %arg4[%add3A_56, %dma_start3A_106] : memref<2560x128xi32, #tpu.memory_space<hbm>> -> memref<40x128xi32, #tpu.memory_space<hbm>>
      tpu.enqueue_dma source(%dma_start3A_107 : memref<40x128xi32, #tpu.memory_space<hbm>>) target(%arg8 : memref<40x128xi32, #tpu.memory_space<vmem>>) target_semaphore(%run_scoped3A : memref<!tpu.dma_semaphore, #tpu.memory_space<semaphore_mem>>)
      %dma_wait3A_108 = arith.constant 0 : i32
      %dma_wait3A_109 = tpu.memref_slice %arg4[%add3A_56, %dma_wait3A_108] : memref<2560x128xi32, #tpu.memory_space<hbm>> -> memref<40x128xi32, #tpu.memory_space<hbm>>
      %dma_wait3A_110 = arith.constant 0 : i32
      %dma_wait3A_111 = tpu.memref_slice %arg4[%add3A_56, %dma_wait3A_110] : memref<2560x128xi32, #tpu.memory_space<hbm>> -> memref<40x128xi32, #tpu.memory_space<hbm>>
      tpu.wait_dma2 semaphore(%run_scoped3A : memref<!tpu.dma_semaphore, #tpu.memory_space<semaphore_mem>>) src(%dma_wait3A_111 : memref<40x128xi32, #tpu.memory_space<hbm>>) dst(%arg8 : memref<40x128xi32, #tpu.memory_space<vmem>>)
      tpu.yield
    }) : () -> ()
    %dma_start3A_57 = arith.constant 0 : i32
    %dma_start3A_58 = arith.constant 0 : i32
    %dma_start3A_59 = arith.constant 0 : i32
    %dma_start3A_60 = arith.constant 0 : i32
    %dma_start3A_61 = tpu.memref_slice %arg9[%dma_start3A_58, %dma_start3A_59, %dma_start3A_60] : memref<2x128x128xf32, #tpu.memory_space<vmem>> -> memref<1x128x128xf32, #tpu.memory_space<vmem>>
    %dma_start3A_62 = tpu.memref_squeeze %dma_start3A_61 : memref<1x128x128xf32, #tpu.memory_space<vmem>> -> memref<128x128xf32, #tpu.memory_space<vmem>>
    %dma_start3A_63 = arith.constant 0 : i32
    %dma_start3A_64 = tpu.memref_slice %arg7[%dma_start3A_57, %dma_start3A_63] : memref<40x128xi32, #tpu.memory_space<vmem>> -> memref<1x128xi32, #tpu.memory_space<vmem>>
    %dma_start3A_65 = tpu.memref_squeeze %dma_start3A_64 : memref<1x128xi32, #tpu.memory_space<vmem>> -> memref<128xi32, #tpu.memory_space<vmem>>
    %dma_start3A_66 = arith.constant 0 : i32
    %dma_start3A_67 = arith.constant 0 : i32
    %dma_start3A_68 = tpu.memref_slice %arg2[%dma_start3A_66, %dma_start3A_67] : memref<10000x128xf32, #tpu.memory_space<hbm>> -> memref<10000x128xf32, #tpu.memory_space<hbm>>
    tpu.enqueue_indirect_dma source(%dma_start3A_68 : memref<10000x128xf32, #tpu.memory_space<hbm>>) target(%dma_start3A_62 : memref<128x128xf32, #tpu.memory_space<vmem>>) offsets(%dma_start3A_65 : memref<128xi32, #tpu.memory_space<vmem>>) semaphore(%arg10 : memref<!tpu.dma_semaphore, #tpu.memory_space<semaphore_mem>>)
    %scan3A_69 = arith.constant 0 : i32
    %scan3A_70 = arith.constant 20 : i32
    %scan3A_71 = arith.addi %scan3A_69, %scan3A_70 : i32
    %scan3A_72 = arith.constant 1 : i32
    scf.for %scan3A_104 = %scan3A_69 to %scan3A_71 step %scan3A_72  : i32 {
      %mul3A_105 = arith.constant 2 : i32
      %mul3A_106 = arith.muli %scan3A_104, %mul3A_105 : i32
      %add3A_107 = arith.constant 0 : i32
      %add3A_108 = arith.addi %add3A_107, %mul3A_106 : i32
      %add3A_109 = arith.constant 0 : i32
      %add3A_110 = arith.addi %add3A_108, %add3A_109 : i32
      %add3A_111 = arith.constant 1 : i32
      %add3A_112 = arith.addi %add3A_110, %add3A_111 : i32
      %lt3A = arith.constant 40 : i32
      %lt3A_113 = arith.cmpi slt, %add3A_112, %lt3A : i32
      %convert_element_type3A = arith.extui %lt3A_113 : i1 to i32
      %cond3A = arith.constant 0 : i32
      %cond3A_114 = arith.cmpi ne, %convert_element_type3A, %cond3A : i32
      scf.if %cond3A_114 {
        %ge3A = arith.constant 1 : i32
        %ge3A_168 = arith.cmpi sge, %add3A_110, %ge3A : i32
        %convert_element_type3A_169 = arith.extui %ge3A_168 : i1 to i32
        %cond3A_170 = arith.constant 0 : i32
        %cond3A_171 = arith.cmpi ne, %convert_element_type3A_169, %cond3A_170 : i32
        scf.if %cond3A_171 {
          %sub3A = arith.constant 1 : i32
          %sub3A_185 = arith.subi %add3A_110, %sub3A : i32
          %dma_wait3A_186 = arith.constant 1 : i32
          %dma_wait3A_187 = arith.constant 0 : i32
          %dma_wait3A_188 = arith.constant 0 : i32
          %dma_wait3A_189 = tpu.memref_slice %arg9[%dma_wait3A_186, %dma_wait3A_187, %dma_wait3A_188] : memref<2x128x128xf32, #tpu.memory_space<vmem>> -> memref<1x128x128xf32, #tpu.memory_space<vmem>>
          %dma_wait3A_190 = tpu.memref_squeeze %dma_wait3A_189 : memref<1x128x128xf32, #tpu.memory_space<vmem>> -> memref<128x128xf32, #tpu.memory_space<vmem>>
          %dma_wait3A_191 = arith.constant 0 : i32
          %dma_wait3A_192 = tpu.memref_slice %arg8[%sub3A_185, %dma_wait3A_191] : memref<40x128xi32, #tpu.memory_space<vmem>> -> memref<1x128xi32, #tpu.memory_space<vmem>>
          %dma_wait3A_193 = tpu.memref_squeeze %dma_wait3A_192 : memref<1x128xi32, #tpu.memory_space<vmem>> -> memref<128xi32, #tpu.memory_space<vmem>>
          %dma_wait3A_194 = arith.constant 0 : i32
          %dma_wait3A_195 = arith.constant 0 : i32
          %dma_wait3A_196 = tpu.memref_slice %arg6[%dma_wait3A_194, %dma_wait3A_195] : memref<10240x128xf32, #tpu.memory_space<vmem_shared>> -> memref<10240x128xf32, #tpu.memory_space<vmem_shared>>
          tpu.wait_indirect_dma semaphore(%arg13 : memref<!tpu.dma_semaphore, #tpu.memory_space<semaphore_mem>>) src(%dma_wait3A_190 : memref<128x128xf32, #tpu.memory_space<vmem>>) dst(%dma_wait3A_196 : memref<10240x128xf32, #tpu.memory_space<vmem_shared>>)
        } else {
        }
        %add3A_172 = arith.constant 1 : i32
        %add3A_173 = arith.addi %add3A_110, %add3A_172 : i32
        %dma_start3A_174 = arith.constant 1 : i32
        %dma_start3A_175 = arith.constant 0 : i32
        %dma_start3A_176 = arith.constant 0 : i32
        %dma_start3A_177 = tpu.memref_slice %arg9[%dma_start3A_174, %dma_start3A_175, %dma_start3A_176] : memref<2x128x128xf32, #tpu.memory_space<vmem>> -> memref<1x128x128xf32, #tpu.memory_space<vmem>>
        %dma_start3A_178 = tpu.memref_squeeze %dma_start3A_177 : memref<1x128x128xf32, #tpu.memory_space<vmem>> -> memref<128x128xf32, #tpu.memory_space<vmem>>
        %dma_start3A_179 = arith.constant 0 : i32
        %dma_start3A_180 = tpu.memref_slice %arg7[%add3A_173, %dma_start3A_179] : memref<40x128xi32, #tpu.memory_space<vmem>> -> memref<1x128xi32, #tpu.memory_space<vmem>>
        %dma_start3A_181 = tpu.memref_squeeze %dma_start3A_180 : memref<1x128xi32, #tpu.memory_space<vmem>> -> memref<128xi32, #tpu.memory_space<vmem>>
        %dma_start3A_182 = arith.constant 0 : i32
        %dma_start3A_183 = arith.constant 0 : i32
        %dma_start3A_184 = tpu.memref_slice %arg2[%dma_start3A_182, %dma_start3A_183] : memref<10000x128xf32, #tpu.memory_space<hbm>> -> memref<10000x128xf32, #tpu.memory_space<hbm>>
        tpu.enqueue_indirect_dma source(%dma_start3A_184 : memref<10000x128xf32, #tpu.memory_space<hbm>>) target(%dma_start3A_178 : memref<128x128xf32, #tpu.memory_space<vmem>>) offsets(%dma_start3A_181 : memref<128xi32, #tpu.memory_space<vmem>>) semaphore(%arg11 : memref<!tpu.dma_semaphore, #tpu.memory_space<semaphore_mem>>)
      } else {
      }
      %dma_wait3A_115 = arith.constant 0 : i32
      %dma_wait3A_116 = arith.constant 0 : i32
      %dma_wait3A_117 = arith.constant 0 : i32
      %dma_wait3A_118 = tpu.memref_slice %arg9[%dma_wait3A_115, %dma_wait3A_116, %dma_wait3A_117] : memref<2x128x128xf32, #tpu.memory_space<vmem>> -> memref<1x128x128xf32, #tpu.memory_space<vmem>>
      %dma_wait3A_119 = tpu.memref_squeeze %dma_wait3A_118 : memref<1x128x128xf32, #tpu.memory_space<vmem>> -> memref<128x128xf32, #tpu.memory_space<vmem>>
      %dma_wait3A_120 = arith.constant 0 : i32
      %dma_wait3A_121 = tpu.memref_slice %arg7[%add3A_110, %dma_wait3A_120] : memref<40x128xi32, #tpu.memory_space<vmem>> -> memref<1x128xi32, #tpu.memory_space<vmem>>
      %dma_wait3A_122 = tpu.memref_squeeze %dma_wait3A_121 : memref<1x128xi32, #tpu.memory_space<vmem>> -> memref<128xi32, #tpu.memory_space<vmem>>
      %dma_wait3A_123 = arith.constant 0 : i32
      %dma_wait3A_124 = arith.constant 0 : i32
      %dma_wait3A_125 = tpu.memref_slice %arg2[%dma_wait3A_123, %dma_wait3A_124] : memref<10000x128xf32, #tpu.memory_space<hbm>> -> memref<10000x128xf32, #tpu.memory_space<hbm>>
      tpu.wait_indirect_dma semaphore(%arg10 : memref<!tpu.dma_semaphore, #tpu.memory_space<semaphore_mem>>) src(%dma_wait3A_125 : memref<10000x128xf32, #tpu.memory_space<hbm>>) dst(%dma_wait3A_119 : memref<128x128xf32, #tpu.memory_space<vmem>>)
      %dma_start3A_126 = arith.constant 0 : i32
      %dma_start3A_127 = arith.constant 0 : i32
      %dma_start3A_128 = arith.constant 0 : i32
      %dma_start3A_129 = tpu.memref_slice %arg9[%dma_start3A_126, %dma_start3A_127, %dma_start3A_128] : memref<2x128x128xf32, #tpu.memory_space<vmem>> -> memref<1x128x128xf32, #tpu.memory_space<vmem>>
      %dma_start3A_130 = tpu.memref_squeeze %dma_start3A_129 : memref<1x128x128xf32, #tpu.memory_space<vmem>> -> memref<128x128xf32, #tpu.memory_space<vmem>>
      %dma_start3A_131 = arith.constant 0 : i32
      %dma_start3A_132 = tpu.memref_slice %arg8[%add3A_110, %dma_start3A_131] : memref<40x128xi32, #tpu.memory_space<vmem>> -> memref<1x128xi32, #tpu.memory_space<vmem>>
      %dma_start3A_133 = tpu.memref_squeeze %dma_start3A_132 : memref<1x128xi32, #tpu.memory_space<vmem>> -> memref<128xi32, #tpu.memory_space<vmem>>
      %dma_start3A_134 = arith.constant 0 : i32
      %dma_start3A_135 = arith.constant 0 : i32
      %dma_start3A_136 = tpu.memref_slice %arg6[%dma_start3A_134, %dma_start3A_135] : memref<10240x128xf32, #tpu.memory_space<vmem_shared>> -> memref<10240x128xf32, #tpu.memory_space<vmem_shared>>
      tpu.enqueue_indirect_dma source(%dma_start3A_130 : memref<128x128xf32, #tpu.memory_space<vmem>>) target(%dma_start3A_136 : memref<10240x128xf32, #tpu.memory_space<vmem_shared>>) offsets(%dma_start3A_133 : memref<128xi32, #tpu.memory_space<vmem>>) semaphore(%arg12 : memref<!tpu.dma_semaphore, #tpu.memory_space<semaphore_mem>>) {add = true}
      %add3A_137 = arith.constant 1 : i32
      %add3A_138 = arith.addi %add3A_108, %add3A_137 : i32
      %add3A_139 = arith.constant 1 : i32
      %add3A_140 = arith.addi %add3A_138, %add3A_139 : i32
      %lt3A_141 = arith.constant 40 : i32
      %lt3A_142 = arith.cmpi slt, %add3A_140, %lt3A_141 : i32
      %convert_element_type3A_143 = arith.extui %lt3A_142 : i1 to i32
      %cond3A_144 = arith.constant 0 : i32
      %cond3A_145 = arith.cmpi ne, %convert_element_type3A_143, %cond3A_144 : i32
      scf.if %cond3A_145 {
        %ge3A = arith.constant 1 : i32
        %ge3A_168 = arith.cmpi sge, %add3A_138, %ge3A : i32
        %convert_element_type3A_169 = arith.extui %ge3A_168 : i1 to i32
        %cond3A_170 = arith.constant 0 : i32
        %cond3A_171 = arith.cmpi ne, %convert_element_type3A_169, %cond3A_170 : i32
        scf.if %cond3A_171 {
          %sub3A = arith.constant 1 : i32
          %sub3A_185 = arith.subi %add3A_138, %sub3A : i32
          %dma_wait3A_186 = arith.constant 0 : i32
          %dma_wait3A_187 = arith.constant 0 : i32
          %dma_wait3A_188 = arith.constant 0 : i32
          %dma_wait3A_189 = tpu.memref_slice %arg9[%dma_wait3A_186, %dma_wait3A_187, %dma_wait3A_188] : memref<2x128x128xf32, #tpu.memory_space<vmem>> -> memref<1x128x128xf32, #tpu.memory_space<vmem>>
          %dma_wait3A_190 = tpu.memref_squeeze %dma_wait3A_189 : memref<1x128x128xf32, #tpu.memory_space<vmem>> -> memref<128x128xf32, #tpu.memory_space<vmem>>
          %dma_wait3A_191 = arith.constant 0 : i32
          %dma_wait3A_192 = tpu.memref_slice %arg8[%sub3A_185, %dma_wait3A_191] : memref<40x128xi32, #tpu.memory_space<vmem>> -> memref<1x128xi32, #tpu.memory_space<vmem>>
          %dma_wait3A_193 = tpu.memref_squeeze %dma_wait3A_192 : memref<1x128xi32, #tpu.memory_space<vmem>> -> memref<128xi32, #tpu.memory_space<vmem>>
          %dma_wait3A_194 = arith.constant 0 : i32
          %dma_wait3A_195 = arith.constant 0 : i32
          %dma_wait3A_196 = tpu.memref_slice %arg6[%dma_wait3A_194, %dma_wait3A_195] : memref<10240x128xf32, #tpu.memory_space<vmem_shared>> -> memref<10240x128xf32, #tpu.memory_space<vmem_shared>>
          tpu.wait_indirect_dma semaphore(%arg12 : memref<!tpu.dma_semaphore, #tpu.memory_space<semaphore_mem>>) src(%dma_wait3A_190 : memref<128x128xf32, #tpu.memory_space<vmem>>) dst(%dma_wait3A_196 : memref<10240x128xf32, #tpu.memory_space<vmem_shared>>)
        } else {
        }
        %add3A_172 = arith.constant 1 : i32
        %add3A_173 = arith.addi %add3A_138, %add3A_172 : i32
        %dma_start3A_174 = arith.constant 0 : i32
        %dma_start3A_175 = arith.constant 0 : i32
        %dma_start3A_176 = arith.constant 0 : i32
        %dma_start3A_177 = tpu.memref_slice %arg9[%dma_start3A_174, %dma_start3A_175, %dma_start3A_176] : memref<2x128x128xf32, #tpu.memory_space<vmem>> -> memref<1x128x128xf32, #tpu.memory_space<vmem>>
        %dma_start3A_178 = tpu.memref_squeeze %dma_start3A_177 : memref<1x128x128xf32, #tpu.memory_space<vmem>> -> memref<128x128xf32, #tpu.memory_space<vmem>>
        %dma_start3A_179 = arith.constant 0 : i32
        %dma_start3A_180 = tpu.memref_slice %arg7[%add3A_173, %dma_start3A_179] : memref<40x128xi32, #tpu.memory_space<vmem>> -> memref<1x128xi32, #tpu.memory_space<vmem>>
        %dma_start3A_181 = tpu.memref_squeeze %dma_start3A_180 : memref<1x128xi32, #tpu.memory_space<vmem>> -> memref<128xi32, #tpu.memory_space<vmem>>
        %dma_start3A_182 = arith.constant 0 : i32
        %dma_start3A_183 = arith.constant 0 : i32
        %dma_start3A_184 = tpu.memref_slice %arg2[%dma_start3A_182, %dma_start3A_183] : memref<10000x128xf32, #tpu.memory_space<hbm>> -> memref<10000x128xf32, #tpu.memory_space<hbm>>
        tpu.enqueue_indirect_dma source(%dma_start3A_184 : memref<10000x128xf32, #tpu.memory_space<hbm>>) target(%dma_start3A_178 : memref<128x128xf32, #tpu.memory_space<vmem>>) offsets(%dma_start3A_181 : memref<128xi32, #tpu.memory_space<vmem>>) semaphore(%arg10 : memref<!tpu.dma_semaphore, #tpu.memory_space<semaphore_mem>>)
      } else {
      }
      %dma_wait3A_146 = arith.constant 1 : i32
      %dma_wait3A_147 = arith.constant 0 : i32
      %dma_wait3A_148 = arith.constant 0 : i32
      %dma_wait3A_149 = tpu.memref_slice %arg9[%dma_wait3A_146, %dma_wait3A_147, %dma_wait3A_148] : memref<2x128x128xf32, #tpu.memory_space<vmem>> -> memref<1x128x128xf32, #tpu.memory_space<vmem>>
      %dma_wait3A_150 = tpu.memref_squeeze %dma_wait3A_149 : memref<1x128x128xf32, #tpu.memory_space<vmem>> -> memref<128x128xf32, #tpu.memory_space<vmem>>
      %dma_wait3A_151 = arith.constant 0 : i32
      %dma_wait3A_152 = tpu.memref_slice %arg7[%add3A_138, %dma_wait3A_151] : memref<40x128xi32, #tpu.memory_space<vmem>> -> memref<1x128xi32, #tpu.memory_space<vmem>>
      %dma_wait3A_153 = tpu.memref_squeeze %dma_wait3A_152 : memref<1x128xi32, #tpu.memory_space<vmem>> -> memref<128xi32, #tpu.memory_space<vmem>>
      %dma_wait3A_154 = arith.constant 0 : i32
      %dma_wait3A_155 = arith.constant 0 : i32
      %dma_wait3A_156 = tpu.memref_slice %arg2[%dma_wait3A_154, %dma_wait3A_155] : memref<10000x128xf32, #tpu.memory_space<hbm>> -> memref<10000x128xf32, #tpu.memory_space<hbm>>
      tpu.wait_indirect_dma semaphore(%arg11 : memref<!tpu.dma_semaphore, #tpu.memory_space<semaphore_mem>>) src(%dma_wait3A_156 : memref<10000x128xf32, #tpu.memory_space<hbm>>) dst(%dma_wait3A_150 : memref<128x128xf32, #tpu.memory_space<vmem>>)
      %dma_start3A_157 = arith.constant 1 : i32
      %dma_start3A_158 = arith.constant 0 : i32
      %dma_start3A_159 = arith.constant 0 : i32
      %dma_start3A_160 = tpu.memref_slice %arg9[%dma_start3A_157, %dma_start3A_158, %dma_start3A_159] : memref<2x128x128xf32, #tpu.memory_space<vmem>> -> memref<1x128x128xf32, #tpu.memory_space<vmem>>
      %dma_start3A_161 = tpu.memref_squeeze %dma_start3A_160 : memref<1x128x128xf32, #tpu.memory_space<vmem>> -> memref<128x128xf32, #tpu.memory_space<vmem>>
      %dma_start3A_162 = arith.constant 0 : i32
      %dma_start3A_163 = tpu.memref_slice %arg8[%add3A_138, %dma_start3A_162] : memref<40x128xi32, #tpu.memory_space<vmem>> -> memref<1x128xi32, #tpu.memory_space<vmem>>
      %dma_start3A_164 = tpu.memref_squeeze %dma_start3A_163 : memref<1x128xi32, #tpu.memory_space<vmem>> -> memref<128xi32, #tpu.memory_space<vmem>>
      %dma_start3A_165 = arith.constant 0 : i32
      %dma_start3A_166 = arith.constant 0 : i32
      %dma_start3A_167 = tpu.memref_slice %arg6[%dma_start3A_165, %dma_start3A_166] : memref<10240x128xf32, #tpu.memory_space<vmem_shared>> -> memref<10240x128xf32, #tpu.memory_space<vmem_shared>>
      tpu.enqueue_indirect_dma source(%dma_start3A_161 : memref<128x128xf32, #tpu.memory_space<vmem>>) target(%dma_start3A_167 : memref<10240x128xf32, #tpu.memory_space<vmem_shared>>) offsets(%dma_start3A_164 : memref<128xi32, #tpu.memory_space<vmem>>) semaphore(%arg13 : memref<!tpu.dma_semaphore, #tpu.memory_space<semaphore_mem>>) {add = true}
    }
    %scan3A_73 = arith.constant 20 : i32
    %dma_wait3A_74 = arith.constant 0 : i32
    %dma_wait3A_75 = arith.constant 38 : i32
    %dma_wait3A_76 = arith.constant 0 : i32
    %dma_wait3A_77 = arith.constant 0 : i32
    %dma_wait3A_78 = tpu.memref_slice %arg9[%dma_wait3A_74, %dma_wait3A_76, %dma_wait3A_77] : memref<2x128x128xf32, #tpu.memory_space<vmem>> -> memref<1x128x128xf32, #tpu.memory_space<vmem>>
    %dma_wait3A_79 = tpu.memref_squeeze %dma_wait3A_78 : memref<1x128x128xf32, #tpu.memory_space<vmem>> -> memref<128x128xf32, #tpu.memory_space<vmem>>
    %dma_wait3A_80 = arith.constant 0 : i32
    %dma_wait3A_81 = tpu.memref_slice %arg8[%dma_wait3A_75, %dma_wait3A_80] : memref<40x128xi32, #tpu.memory_space<vmem>> -> memref<1x128xi32, #tpu.memory_space<vmem>>
    %dma_wait3A_82 = tpu.memref_squeeze %dma_wait3A_81 : memref<1x128xi32, #tpu.memory_space<vmem>> -> memref<128xi32, #tpu.memory_space<vmem>>
    %dma_wait3A_83 = arith.constant 0 : i32
    %dma_wait3A_84 = arith.constant 0 : i32
    %dma_wait3A_85 = tpu.memref_slice %arg6[%dma_wait3A_83, %dma_wait3A_84] : memref<10240x128xf32, #tpu.memory_space<vmem_shared>> -> memref<10240x128xf32, #tpu.memory_space<vmem_shared>>
    tpu.wait_indirect_dma semaphore(%arg12 : memref<!tpu.dma_semaphore, #tpu.memory_space<semaphore_mem>>) src(%dma_wait3A_79 : memref<128x128xf32, #tpu.memory_space<vmem>>) dst(%dma_wait3A_85 : memref<10240x128xf32, #tpu.memory_space<vmem_shared>>)
    %dma_wait3A_86 = arith.constant 1 : i32
    %dma_wait3A_87 = arith.constant 39 : i32
    %dma_wait3A_88 = arith.constant 0 : i32
    %dma_wait3A_89 = arith.constant 0 : i32
    %dma_wait3A_90 = tpu.memref_slice %arg9[%dma_wait3A_86, %dma_wait3A_88, %dma_wait3A_89] : memref<2x128x128xf32, #tpu.memory_space<vmem>> -> memref<1x128x128xf32, #tpu.memory_space<vmem>>
    %dma_wait3A_91 = tpu.memref_squeeze %dma_wait3A_90 : memref<1x128x128xf32, #tpu.memory_space<vmem>> -> memref<128x128xf32, #tpu.memory_space<vmem>>
    %dma_wait3A_92 = arith.constant 0 : i32
    %dma_wait3A_93 = tpu.memref_slice %arg8[%dma_wait3A_87, %dma_wait3A_92] : memref<40x128xi32, #tpu.memory_space<vmem>> -> memref<1x128xi32, #tpu.memory_space<vmem>>
    %dma_wait3A_94 = tpu.memref_squeeze %dma_wait3A_93 : memref<1x128xi32, #tpu.memory_space<vmem>> -> memref<128xi32, #tpu.memory_space<vmem>>
    %dma_wait3A_95 = arith.constant 0 : i32
    %dma_wait3A_96 = arith.constant 0 : i32
    %dma_wait3A_97 = tpu.memref_slice %arg6[%dma_wait3A_95, %dma_wait3A_96] : memref<10240x128xf32, #tpu.memory_space<vmem_shared>> -> memref<10240x128xf32, #tpu.memory_space<vmem_shared>>
    tpu.wait_indirect_dma semaphore(%arg13 : memref<!tpu.dma_semaphore, #tpu.memory_space<semaphore_mem>>) src(%dma_wait3A_91 : memref<128x128xf32, #tpu.memory_space<vmem>>) dst(%dma_wait3A_97 : memref<10240x128xf32, #tpu.memory_space<vmem_shared>>)
    %barrier3A_98 = arith.constant 0 : index
    tpu.barrier barrier_id(%barrier3A_98)
    %scan3A_99 = arith.constant 0 : i32
    %scan3A_100 = arith.constant 5 : i32
    %scan3A_101 = arith.addi %scan3A_99, %scan3A_100 : i32
    %scan3A_102 = arith.constant 1 : i32
    scf.for %scan3A_104 = %scan3A_99 to %scan3A_101 step %scan3A_102  : i32 {
      %mul3A_105 = arith.constant 1 : i32
      %mul3A_106 = arith.muli %scan3A_104, %mul3A_105 : i32
      %add3A_107 = arith.constant 0 : i32
      %add3A_108 = arith.addi %add3A_107, %mul3A_106 : i32
      %mul3A_109 = arith.constant 640 : i32
      %mul3A_110 = arith.muli %arg1, %mul3A_109 : i32
      %mul3A_111 = arith.constant 128 : i32
      %mul3A_112 = arith.muli %add3A_108, %mul3A_111 : i32
      %add3A_113 = arith.addi %mul3A_110, %mul3A_112 : i32
      %run_scoped3A = arith.constant 0 : i32
      "tpu.region"() ({
        %run_scoped3A_115 = tpu.sem_alloc : memref<!tpu.dma_semaphore, #tpu.memory_space<semaphore_mem>>
        %dma_start3A_116 = arith.constant 0 : i32
        %dma_start3A_117 = arith.constant 0 : i32
        %dma_start3A_118 = tpu.memref_slice %arg9[%run_scoped3A, %dma_start3A_116, %dma_start3A_117] : memref<2x128x128xf32, #tpu.memory_space<vmem>> -> memref<1x128x128xf32, #tpu.memory_space<vmem>>
        %dma_start3A_119 = tpu.memref_squeeze %dma_start3A_118 : memref<1x128x128xf32, #tpu.memory_space<vmem>> -> memref<128x128xf32, #tpu.memory_space<vmem>>
        %dma_start3A_120 = arith.constant 0 : i32
        %dma_start3A_121 = tpu.memref_slice %arg6[%add3A_113, %dma_start3A_120] : memref<10240x128xf32, #tpu.memory_space<vmem_shared>> -> memref<128x128xf32, #tpu.memory_space<vmem_shared>>
        %dma_start3A_122 = arith.constant 0 : i32
        %dma_start3A_123 = arith.constant 0 : i32
        %dma_start3A_124 = tpu.memref_slice %arg9[%run_scoped3A, %dma_start3A_122, %dma_start3A_123] : memref<2x128x128xf32, #tpu.memory_space<vmem>> -> memref<1x128x128xf32, #tpu.memory_space<vmem>>
        %dma_start3A_125 = tpu.memref_squeeze %dma_start3A_124 : memref<1x128x128xf32, #tpu.memory_space<vmem>> -> memref<128x128xf32, #tpu.memory_space<vmem>>
        %dma_start3A_126 = arith.constant 0 : i32
        %dma_start3A_127 = tpu.memref_slice %arg6[%add3A_113, %dma_start3A_126] : memref<10240x128xf32, #tpu.memory_space<vmem_shared>> -> memref<128x128xf32, #tpu.memory_space<vmem_shared>>
        tpu.enqueue_dma source(%dma_start3A_127 : memref<128x128xf32, #tpu.memory_space<vmem_shared>>) target(%dma_start3A_125 : memref<128x128xf32, #tpu.memory_space<vmem>>) target_semaphore(%run_scoped3A_115 : memref<!tpu.dma_semaphore, #tpu.memory_space<semaphore_mem>>)
        %dma_wait3A_128 = arith.constant 0 : i32
        %dma_wait3A_129 = arith.constant 0 : i32
        %dma_wait3A_130 = tpu.memref_slice %arg9[%run_scoped3A, %dma_wait3A_128, %dma_wait3A_129] : memref<2x128x128xf32, #tpu.memory_space<vmem>> -> memref<1x128x128xf32, #tpu.memory_space<vmem>>
        %dma_wait3A_131 = tpu.memref_squeeze %dma_wait3A_130 : memref<1x128x128xf32, #tpu.memory_space<vmem>> -> memref<128x128xf32, #tpu.memory_space<vmem>>
        %dma_wait3A_132 = arith.constant 0 : i32
        %dma_wait3A_133 = tpu.memref_slice %arg6[%add3A_113, %dma_wait3A_132] : memref<10240x128xf32, #tpu.memory_space<vmem_shared>> -> memref<128x128xf32, #tpu.memory_space<vmem_shared>>
        %dma_wait3A_134 = arith.constant 0 : i32
        %dma_wait3A_135 = arith.constant 0 : i32
        %dma_wait3A_136 = tpu.memref_slice %arg9[%run_scoped3A, %dma_wait3A_134, %dma_wait3A_135] : memref<2x128x128xf32, #tpu.memory_space<vmem>> -> memref<1x128x128xf32, #tpu.memory_space<vmem>>
        %dma_wait3A_137 = tpu.memref_squeeze %dma_wait3A_136 : memref<1x128x128xf32, #tpu.memory_space<vmem>> -> memref<128x128xf32, #tpu.memory_space<vmem>>
        %dma_wait3A_138 = arith.constant 0 : i32
        %dma_wait3A_139 = tpu.memref_slice %arg6[%add3A_113, %dma_wait3A_138] : memref<10240x128xf32, #tpu.memory_space<vmem_shared>> -> memref<128x128xf32, #tpu.memory_space<vmem_shared>>
        tpu.wait_dma2 semaphore(%run_scoped3A_115 : memref<!tpu.dma_semaphore, #tpu.memory_space<semaphore_mem>>) src(%dma_wait3A_139 : memref<128x128xf32, #tpu.memory_space<vmem_shared>>) dst(%dma_wait3A_137 : memref<128x128xf32, #tpu.memory_space<vmem>>)
        tpu.yield
      }) : () -> ()
      %run_scoped3A_114 = arith.constant 0 : i32
      "tpu.region"() ({
        %run_scoped3A_115 = tpu.sem_alloc : memref<!tpu.dma_semaphore, #tpu.memory_space<semaphore_mem>>
        %dma_start3A_116 = arith.constant 0 : i32
        %dma_start3A_117 = arith.constant 0 : i32
        %dma_start3A_118 = tpu.memref_slice %arg9[%run_scoped3A_114, %dma_start3A_116, %dma_start3A_117] : memref<2x128x128xf32, #tpu.memory_space<vmem>> -> memref<1x128x128xf32, #tpu.memory_space<vmem>>
        %dma_start3A_119 = tpu.memref_squeeze %dma_start3A_118 : memref<1x128x128xf32, #tpu.memory_space<vmem>> -> memref<128x128xf32, #tpu.memory_space<vmem>>
        %dma_start3A_120 = arith.constant 0 : i32
        %dma_start3A_121 = tpu.memref_slice %arg5[%arg0, %add3A_113, %dma_start3A_120] : memref<2x10240x128xf32, #tpu.memory_space<hbm>> -> memref<1x128x128xf32, #tpu.memory_space<hbm>>
        %dma_start3A_122 = tpu.memref_squeeze %dma_start3A_121 : memref<1x128x128xf32, #tpu.memory_space<hbm>> -> memref<128x128xf32, #tpu.memory_space<hbm>>
        %dma_start3A_123 = arith.constant 0 : i32
        %dma_start3A_124 = tpu.memref_slice %arg5[%arg0, %add3A_113, %dma_start3A_123] : memref<2x10240x128xf32, #tpu.memory_space<hbm>> -> memref<1x128x128xf32, #tpu.memory_space<hbm>>
        %dma_start3A_125 = tpu.memref_squeeze %dma_start3A_124 : memref<1x128x128xf32, #tpu.memory_space<hbm>> -> memref<128x128xf32, #tpu.memory_space<hbm>>
        %dma_start3A_126 = arith.constant 0 : i32
        %dma_start3A_127 = arith.constant 0 : i32
        %dma_start3A_128 = tpu.memref_slice %arg9[%run_scoped3A_114, %dma_start3A_126, %dma_start3A_127] : memref<2x128x128xf32, #tpu.memory_space<vmem>> -> memref<1x128x128xf32, #tpu.memory_space<vmem>>
        %dma_start3A_129 = tpu.memref_squeeze %dma_start3A_128 : memref<1x128x128xf32, #tpu.memory_space<vmem>> -> memref<128x128xf32, #tpu.memory_space<vmem>>
        tpu.enqueue_dma source(%dma_start3A_129 : memref<128x128xf32, #tpu.memory_space<vmem>>) target(%dma_start3A_125 : memref<128x128xf32, #tpu.memory_space<hbm>>) target_semaphore(%run_scoped3A_115 : memref<!tpu.dma_semaphore, #tpu.memory_space<semaphore_mem>>)
        %dma_wait3A_130 = arith.constant 0 : i32
        %dma_wait3A_131 = arith.constant 0 : i32
        %dma_wait3A_132 = tpu.memref_slice %arg9[%run_scoped3A_114, %dma_wait3A_130, %dma_wait3A_131] : memref<2x128x128xf32, #tpu.memory_space<vmem>> -> memref<1x128x128xf32, #tpu.memory_space<vmem>>
        %dma_wait3A_133 = tpu.memref_squeeze %dma_wait3A_132 : memref<1x128x128xf32, #tpu.memory_space<vmem>> -> memref<128x128xf32, #tpu.memory_space<vmem>>
        %dma_wait3A_134 = arith.constant 0 : i32
        %dma_wait3A_135 = tpu.memref_slice %arg5[%arg0, %add3A_113, %dma_wait3A_134] : memref<2x10240x128xf32, #tpu.memory_space<hbm>> -> memref<1x128x128xf32, #tpu.memory_space<hbm>>
        %dma_wait3A_136 = tpu.memref_squeeze %dma_wait3A_135 : memref<1x128x128xf32, #tpu.memory_space<hbm>> -> memref<128x128xf32, #tpu.memory_space<hbm>>
        %dma_wait3A_137 = arith.constant 0 : i32
        %dma_wait3A_138 = tpu.memref_slice %arg5[%arg0, %add3A_113, %dma_wait3A_137] : memref<2x10240x128xf32, #tpu.memory_space<hbm>> -> memref<1x128x128xf32, #tpu.memory_space<hbm>>
        %dma_wait3A_139 = tpu.memref_squeeze %dma_wait3A_138 : memref<1x128x128xf32, #tpu.memory_space<hbm>> -> memref<128x128xf32, #tpu.memory_space<hbm>>
        %dma_wait3A_140 = arith.constant 0 : i32
        %dma_wait3A_141 = arith.constant 0 : i32
        %dma_wait3A_142 = tpu.memref_slice %arg9[%run_scoped3A_114, %dma_wait3A_140, %dma_wait3A_141] : memref<2x128x128xf32, #tpu.memory_space<vmem>> -> memref<1x128x128xf32, #tpu.memory_space<vmem>>
        %dma_wait3A_143 = tpu.memref_squeeze %dma_wait3A_142 : memref<1x128x128xf32, #tpu.memory_space<vmem>> -> memref<128x128xf32, #tpu.memory_space<vmem>>
        tpu.wait_dma2 semaphore(%run_scoped3A_115 : memref<!tpu.dma_semaphore, #tpu.memory_space<semaphore_mem>>) src(%dma_wait3A_143 : memref<128x128xf32, #tpu.memory_space<vmem>>) dst(%dma_wait3A_139 : memref<128x128xf32, #tpu.memory_space<hbm>>)
        tpu.yield
      }) : () -> ()
    }
    %scan3A_103 = arith.constant 5 : i32
    return
  }
}

#map = affine_map<(d0, d1) -> (0, 0)>
#map1 = affine_map<(d0, d1) -> (0, 0, 0)>
module attributes {stable_mosaic.version = 14 : i64} {
  func.func @k(%arg0: i32, %arg1: i32, %arg2: memref<10000x128xf32, #tpu.memory_space<hbm>>, %arg3: memref<2560x128xi32, #tpu.memory_space<hbm>>, %arg4: memref<2560x128xi32, #tpu.memory_space<hbm>>, %arg5: memref<2x10240x128xf32, #tpu.memory_space<hbm>>, %arg6: memref<10240x128xf32, #tpu.memory_space<vmem_shared>>, %arg7: memref<40x128xi32, #tpu.memory_space<vmem>>, %arg8: memref<40x128xi32, #tpu.memory_space<vmem>>, %arg9: memref<2x128x128xf32, #tpu.memory_space<vmem>>, %arg10: memref<!tpu.dma_semaphore, #tpu.memory_space<semaphore_mem>>, %arg11: memref<!tpu.dma_semaphore, #tpu.memory_space<semaphore_mem>>, %arg12: memref<!tpu.dma_semaphore, #tpu.memory_space<semaphore_mem>>, %arg13: memref<!tpu.dma_semaphore, #tpu.memory_space<semaphore_mem>>) attributes {dimension_semantics = [#tpu.dimension_semantics<core_parallel>, #tpu.dimension_semantics<subcore_parallel>], iteration_bounds = array<i64: 2, 16>, scalar_prefetch = 0 : i64, scratch_operands = 8 : i64, tpu.core_type = #tpu.core_type<sc_vector_subcore>, window_params = [{transform_indices = #map}, {transform_indices = #map}, {transform_indices = #map}, {transform_indices = #map1}]} {
    %mul3A = arith.constant 16 : i32
    %mul3A_0 = arith.muli %arg0, %mul3A : i32
    %add3A = arith.addi %mul3A_0, %arg1 : i32
    %scan3A = arith.constant 0 : i32
    %scan3A_1 = arith.constant 128 : i32
    %scan3A_2 = arith.addi %scan3A, %scan3A_1 : i32
    %scan3A_3 = arith.constant 1 : i32
    scf.for %scan3A_104 = %scan3A to %scan3A_2 step %scan3A_3  : i32 {
      %mul3A_105 = arith.constant 1 : i32
      %mul3A_106 = arith.muli %scan3A_104, %mul3A_105 : i32
      %add3A_107 = arith.constant 0 : i32
      %add3A_108 = arith.addi %add3A_107, %mul3A_106 : i32
      %scan3A_109 = arith.constant 0 : i32
      %scan3A_110 = arith.constant 8 : i32
      %scan3A_111 = arith.addi %scan3A_109, %scan3A_110 : i32
      %scan3A_112 = arith.constant 1 : i32
      scf.for %scan3A_114 = %scan3A_109 to %scan3A_111 step %scan3A_112  : i32 {
        %mul3A_115 = arith.constant 16 : i32
        %mul3A_116 = arith.muli %scan3A_114, %mul3A_115 : i32
        %add3A_117 = arith.constant 0 : i32
        %add3A_118 = arith.addi %add3A_117, %mul3A_116 : i32
        %broadcast_in_dim3A = arith.constant 0.000000e+00 : f32
        %broadcast_in_dim3A_119 = vector.broadcast %broadcast_in_dim3A : f32 to vector<16xf32>
        %swap3A = arith.constant 0 : i32
        %swap3A_120 = arith.index_cast %swap3A : i32 to index
        %swap3A_121 = arith.index_cast %add3A_108 : i32 to index
        %swap3A_122 = arith.index_cast %add3A_118 : i32 to index
        %swap3A_123 = tpu.vector_load %arg9[%swap3A_120, %swap3A_121, %swap3A_122] {strides = array<i32>} : memref<2x128x128xf32, #tpu.memory_space<vmem>>, vector<1x1x16xf32>,
        %swap3A_124 = vector.shape_cast %swap3A_123 : vector<1x1x16xf32> to vector<16xf32>
        %swap3A_125 = vector.shape_cast %broadcast_in_dim3A_119 : vector<16xf32> to vector<1x1x16xf32>
        tpu.vector_store %arg9[%swap3A_120, %swap3A_121, %swap3A_122], %swap3A_125 {strides = array<i32>} : memref<2x128x128xf32, #tpu.memory_space<vmem>>, vector<1x1x16xf32>,
      }
      %scan3A_113 = arith.constant 8 : i32
    }
    %scan3A_4 = arith.constant 128 : i32
    %scan3A_5 = arith.constant 0 : i32
    %scan3A_6 = arith.constant 5 : i32
    %scan3A_7 = arith.addi %scan3A_5, %scan3A_6 : i32
    %scan3A_8 = arith.constant 1 : i32
    scf.for %scan3A_104 = %scan3A_5 to %scan3A_7 step %scan3A_8  : i32 {
      %mul3A_105 = arith.constant 1 : i32
      %mul3A_106 = arith.muli %scan3A_104, %mul3A_105 : i32
      %add3A_107 = arith.constant 0 : i32
      %add3A_108 = arith.addi %add3A_107, %mul3A_106 : i32
      %mul3A_109 = arith.constant 640 : i32
      %mul3A_110 = arith.muli %arg1, %mul3A_109 : i32
      %mul3A_111 = arith.constant 128 : i32
      %mul3A_112 = arith.muli %add3A_108, %mul3A_111 : i32
      %add3A_113 = arith.addi %mul3A_110, %mul3A_112 : i32
      %run_scoped3A = arith.constant 0 : i32
      "tpu.region"() ({
        %run_scoped3A_114 = tpu.sem_alloc : memref<!tpu.dma_semaphore, #tpu.memory_space<semaphore_mem>>
        %dma_start3A_115 = arith.constant 0 : i32
        %dma_start3A_116 = arith.constant 0 : i32
        %dma_start3A_117 = tpu.memref_slice %arg9[%run_scoped3A, %dma_start3A_115, %dma_start3A_116] : memref<2x128x128xf32, #tpu.memory_space<vmem>> -> memref<1x128x128xf32, #tpu.memory_space<vmem>>
        %dma_start3A_118 = tpu.memref_squeeze %dma_start3A_117 : memref<1x128x128xf32, #tpu.memory_space<vmem>> -> memref<128x128xf32, #tpu.memory_space<vmem>>
        %dma_start3A_119 = arith.constant 0 : i32
        %dma_start3A_120 = tpu.memref_slice %arg6[%add3A_113, %dma_start3A_119] : memref<10240x128xf32, #tpu.memory_space<vmem_shared>> -> memref<128x128xf32, #tpu.memory_space<vmem_shared>>
        %dma_start3A_121 = arith.constant 0 : i32
        %dma_start3A_122 = tpu.memref_slice %arg6[%add3A_113, %dma_start3A_121] : memref<10240x128xf32, #tpu.memory_space<vmem_shared>> -> memref<128x128xf32, #tpu.memory_space<vmem_shared>>
        %dma_start3A_123 = arith.constant 0 : i32
        %dma_start3A_124 = arith.constant 0 : i32
        %dma_start3A_125 = tpu.memref_slice %arg9[%run_scoped3A, %dma_start3A_123, %dma_start3A_124] : memref<2x128x128xf32, #tpu.memory_space<vmem>> -> memref<1x128x128xf32, #tpu.memory_space<vmem>>
        %dma_start3A_126 = tpu.memref_squeeze %dma_start3A_125 : memref<1x128x128xf32, #tpu.memory_space<vmem>> -> memref<128x128xf32, #tpu.memory_space<vmem>>
        tpu.enqueue_dma source(%dma_start3A_126 : memref<128x128xf32, #tpu.memory_space<vmem>>) target(%dma_start3A_122 : memref<128x128xf32, #tpu.memory_space<vmem_shared>>) target_semaphore(%run_scoped3A_114 : memref<!tpu.dma_semaphore, #tpu.memory_space<semaphore_mem>>)
        %dma_wait3A_127 = arith.constant 0 : i32
        %dma_wait3A_128 = arith.constant 0 : i32
        %dma_wait3A_129 = tpu.memref_slice %arg9[%run_scoped3A, %dma_wait3A_127, %dma_wait3A_128] : memref<2x128x128xf32, #tpu.memory_space<vmem>> -> memref<1x128x128xf32, #tpu.memory_space<vmem>>
        %dma_wait3A_130 = tpu.memref_squeeze %dma_wait3A_129 : memref<1x128x128xf32, #tpu.memory_space<vmem>> -> memref<128x128xf32, #tpu.memory_space<vmem>>
        %dma_wait3A_131 = arith.constant 0 : i32
        %dma_wait3A_132 = tpu.memref_slice %arg6[%add3A_113, %dma_wait3A_131] : memref<10240x128xf32, #tpu.memory_space<vmem_shared>> -> memref<128x128xf32, #tpu.memory_space<vmem_shared>>
        %dma_wait3A_133 = arith.constant 0 : i32
        %dma_wait3A_134 = tpu.memref_slice %arg6[%add3A_113, %dma_wait3A_133] : memref<10240x128xf32, #tpu.memory_space<vmem_shared>> -> memref<128x128xf32, #tpu.memory_space<vmem_shared>>
        %dma_wait3A_135 = arith.constant 0 : i32
        %dma_wait3A_136 = arith.constant 0 : i32
        %dma_wait3A_137 = tpu.memref_slice %arg9[%run_scoped3A, %dma_wait3A_135, %dma_wait3A_136] : memref<2x128x128xf32, #tpu.memory_space<vmem>> -> memref<1x128x128xf32, #tpu.memory_space<vmem>>
        %dma_wait3A_138 = tpu.memref_squeeze %dma_wait3A_137 : memref<1x128x128xf32, #tpu.memory_space<vmem>> -> memref<128x128xf32, #tpu.memory_space<vmem>>
        tpu.wait_dma2 semaphore(%run_scoped3A_114 : memref<!tpu.dma_semaphore, #tpu.memory_space<semaphore_mem>>) src(%dma_wait3A_138 : memref<128x128xf32, #tpu.memory_space<vmem>>) dst(%dma_wait3A_134 : memref<128x128xf32, #tpu.memory_space<vmem_shared>>)
        tpu.yield
      }) : () -> ()
    }
    %scan3A_9 = arith.constant 5 : i32
    %barrier3A = arith.constant 0 : index
    tpu.barrier barrier_id(%barrier3A)
    %mul3A_10 = arith.constant 80 : i32
    %mul3A_11 = arith.muli %add3A, %mul3A_10 : i32
    %add3A_12 = arith.constant 0 : i32
    %add3A_13 = arith.addi %mul3A_11, %add3A_12 : i32
    "tpu.region"() ({
      %run_scoped3A = tpu.sem_alloc : memref<!tpu.dma_semaphore, #tpu.memory_space<semaphore_mem>>
      %dma_start3A_104 = arith.constant 0 : i32
      %dma_start3A_105 = tpu.memref_slice %arg3[%add3A_13, %dma_start3A_104] : memref<2560x128xi32, #tpu.memory_space<hbm>> -> memref<40x128xi32, #tpu.memory_space<hbm>>
      %dma_start3A_106 = arith.constant 0 : i32
      %dma_start3A_107 = tpu.memref_slice %arg3[%add3A_13, %dma_start3A_106] : memref<2560x128xi32, #tpu.memory_space<hbm>> -> memref<40x128xi32, #tpu.memory_space<hbm>>
      tpu.enqueue_dma source(%dma_start3A_107 : memref<40x128xi32, #tpu.memory_space<hbm>>) target(%arg7 : memref<40x128xi32, #tpu.memory_space<vmem>>) target_semaphore(%run_scoped3A : memref<!tpu.dma_semaphore, #tpu.memory_space<semaphore_mem>>)
      %dma_wait3A_108 = arith.constant 0 : i32
      %dma_wait3A_109 = tpu.memref_slice %arg3[%add3A_13, %dma_wait3A_108] : memref<2560x128xi32, #tpu.memory_space<hbm>> -> memref<40x128xi32, #tpu.memory_space<hbm>>
      %dma_wait3A_110 = arith.constant 0 : i32
      %dma_wait3A_111 = tpu.memref_slice %arg3[%add3A_13, %dma_wait3A_110] : memref<2560x128xi32, #tpu.memory_space<hbm>> -> memref<40x128xi32, #tpu.memory_space<hbm>>
      tpu.wait_dma2 semaphore(%run_scoped3A : memref<!tpu.dma_semaphore, #tpu.memory_space<semaphore_mem>>) src(%dma_wait3A_111 : memref<40x128xi32, #tpu.memory_space<hbm>>) dst(%arg7 : memref<40x128xi32, #tpu.memory_space<vmem>>)
      tpu.yield
    }) : () -> ()
    "tpu.region"() ({
      %run_scoped3A = tpu.sem_alloc : memref<!tpu.dma_semaphore, #tpu.memory_space<semaphore_mem>>
      %dma_start3A_104 = arith.constant 0 : i32
      %dma_start3A_105 = tpu.memref_slice %arg4[%add3A_13, %dma_start3A_104] : memref<2560x128xi32, #tpu.memory_space<hbm>> -> memref<40x128xi32, #tpu.memory_space<hbm>>
      %dma_start3A_106 = arith.constant 0 : i32
      %dma_start3A_107 = tpu.memref_slice %arg4[%add3A_13, %dma_start3A_106] : memref<2560x128xi32, #tpu.memory_space<hbm>> -> memref<40x128xi32, #tpu.memory_space<hbm>>
      tpu.enqueue_dma source(%dma_start3A_107 : memref<40x128xi32, #tpu.memory_space<hbm>>) target(%arg8 : memref<40x128xi32, #tpu.memory_space<vmem>>) target_semaphore(%run_scoped3A : memref<!tpu.dma_semaphore, #tpu.memory_space<semaphore_mem>>)
      %dma_wait3A_108 = arith.constant 0 : i32
      %dma_wait3A_109 = tpu.memref_slice %arg4[%add3A_13, %dma_wait3A_108] : memref<2560x128xi32, #tpu.memory_space<hbm>> -> memref<40x128xi32, #tpu.memory_space<hbm>>
      %dma_wait3A_110 = arith.constant 0 : i32
      %dma_wait3A_111 = tpu.memref_slice %arg4[%add3A_13, %dma_wait3A_110] : memref<2560x128xi32, #tpu.memory_space<hbm>> -> memref<40x128xi32, #tpu.memory_space<hbm>>
      tpu.wait_dma2 semaphore(%run_scoped3A : memref<!tpu.dma_semaphore, #tpu.memory_space<semaphore_mem>>) src(%dma_wait3A_111 : memref<40x128xi32, #tpu.memory_space<hbm>>) dst(%arg8 : memref<40x128xi32, #tpu.memory_space<vmem>>)
      tpu.yield
    }) : () -> ()
    %dma_start3A = arith.constant 0 : i32
    %dma_start3A_14 = arith.constant 0 : i32
    %dma_start3A_15 = arith.constant 0 : i32
    %dma_start3A_16 = arith.constant 0 : i32
    %dma_start3A_17 = tpu.memref_slice %arg9[%dma_start3A_14, %dma_start3A_15, %dma_start3A_16] : memref<2x128x128xf32, #tpu.memory_space<vmem>> -> memref<1x128x128xf32, #tpu.memory_space<vmem>>
    %dma_start3A_18 = tpu.memref_squeeze %dma_start3A_17 : memref<1x128x128xf32, #tpu.memory_space<vmem>> -> memref<128x128xf32, #tpu.memory_space<vmem>>
    %dma_start3A_19 = arith.constant 0 : i32
    %dma_start3A_20 = tpu.memref_slice %arg7[%dma_start3A, %dma_start3A_19] : memref<40x128xi32, #tpu.memory_space<vmem>> -> memref<1x128xi32, #tpu.memory_space<vmem>>
    %dma_start3A_21 = tpu.memref_squeeze %dma_start3A_20 : memref<1x128xi32, #tpu.memory_space<vmem>> -> memref<128xi32, #tpu.memory_space<vmem>>
    %dma_start3A_22 = arith.constant 0 : i32
    %dma_start3A_23 = arith.constant 0 : i32
    %dma_start3A_24 = tpu.memref_slice %arg2[%dma_start3A_22, %dma_start3A_23] : memref<10000x128xf32, #tpu.memory_space<hbm>> -> memref<10000x128xf32, #tpu.memory_space<hbm>>
    tpu.enqueue_indirect_dma source(%dma_start3A_24 : memref<10000x128xf32, #tpu.memory_space<hbm>>) target(%dma_start3A_18 : memref<128x128xf32, #tpu.memory_space<vmem>>) offsets(%dma_start3A_21 : memref<128xi32, #tpu.memory_space<vmem>>) semaphore(%arg10 : memref<!tpu.dma_semaphore, #tpu.memory_space<semaphore_mem>>)
    %scan3A_25 = arith.constant 0 : i32
    %scan3A_26 = arith.constant 20 : i32
    %scan3A_27 = arith.addi %scan3A_25, %scan3A_26 : i32
    %scan3A_28 = arith.constant 1 : i32
    scf.for %scan3A_104 = %scan3A_25 to %scan3A_27 step %scan3A_28  : i32 {
      %mul3A_105 = arith.constant 2 : i32
      %mul3A_106 = arith.muli %scan3A_104, %mul3A_105 : i32
      %add3A_107 = arith.constant 0 : i32
      %add3A_108 = arith.addi %add3A_107, %mul3A_106 : i32
      %add3A_109 = arith.constant 0 : i32
      %add3A_110 = arith.addi %add3A_108, %add3A_109 : i32
      %add3A_111 = arith.constant 1 : i32
      %add3A_112 = arith.addi %add3A_110, %add3A_111 : i32
      %lt3A = arith.constant 40 : i32
      %lt3A_113 = arith.cmpi slt, %add3A_112, %lt3A : i32
      %convert_element_type3A = arith.extui %lt3A_113 : i1 to i32
      %cond3A = arith.constant 0 : i32
      %cond3A_114 = arith.cmpi ne, %convert_element_type3A, %cond3A : i32
      scf.if %cond3A_114 {
        %ge3A = arith.constant 1 : i32
        %ge3A_168 = arith.cmpi sge, %add3A_110, %ge3A : i32
        %convert_element_type3A_169 = arith.extui %ge3A_168 : i1 to i32
        %cond3A_170 = arith.constant 0 : i32
        %cond3A_171 = arith.cmpi ne, %convert_element_type3A_169, %cond3A_170 : i32
        scf.if %cond3A_171 {
          %sub3A = arith.constant 1 : i32
          %sub3A_185 = arith.subi %add3A_110, %sub3A : i32
          %dma_wait3A_186 = arith.constant 1 : i32
          %dma_wait3A_187 = arith.constant 0 : i32
          %dma_wait3A_188 = arith.constant 0 : i32
          %dma_wait3A_189 = tpu.memref_slice %arg9[%dma_wait3A_186, %dma_wait3A_187, %dma_wait3A_188] : memref<2x128x128xf32, #tpu.memory_space<vmem>> -> memref<1x128x128xf32, #tpu.memory_space<vmem>>
          %dma_wait3A_190 = tpu.memref_squeeze %dma_wait3A_189 : memref<1x128x128xf32, #tpu.memory_space<vmem>> -> memref<128x128xf32, #tpu.memory_space<vmem>>
          %dma_wait3A_191 = arith.constant 0 : i32
          %dma_wait3A_192 = tpu.memref_slice %arg8[%sub3A_185, %dma_wait3A_191] : memref<40x128xi32, #tpu.memory_space<vmem>> -> memref<1x128xi32, #tpu.memory_space<vmem>>
          %dma_wait3A_193 = tpu.memref_squeeze %dma_wait3A_192 : memref<1x128xi32, #tpu.memory_space<vmem>> -> memref<128xi32, #tpu.memory_space<vmem>>
          %dma_wait3A_194 = arith.constant 0 : i32
          %dma_wait3A_195 = arith.constant 0 : i32
          %dma_wait3A_196 = tpu.memref_slice %arg6[%dma_wait3A_194, %dma_wait3A_195] : memref<10240x128xf32, #tpu.memory_space<vmem_shared>> -> memref<10240x128xf32, #tpu.memory_space<vmem_shared>>
          tpu.wait_indirect_dma semaphore(%arg13 : memref<!tpu.dma_semaphore, #tpu.memory_space<semaphore_mem>>) src(%dma_wait3A_190 : memref<128x128xf32, #tpu.memory_space<vmem>>) dst(%dma_wait3A_196 : memref<10240x128xf32, #tpu.memory_space<vmem_shared>>)
        } else {
        }
        %add3A_172 = arith.constant 1 : i32
        %add3A_173 = arith.addi %add3A_110, %add3A_172 : i32
        %dma_start3A_174 = arith.constant 1 : i32
        %dma_start3A_175 = arith.constant 0 : i32
        %dma_start3A_176 = arith.constant 0 : i32
        %dma_start3A_177 = tpu.memref_slice %arg9[%dma_start3A_174, %dma_start3A_175, %dma_start3A_176] : memref<2x128x128xf32, #tpu.memory_space<vmem>> -> memref<1x128x128xf32, #tpu.memory_space<vmem>>
        %dma_start3A_178 = tpu.memref_squeeze %dma_start3A_177 : memref<1x128x128xf32, #tpu.memory_space<vmem>> -> memref<128x128xf32, #tpu.memory_space<vmem>>
        %dma_start3A_179 = arith.constant 0 : i32
        %dma_start3A_180 = tpu.memref_slice %arg7[%add3A_173, %dma_start3A_179] : memref<40x128xi32, #tpu.memory_space<vmem>> -> memref<1x128xi32, #tpu.memory_space<vmem>>
        %dma_start3A_181 = tpu.memref_squeeze %dma_start3A_180 : memref<1x128xi32, #tpu.memory_space<vmem>> -> memref<128xi32, #tpu.memory_space<vmem>>
        %dma_start3A_182 = arith.constant 0 : i32
        %dma_start3A_183 = arith.constant 0 : i32
        %dma_start3A_184 = tpu.memref_slice %arg2[%dma_start3A_182, %dma_start3A_183] : memref<10000x128xf32, #tpu.memory_space<hbm>> -> memref<10000x128xf32, #tpu.memory_space<hbm>>
        tpu.enqueue_indirect_dma source(%dma_start3A_184 : memref<10000x128xf32, #tpu.memory_space<hbm>>) target(%dma_start3A_178 : memref<128x128xf32, #tpu.memory_space<vmem>>) offsets(%dma_start3A_181 : memref<128xi32, #tpu.memory_space<vmem>>) semaphore(%arg11 : memref<!tpu.dma_semaphore, #tpu.memory_space<semaphore_mem>>)
      } else {
      }
      %dma_wait3A_115 = arith.constant 0 : i32
      %dma_wait3A_116 = arith.constant 0 : i32
      %dma_wait3A_117 = arith.constant 0 : i32
      %dma_wait3A_118 = tpu.memref_slice %arg9[%dma_wait3A_115, %dma_wait3A_116, %dma_wait3A_117] : memref<2x128x128xf32, #tpu.memory_space<vmem>> -> memref<1x128x128xf32, #tpu.memory_space<vmem>>
      %dma_wait3A_119 = tpu.memref_squeeze %dma_wait3A_118 : memref<1x128x128xf32, #tpu.memory_space<vmem>> -> memref<128x128xf32, #tpu.memory_space<vmem>>
      %dma_wait3A_120 = arith.constant 0 : i32
      %dma_wait3A_121 = tpu.memref_slice %arg7[%add3A_110, %dma_wait3A_120] : memref<40x128xi32, #tpu.memory_space<vmem>> -> memref<1x128xi32, #tpu.memory_space<vmem>>
      %dma_wait3A_122 = tpu.memref_squeeze %dma_wait3A_121 : memref<1x128xi32, #tpu.memory_space<vmem>> -> memref<128xi32, #tpu.memory_space<vmem>>
      %dma_wait3A_123 = arith.constant 0 : i32
      %dma_wait3A_124 = arith.constant 0 : i32
      %dma_wait3A_125 = tpu.memref_slice %arg2[%dma_wait3A_123, %dma_wait3A_124] : memref<10000x128xf32, #tpu.memory_space<hbm>> -> memref<10000x128xf32, #tpu.memory_space<hbm>>
      tpu.wait_indirect_dma semaphore(%arg10 : memref<!tpu.dma_semaphore, #tpu.memory_space<semaphore_mem>>) src(%dma_wait3A_125 : memref<10000x128xf32, #tpu.memory_space<hbm>>) dst(%dma_wait3A_119 : memref<128x128xf32, #tpu.memory_space<vmem>>)
      %dma_start3A_126 = arith.constant 0 : i32
      %dma_start3A_127 = arith.constant 0 : i32
      %dma_start3A_128 = arith.constant 0 : i32
      %dma_start3A_129 = tpu.memref_slice %arg9[%dma_start3A_126, %dma_start3A_127, %dma_start3A_128] : memref<2x128x128xf32, #tpu.memory_space<vmem>> -> memref<1x128x128xf32, #tpu.memory_space<vmem>>
      %dma_start3A_130 = tpu.memref_squeeze %dma_start3A_129 : memref<1x128x128xf32, #tpu.memory_space<vmem>> -> memref<128x128xf32, #tpu.memory_space<vmem>>
      %dma_start3A_131 = arith.constant 0 : i32
      %dma_start3A_132 = tpu.memref_slice %arg8[%add3A_110, %dma_start3A_131] : memref<40x128xi32, #tpu.memory_space<vmem>> -> memref<1x128xi32, #tpu.memory_space<vmem>>
      %dma_start3A_133 = tpu.memref_squeeze %dma_start3A_132 : memref<1x128xi32, #tpu.memory_space<vmem>> -> memref<128xi32, #tpu.memory_space<vmem>>
      %dma_start3A_134 = arith.constant 0 : i32
      %dma_start3A_135 = arith.constant 0 : i32
      %dma_start3A_136 = tpu.memref_slice %arg6[%dma_start3A_134, %dma_start3A_135] : memref<10240x128xf32, #tpu.memory_space<vmem_shared>> -> memref<10240x128xf32, #tpu.memory_space<vmem_shared>>
      tpu.enqueue_indirect_dma source(%dma_start3A_130 : memref<128x128xf32, #tpu.memory_space<vmem>>) target(%dma_start3A_136 : memref<10240x128xf32, #tpu.memory_space<vmem_shared>>) offsets(%dma_start3A_133 : memref<128xi32, #tpu.memory_space<vmem>>) semaphore(%arg12 : memref<!tpu.dma_semaphore, #tpu.memory_space<semaphore_mem>>) {add = true}
      %add3A_137 = arith.constant 1 : i32
      %add3A_138 = arith.addi %add3A_108, %add3A_137 : i32
      %add3A_139 = arith.constant 1 : i32
      %add3A_140 = arith.addi %add3A_138, %add3A_139 : i32
      %lt3A_141 = arith.constant 40 : i32
      %lt3A_142 = arith.cmpi slt, %add3A_140, %lt3A_141 : i32
      %convert_element_type3A_143 = arith.extui %lt3A_142 : i1 to i32
      %cond3A_144 = arith.constant 0 : i32
      %cond3A_145 = arith.cmpi ne, %convert_element_type3A_143, %cond3A_144 : i32
      scf.if %cond3A_145 {
        %ge3A = arith.constant 1 : i32
        %ge3A_168 = arith.cmpi sge, %add3A_138, %ge3A : i32
        %convert_element_type3A_169 = arith.extui %ge3A_168 : i1 to i32
        %cond3A_170 = arith.constant 0 : i32
        %cond3A_171 = arith.cmpi ne, %convert_element_type3A_169, %cond3A_170 : i32
        scf.if %cond3A_171 {
          %sub3A = arith.constant 1 : i32
          %sub3A_185 = arith.subi %add3A_138, %sub3A : i32
          %dma_wait3A_186 = arith.constant 0 : i32
          %dma_wait3A_187 = arith.constant 0 : i32
          %dma_wait3A_188 = arith.constant 0 : i32
          %dma_wait3A_189 = tpu.memref_slice %arg9[%dma_wait3A_186, %dma_wait3A_187, %dma_wait3A_188] : memref<2x128x128xf32, #tpu.memory_space<vmem>> -> memref<1x128x128xf32, #tpu.memory_space<vmem>>
          %dma_wait3A_190 = tpu.memref_squeeze %dma_wait3A_189 : memref<1x128x128xf32, #tpu.memory_space<vmem>> -> memref<128x128xf32, #tpu.memory_space<vmem>>
          %dma_wait3A_191 = arith.constant 0 : i32
          %dma_wait3A_192 = tpu.memref_slice %arg8[%sub3A_185, %dma_wait3A_191] : memref<40x128xi32, #tpu.memory_space<vmem>> -> memref<1x128xi32, #tpu.memory_space<vmem>>
          %dma_wait3A_193 = tpu.memref_squeeze %dma_wait3A_192 : memref<1x128xi32, #tpu.memory_space<vmem>> -> memref<128xi32, #tpu.memory_space<vmem>>
          %dma_wait3A_194 = arith.constant 0 : i32
          %dma_wait3A_195 = arith.constant 0 : i32
          %dma_wait3A_196 = tpu.memref_slice %arg6[%dma_wait3A_194, %dma_wait3A_195] : memref<10240x128xf32, #tpu.memory_space<vmem_shared>> -> memref<10240x128xf32, #tpu.memory_space<vmem_shared>>
          tpu.wait_indirect_dma semaphore(%arg12 : memref<!tpu.dma_semaphore, #tpu.memory_space<semaphore_mem>>) src(%dma_wait3A_190 : memref<128x128xf32, #tpu.memory_space<vmem>>) dst(%dma_wait3A_196 : memref<10240x128xf32, #tpu.memory_space<vmem_shared>>)
        } else {
        }
        %add3A_172 = arith.constant 1 : i32
        %add3A_173 = arith.addi %add3A_138, %add3A_172 : i32
        %dma_start3A_174 = arith.constant 0 : i32
        %dma_start3A_175 = arith.constant 0 : i32
        %dma_start3A_176 = arith.constant 0 : i32
        %dma_start3A_177 = tpu.memref_slice %arg9[%dma_start3A_174, %dma_start3A_175, %dma_start3A_176] : memref<2x128x128xf32, #tpu.memory_space<vmem>> -> memref<1x128x128xf32, #tpu.memory_space<vmem>>
        %dma_start3A_178 = tpu.memref_squeeze %dma_start3A_177 : memref<1x128x128xf32, #tpu.memory_space<vmem>> -> memref<128x128xf32, #tpu.memory_space<vmem>>
        %dma_start3A_179 = arith.constant 0 : i32
        %dma_start3A_180 = tpu.memref_slice %arg7[%add3A_173, %dma_start3A_179] : memref<40x128xi32, #tpu.memory_space<vmem>> -> memref<1x128xi32, #tpu.memory_space<vmem>>
        %dma_start3A_181 = tpu.memref_squeeze %dma_start3A_180 : memref<1x128xi32, #tpu.memory_space<vmem>> -> memref<128xi32, #tpu.memory_space<vmem>>
        %dma_start3A_182 = arith.constant 0 : i32
        %dma_start3A_183 = arith.constant 0 : i32
        %dma_start3A_184 = tpu.memref_slice %arg2[%dma_start3A_182, %dma_start3A_183] : memref<10000x128xf32, #tpu.memory_space<hbm>> -> memref<10000x128xf32, #tpu.memory_space<hbm>>
        tpu.enqueue_indirect_dma source(%dma_start3A_184 : memref<10000x128xf32, #tpu.memory_space<hbm>>) target(%dma_start3A_178 : memref<128x128xf32, #tpu.memory_space<vmem>>) offsets(%dma_start3A_181 : memref<128xi32, #tpu.memory_space<vmem>>) semaphore(%arg10 : memref<!tpu.dma_semaphore, #tpu.memory_space<semaphore_mem>>)
      } else {
      }
      %dma_wait3A_146 = arith.constant 1 : i32
      %dma_wait3A_147 = arith.constant 0 : i32
      %dma_wait3A_148 = arith.constant 0 : i32
      %dma_wait3A_149 = tpu.memref_slice %arg9[%dma_wait3A_146, %dma_wait3A_147, %dma_wait3A_148] : memref<2x128x128xf32, #tpu.memory_space<vmem>> -> memref<1x128x128xf32, #tpu.memory_space<vmem>>
      %dma_wait3A_150 = tpu.memref_squeeze %dma_wait3A_149 : memref<1x128x128xf32, #tpu.memory_space<vmem>> -> memref<128x128xf32, #tpu.memory_space<vmem>>
      %dma_wait3A_151 = arith.constant 0 : i32
      %dma_wait3A_152 = tpu.memref_slice %arg7[%add3A_138, %dma_wait3A_151] : memref<40x128xi32, #tpu.memory_space<vmem>> -> memref<1x128xi32, #tpu.memory_space<vmem>>
      %dma_wait3A_153 = tpu.memref_squeeze %dma_wait3A_152 : memref<1x128xi32, #tpu.memory_space<vmem>> -> memref<128xi32, #tpu.memory_space<vmem>>
      %dma_wait3A_154 = arith.constant 0 : i32
      %dma_wait3A_155 = arith.constant 0 : i32
      %dma_wait3A_156 = tpu.memref_slice %arg2[%dma_wait3A_154, %dma_wait3A_155] : memref<10000x128xf32, #tpu.memory_space<hbm>> -> memref<10000x128xf32, #tpu.memory_space<hbm>>
      tpu.wait_indirect_dma semaphore(%arg11 : memref<!tpu.dma_semaphore, #tpu.memory_space<semaphore_mem>>) src(%dma_wait3A_156 : memref<10000x128xf32, #tpu.memory_space<hbm>>) dst(%dma_wait3A_150 : memref<128x128xf32, #tpu.memory_space<vmem>>)
      %dma_start3A_157 = arith.constant 1 : i32
      %dma_start3A_158 = arith.constant 0 : i32
      %dma_start3A_159 = arith.constant 0 : i32
      %dma_start3A_160 = tpu.memref_slice %arg9[%dma_start3A_157, %dma_start3A_158, %dma_start3A_159] : memref<2x128x128xf32, #tpu.memory_space<vmem>> -> memref<1x128x128xf32, #tpu.memory_space<vmem>>
      %dma_start3A_161 = tpu.memref_squeeze %dma_start3A_160 : memref<1x128x128xf32, #tpu.memory_space<vmem>> -> memref<128x128xf32, #tpu.memory_space<vmem>>
      %dma_start3A_162 = arith.constant 0 : i32
      %dma_start3A_163 = tpu.memref_slice %arg8[%add3A_138, %dma_start3A_162] : memref<40x128xi32, #tpu.memory_space<vmem>> -> memref<1x128xi32, #tpu.memory_space<vmem>>
      %dma_start3A_164 = tpu.memref_squeeze %dma_start3A_163 : memref<1x128xi32, #tpu.memory_space<vmem>> -> memref<128xi32, #tpu.memory_space<vmem>>
      %dma_start3A_165 = arith.constant 0 : i32
      %dma_start3A_166 = arith.constant 0 : i32
      %dma_start3A_167 = tpu.memref_slice %arg6[%dma_start3A_165, %dma_start3A_166] : memref<10240x128xf32, #tpu.memory_space<vmem_shared>> -> memref<10240x128xf32, #tpu.memory_space<vmem_shared>>
      tpu.enqueue_indirect_dma source(%dma_start3A_161 : memref<128x128xf32, #tpu.memory_space<vmem>>) target(%dma_start3A_167 : memref<10240x128xf32, #tpu.memory_space<vmem_shared>>) offsets(%dma_start3A_164 : memref<128xi32, #tpu.memory_space<vmem>>) semaphore(%arg13 : memref<!tpu.dma_semaphore, #tpu.memory_space<semaphore_mem>>) {add = true}
    }
    %scan3A_29 = arith.constant 20 : i32
    %dma_wait3A = arith.constant 0 : i32
    %dma_wait3A_30 = arith.constant 38 : i32
    %dma_wait3A_31 = arith.constant 0 : i32
    %dma_wait3A_32 = arith.constant 0 : i32
    %dma_wait3A_33 = tpu.memref_slice %arg9[%dma_wait3A, %dma_wait3A_31, %dma_wait3A_32] : memref<2x128x128xf32, #tpu.memory_space<vmem>> -> memref<1x128x128xf32, #tpu.memory_space<vmem>>
    %dma_wait3A_34 = tpu.memref_squeeze %dma_wait3A_33 : memref<1x128x128xf32, #tpu.memory_space<vmem>> -> memref<128x128xf32, #tpu.memory_space<vmem>>
    %dma_wait3A_35 = arith.constant 0 : i32
    %dma_wait3A_36 = tpu.memref_slice %arg8[%dma_wait3A_30, %dma_wait3A_35] : memref<40x128xi32, #tpu.memory_space<vmem>> -> memref<1x128xi32, #tpu.memory_space<vmem>>
    %dma_wait3A_37 = tpu.memref_squeeze %dma_wait3A_36 : memref<1x128xi32, #tpu.memory_space<vmem>> -> memref<128xi32, #tpu.memory_space<vmem>>
    %dma_wait3A_38 = arith.constant 0 : i32
    %dma_wait3A_39 = arith.constant 0 : i32
    %dma_wait3A_40 = tpu.memref_slice %arg6[%dma_wait3A_38, %dma_wait3A_39] : memref<10240x128xf32, #tpu.memory_space<vmem_shared>> -> memref<10240x128xf32, #tpu.memory_space<vmem_shared>>
    tpu.wait_indirect_dma semaphore(%arg12 : memref<!tpu.dma_semaphore, #tpu.memory_space<semaphore_mem>>) src(%dma_wait3A_34 : memref<128x128xf32, #tpu.memory_space<vmem>>) dst(%dma_wait3A_40 : memref<10240x128xf32, #tpu.memory_space<vmem_shared>>)
    %dma_wait3A_41 = arith.constant 1 : i32
    %dma_wait3A_42 = arith.constant 39 : i32
    %dma_wait3A_43 = arith.constant 0 : i32
    %dma_wait3A_44 = arith.constant 0 : i32
    %dma_wait3A_45 = tpu.memref_slice %arg9[%dma_wait3A_41, %dma_wait3A_43, %dma_wait3A_44] : memref<2x128x128xf32, #tpu.memory_space<vmem>> -> memref<1x128x128xf32, #tpu.memory_space<vmem>>
    %dma_wait3A_46 = tpu.memref_squeeze %dma_wait3A_45 : memref<1x128x128xf32, #tpu.memory_space<vmem>> -> memref<128x128xf32, #tpu.memory_space<vmem>>
    %dma_wait3A_47 = arith.constant 0 : i32
    %dma_wait3A_48 = tpu.memref_slice %arg8[%dma_wait3A_42, %dma_wait3A_47] : memref<40x128xi32, #tpu.memory_space<vmem>> -> memref<1x128xi32, #tpu.memory_space<vmem>>
    %dma_wait3A_49 = tpu.memref_squeeze %dma_wait3A_48 : memref<1x128xi32, #tpu.memory_space<vmem>> -> memref<128xi32, #tpu.memory_space<vmem>>
    %dma_wait3A_50 = arith.constant 0 : i32
    %dma_wait3A_51 = arith.constant 0 : i32
    %dma_wait3A_52 = tpu.memref_slice %arg6[%dma_wait3A_50, %dma_wait3A_51] : memref<10240x128xf32, #tpu.memory_space<vmem_shared>> -> memref<10240x128xf32, #tpu.memory_space<vmem_shared>>
    tpu.wait_indirect_dma semaphore(%arg13 : memref<!tpu.dma_semaphore, #tpu.memory_space<semaphore_mem>>) src(%dma_wait3A_46 : memref<128x128xf32, #tpu.memory_space<vmem>>) dst(%dma_wait3A_52 : memref<10240x128xf32, #tpu.memory_space<vmem_shared>>)
    %mul3A_53 = arith.constant 80 : i32
    %mul3A_54 = arith.muli %add3A, %mul3A_53 : i32
    %add3A_55 = arith.constant 40 : i32
    %add3A_56 = arith.addi %mul3A_54, %add3A_55 : i32
    "tpu.region"() ({
      %run_scoped3A = tpu.sem_alloc : memref<!tpu.dma_semaphore, #tpu.memory_space<semaphore_mem>>
      %dma_start3A_104 = arith.constant 0 : i32
      %dma_start3A_105 = tpu.memref_slice %arg3[%add3A_56, %dma_start3A_104] : memref<2560x128xi32, #tpu.memory_space<hbm>> -> memref<40x128xi32, #tpu.memory_space<hbm>>
      %dma_start3A_106 = arith.constant 0 : i32
      %dma_start3A_107 = tpu.memref_slice %arg3[%add3A_56, %dma_start3A_106] : memref<2560x128xi32, #tpu.memory_space<hbm>> -> memref<40x128xi32, #tpu.memory_space<hbm>>
      tpu.enqueue_dma source(%dma_start3A_107 : memref<40x128xi32, #tpu.memory_space<hbm>>) target(%arg7 : memref<40x128xi32, #tpu.memory_space<vmem>>) target_semaphore(%run_scoped3A : memref<!tpu.dma_semaphore, #tpu.memory_space<semaphore_mem>>)
      %dma_wait3A_108 = arith.constant 0 : i32
      %dma_wait3A_109 = tpu.memref_slice %arg3[%add3A_56, %dma_wait3A_108] : memref<2560x128xi32, #tpu.memory_space<hbm>> -> memref<40x128xi32, #tpu.memory_space<hbm>>
      %dma_wait3A_110 = arith.constant 0 : i32
      %dma_wait3A_111 = tpu.memref_slice %arg3[%add3A_56, %dma_wait3A_110] : memref<2560x128xi32, #tpu.memory_space<hbm>> -> memref<40x128xi32, #tpu.memory_space<hbm>>
      tpu.wait_dma2 semaphore(%run_scoped3A : memref<!tpu.dma_semaphore, #tpu.memory_space<semaphore_mem>>) src(%dma_wait3A_111 : memref<40x128xi32, #tpu.memory_space<hbm>>) dst(%arg7 : memref<40x128xi32, #tpu.memory_space<vmem>>)
      tpu.yield
    }) : () -> ()
    "tpu.region"() ({
      %run_scoped3A = tpu.sem_alloc : memref<!tpu.dma_semaphore, #tpu.memory_space<semaphore_mem>>
      %dma_start3A_104 = arith.constant 0 : i32
      %dma_start3A_105 = tpu.memref_slice %arg4[%add3A_56, %dma_start3A_104] : memref<2560x128xi32, #tpu.memory_space<hbm>> -> memref<40x128xi32, #tpu.memory_space<hbm>>
      %dma_start3A_106 = arith.constant 0 : i32
      %dma_start3A_107 = tpu.memref_slice %arg4[%add3A_56, %dma_start3A_106] : memref<2560x128xi32, #tpu.memory_space<hbm>> -> memref<40x128xi32, #tpu.memory_space<hbm>>
      tpu.enqueue_dma source(%dma_start3A_107 : memref<40x128xi32, #tpu.memory_space<hbm>>) target(%arg8 : memref<40x128xi32, #tpu.memory_space<vmem>>) target_semaphore(%run_scoped3A : memref<!tpu.dma_semaphore, #tpu.memory_space<semaphore_mem>>)
      %dma_wait3A_108 = arith.constant 0 : i32
      %dma_wait3A_109 = tpu.memref_slice %arg4[%add3A_56, %dma_wait3A_108] : memref<2560x128xi32, #tpu.memory_space<hbm>> -> memref<40x128xi32, #tpu.memory_space<hbm>>
      %dma_wait3A_110 = arith.constant 0 : i32
      %dma_wait3A_111 = tpu.memref_slice %arg4[%add3A_56, %dma_wait3A_110] : memref<2560x128xi32, #tpu.memory_space<hbm>> -> memref<40x128xi32, #tpu.memory_space<hbm>>
      tpu.wait_dma2 semaphore(%run_scoped3A : memref<!tpu.dma_semaphore, #tpu.memory_space<semaphore_mem>>) src(%dma_wait3A_111 : memref<40x128xi32, #tpu.memory_space<hbm>>) dst(%arg8 : memref<40x128xi32, #tpu.memory_space<vmem>>)
      tpu.yield
    }) : () -> ()
    %dma_start3A_57 = arith.constant 0 : i32
    %dma_start3A_58 = arith.constant 0 : i32
    %dma_start3A_59 = arith.constant 0 : i32
    %dma_start3A_60 = arith.constant 0 : i32
    %dma_start3A_61 = tpu.memref_slice %arg9[%dma_start3A_58, %dma_start3A_59, %dma_start3A_60] : memref<2x128x128xf32, #tpu.memory_space<vmem>> -> memref<1x128x128xf32, #tpu.memory_space<vmem>>
    %dma_start3A_62 = tpu.memref_squeeze %dma_start3A_61 : memref<1x128x128xf32, #tpu.memory_space<vmem>> -> memref<128x128xf32, #tpu.memory_space<vmem>>
    %dma_start3A_63 = arith.constant 0 : i32
    %dma_start3A_64 = tpu.memref_slice %arg7[%dma_start3A_57, %dma_start3A_63] : memref<40x128xi32, #tpu.memory_space<vmem>> -> memref<1x128xi32, #tpu.memory_space<vmem>>
    %dma_start3A_65 = tpu.memref_squeeze %dma_start3A_64 : memref<1x128xi32, #tpu.memory_space<vmem>> -> memref<128xi32, #tpu.memory_space<vmem>>
    %dma_start3A_66 = arith.constant 0 : i32
    %dma_start3A_67 = arith.constant 0 : i32
    %dma_start3A_68 = tpu.memref_slice %arg2[%dma_start3A_66, %dma_start3A_67] : memref<10000x128xf32, #tpu.memory_space<hbm>> -> memref<10000x128xf32, #tpu.memory_space<hbm>>
    tpu.enqueue_indirect_dma source(%dma_start3A_68 : memref<10000x128xf32, #tpu.memory_space<hbm>>) target(%dma_start3A_62 : memref<128x128xf32, #tpu.memory_space<vmem>>) offsets(%dma_start3A_65 : memref<128xi32, #tpu.memory_space<vmem>>) semaphore(%arg10 : memref<!tpu.dma_semaphore, #tpu.memory_space<semaphore_mem>>)
    %scan3A_69 = arith.constant 0 : i32
    %scan3A_70 = arith.constant 20 : i32
    %scan3A_71 = arith.addi %scan3A_69, %scan3A_70 : i32
    %scan3A_72 = arith.constant 1 : i32
    scf.for %scan3A_104 = %scan3A_69 to %scan3A_71 step %scan3A_72  : i32 {
      %mul3A_105 = arith.constant 2 : i32
      %mul3A_106 = arith.muli %scan3A_104, %mul3A_105 : i32
      %add3A_107 = arith.constant 0 : i32
      %add3A_108 = arith.addi %add3A_107, %mul3A_106 : i32
      %add3A_109 = arith.constant 0 : i32
      %add3A_110 = arith.addi %add3A_108, %add3A_109 : i32
      %add3A_111 = arith.constant 1 : i32
      %add3A_112 = arith.addi %add3A_110, %add3A_111 : i32
      %lt3A = arith.constant 40 : i32
      %lt3A_113 = arith.cmpi slt, %add3A_112, %lt3A : i32
      %convert_element_type3A = arith.extui %lt3A_113 : i1 to i32
      %cond3A = arith.constant 0 : i32
      %cond3A_114 = arith.cmpi ne, %convert_element_type3A, %cond3A : i32
      scf.if %cond3A_114 {
        %ge3A = arith.constant 1 : i32
        %ge3A_168 = arith.cmpi sge, %add3A_110, %ge3A : i32
        %convert_element_type3A_169 = arith.extui %ge3A_168 : i1 to i32
        %cond3A_170 = arith.constant 0 : i32
        %cond3A_171 = arith.cmpi ne, %convert_element_type3A_169, %cond3A_170 : i32
        scf.if %cond3A_171 {
          %sub3A = arith.constant 1 : i32
          %sub3A_185 = arith.subi %add3A_110, %sub3A : i32
          %dma_wait3A_186 = arith.constant 1 : i32
          %dma_wait3A_187 = arith.constant 0 : i32
          %dma_wait3A_188 = arith.constant 0 : i32
          %dma_wait3A_189 = tpu.memref_slice %arg9[%dma_wait3A_186, %dma_wait3A_187, %dma_wait3A_188] : memref<2x128x128xf32, #tpu.memory_space<vmem>> -> memref<1x128x128xf32, #tpu.memory_space<vmem>>
          %dma_wait3A_190 = tpu.memref_squeeze %dma_wait3A_189 : memref<1x128x128xf32, #tpu.memory_space<vmem>> -> memref<128x128xf32, #tpu.memory_space<vmem>>
          %dma_wait3A_191 = arith.constant 0 : i32
          %dma_wait3A_192 = tpu.memref_slice %arg8[%sub3A_185, %dma_wait3A_191] : memref<40x128xi32, #tpu.memory_space<vmem>> -> memref<1x128xi32, #tpu.memory_space<vmem>>
          %dma_wait3A_193 = tpu.memref_squeeze %dma_wait3A_192 : memref<1x128xi32, #tpu.memory_space<vmem>> -> memref<128xi32, #tpu.memory_space<vmem>>
          %dma_wait3A_194 = arith.constant 0 : i32
          %dma_wait3A_195 = arith.constant 0 : i32
          %dma_wait3A_196 = tpu.memref_slice %arg6[%dma_wait3A_194, %dma_wait3A_195] : memref<10240x128xf32, #tpu.memory_space<vmem_shared>> -> memref<10240x128xf32, #tpu.memory_space<vmem_shared>>
          tpu.wait_indirect_dma semaphore(%arg13 : memref<!tpu.dma_semaphore, #tpu.memory_space<semaphore_mem>>) src(%dma_wait3A_190 : memref<128x128xf32, #tpu.memory_space<vmem>>) dst(%dma_wait3A_196 : memref<10240x128xf32, #tpu.memory_space<vmem_shared>>)
        } else {
        }
        %add3A_172 = arith.constant 1 : i32
        %add3A_173 = arith.addi %add3A_110, %add3A_172 : i32
        %dma_start3A_174 = arith.constant 1 : i32
        %dma_start3A_175 = arith.constant 0 : i32
        %dma_start3A_176 = arith.constant 0 : i32
        %dma_start3A_177 = tpu.memref_slice %arg9[%dma_start3A_174, %dma_start3A_175, %dma_start3A_176] : memref<2x128x128xf32, #tpu.memory_space<vmem>> -> memref<1x128x128xf32, #tpu.memory_space<vmem>>
        %dma_start3A_178 = tpu.memref_squeeze %dma_start3A_177 : memref<1x128x128xf32, #tpu.memory_space<vmem>> -> memref<128x128xf32, #tpu.memory_space<vmem>>
        %dma_start3A_179 = arith.constant 0 : i32
        %dma_start3A_180 = tpu.memref_slice %arg7[%add3A_173, %dma_start3A_179] : memref<40x128xi32, #tpu.memory_space<vmem>> -> memref<1x128xi32, #tpu.memory_space<vmem>>
        %dma_start3A_181 = tpu.memref_squeeze %dma_start3A_180 : memref<1x128xi32, #tpu.memory_space<vmem>> -> memref<128xi32, #tpu.memory_space<vmem>>
        %dma_start3A_182 = arith.constant 0 : i32
        %dma_start3A_183 = arith.constant 0 : i32
        %dma_start3A_184 = tpu.memref_slice %arg2[%dma_start3A_182, %dma_start3A_183] : memref<10000x128xf32, #tpu.memory_space<hbm>> -> memref<10000x128xf32, #tpu.memory_space<hbm>>
        tpu.enqueue_indirect_dma source(%dma_start3A_184 : memref<10000x128xf32, #tpu.memory_space<hbm>>) target(%dma_start3A_178 : memref<128x128xf32, #tpu.memory_space<vmem>>) offsets(%dma_start3A_181 : memref<128xi32, #tpu.memory_space<vmem>>) semaphore(%arg11 : memref<!tpu.dma_semaphore, #tpu.memory_space<semaphore_mem>>)
      } else {
      }
      %dma_wait3A_115 = arith.constant 0 : i32
      %dma_wait3A_116 = arith.constant 0 : i32
      %dma_wait3A_117 = arith.constant 0 : i32
      %dma_wait3A_118 = tpu.memref_slice %arg9[%dma_wait3A_115, %dma_wait3A_116, %dma_wait3A_117] : memref<2x128x128xf32, #tpu.memory_space<vmem>> -> memref<1x128x128xf32, #tpu.memory_space<vmem>>
      %dma_wait3A_119 = tpu.memref_squeeze %dma_wait3A_118 : memref<1x128x128xf32, #tpu.memory_space<vmem>> -> memref<128x128xf32, #tpu.memory_space<vmem>>
      %dma_wait3A_120 = arith.constant 0 : i32
      %dma_wait3A_121 = tpu.memref_slice %arg7[%add3A_110, %dma_wait3A_120] : memref<40x128xi32, #tpu.memory_space<vmem>> -> memref<1x128xi32, #tpu.memory_space<vmem>>
      %dma_wait3A_122 = tpu.memref_squeeze %dma_wait3A_121 : memref<1x128xi32, #tpu.memory_space<vmem>> -> memref<128xi32, #tpu.memory_space<vmem>>
      %dma_wait3A_123 = arith.constant 0 : i32
      %dma_wait3A_124 = arith.constant 0 : i32
      %dma_wait3A_125 = tpu.memref_slice %arg2[%dma_wait3A_123, %dma_wait3A_124] : memref<10000x128xf32, #tpu.memory_space<hbm>> -> memref<10000x128xf32, #tpu.memory_space<hbm>>
      tpu.wait_indirect_dma semaphore(%arg10 : memref<!tpu.dma_semaphore, #tpu.memory_space<semaphore_mem>>) src(%dma_wait3A_125 : memref<10000x128xf32, #tpu.memory_space<hbm>>) dst(%dma_wait3A_119 : memref<128x128xf32, #tpu.memory_space<vmem>>)
      %dma_start3A_126 = arith.constant 0 : i32
      %dma_start3A_127 = arith.constant 0 : i32
      %dma_start3A_128 = arith.constant 0 : i32
      %dma_start3A_129 = tpu.memref_slice %arg9[%dma_start3A_126, %dma_start3A_127, %dma_start3A_128] : memref<2x128x128xf32, #tpu.memory_space<vmem>> -> memref<1x128x128xf32, #tpu.memory_space<vmem>>
      %dma_start3A_130 = tpu.memref_squeeze %dma_start3A_129 : memref<1x128x128xf32, #tpu.memory_space<vmem>> -> memref<128x128xf32, #tpu.memory_space<vmem>>
      %dma_start3A_131 = arith.constant 0 : i32
      %dma_start3A_132 = tpu.memref_slice %arg8[%add3A_110, %dma_start3A_131] : memref<40x128xi32, #tpu.memory_space<vmem>> -> memref<1x128xi32, #tpu.memory_space<vmem>>
      %dma_start3A_133 = tpu.memref_squeeze %dma_start3A_132 : memref<1x128xi32, #tpu.memory_space<vmem>> -> memref<128xi32, #tpu.memory_space<vmem>>
      %dma_start3A_134 = arith.constant 0 : i32
      %dma_start3A_135 = arith.constant 0 : i32
      %dma_start3A_136 = tpu.memref_slice %arg6[%dma_start3A_134, %dma_start3A_135] : memref<10240x128xf32, #tpu.memory_space<vmem_shared>> -> memref<10240x128xf32, #tpu.memory_space<vmem_shared>>
      tpu.enqueue_indirect_dma source(%dma_start3A_130 : memref<128x128xf32, #tpu.memory_space<vmem>>) target(%dma_start3A_136 : memref<10240x128xf32, #tpu.memory_space<vmem_shared>>) offsets(%dma_start3A_133 : memref<128xi32, #tpu.memory_space<vmem>>) semaphore(%arg12 : memref<!tpu.dma_semaphore, #tpu.memory_space<semaphore_mem>>) {add = true}
      %add3A_137 = arith.constant 1 : i32
      %add3A_138 = arith.addi %add3A_108, %add3A_137 : i32
      %add3A_139 = arith.constant 1 : i32
      %add3A_140 = arith.addi %add3A_138, %add3A_139 : i32
      %lt3A_141 = arith.constant 40 : i32
      %lt3A_142 = arith.cmpi slt, %add3A_140, %lt3A_141 : i32
      %convert_element_type3A_143 = arith.extui %lt3A_142 : i1 to i32
      %cond3A_144 = arith.constant 0 : i32
      %cond3A_145 = arith.cmpi ne, %convert_element_type3A_143, %cond3A_144 : i32
      scf.if %cond3A_145 {
        %ge3A = arith.constant 1 : i32
        %ge3A_168 = arith.cmpi sge, %add3A_138, %ge3A : i32
        %convert_element_type3A_169 = arith.extui %ge3A_168 : i1 to i32
        %cond3A_170 = arith.constant 0 : i32
        %cond3A_171 = arith.cmpi ne, %convert_element_type3A_169, %cond3A_170 : i32
        scf.if %cond3A_171 {
          %sub3A = arith.constant 1 : i32
          %sub3A_185 = arith.subi %add3A_138, %sub3A : i32
          %dma_wait3A_186 = arith.constant 0 : i32
          %dma_wait3A_187 = arith.constant 0 : i32
          %dma_wait3A_188 = arith.constant 0 : i32
          %dma_wait3A_189 = tpu.memref_slice %arg9[%dma_wait3A_186, %dma_wait3A_187, %dma_wait3A_188] : memref<2x128x128xf32, #tpu.memory_space<vmem>> -> memref<1x128x128xf32, #tpu.memory_space<vmem>>
          %dma_wait3A_190 = tpu.memref_squeeze %dma_wait3A_189 : memref<1x128x128xf32, #tpu.memory_space<vmem>> -> memref<128x128xf32, #tpu.memory_space<vmem>>
          %dma_wait3A_191 = arith.constant 0 : i32
          %dma_wait3A_192 = tpu.memref_slice %arg8[%sub3A_185, %dma_wait3A_191] : memref<40x128xi32, #tpu.memory_space<vmem>> -> memref<1x128xi32, #tpu.memory_space<vmem>>
          %dma_wait3A_193 = tpu.memref_squeeze %dma_wait3A_192 : memref<1x128xi32, #tpu.memory_space<vmem>> -> memref<128xi32, #tpu.memory_space<vmem>>
          %dma_wait3A_194 = arith.constant 0 : i32
          %dma_wait3A_195 = arith.constant 0 : i32
          %dma_wait3A_196 = tpu.memref_slice %arg6[%dma_wait3A_194, %dma_wait3A_195] : memref<10240x128xf32, #tpu.memory_space<vmem_shared>> -> memref<10240x128xf32, #tpu.memory_space<vmem_shared>>
          tpu.wait_indirect_dma semaphore(%arg12 : memref<!tpu.dma_semaphore, #tpu.memory_space<semaphore_mem>>) src(%dma_wait3A_190 : memref<128x128xf32, #tpu.memory_space<vmem>>) dst(%dma_wait3A_196 : memref<10240x128xf32, #tpu.memory_space<vmem_shared>>)
        } else {
        }
        %add3A_172 = arith.constant 1 : i32
        %add3A_173 = arith.addi %add3A_138, %add3A_172 : i32
        %dma_start3A_174 = arith.constant 0 : i32
        %dma_start3A_175 = arith.constant 0 : i32
        %dma_start3A_176 = arith.constant 0 : i32
        %dma_start3A_177 = tpu.memref_slice %arg9[%dma_start3A_174, %dma_start3A_175, %dma_start3A_176] : memref<2x128x128xf32, #tpu.memory_space<vmem>> -> memref<1x128x128xf32, #tpu.memory_space<vmem>>
        %dma_start3A_178 = tpu.memref_squeeze %dma_start3A_177 : memref<1x128x128xf32, #tpu.memory_space<vmem>> -> memref<128x128xf32, #tpu.memory_space<vmem>>
        %dma_start3A_179 = arith.constant 0 : i32
        %dma_start3A_180 = tpu.memref_slice %arg7[%add3A_173, %dma_start3A_179] : memref<40x128xi32, #tpu.memory_space<vmem>> -> memref<1x128xi32, #tpu.memory_space<vmem>>
        %dma_start3A_181 = tpu.memref_squeeze %dma_start3A_180 : memref<1x128xi32, #tpu.memory_space<vmem>> -> memref<128xi32, #tpu.memory_space<vmem>>
        %dma_start3A_182 = arith.constant 0 : i32
        %dma_start3A_183 = arith.constant 0 : i32
        %dma_start3A_184 = tpu.memref_slice %arg2[%dma_start3A_182, %dma_start3A_183] : memref<10000x128xf32, #tpu.memory_space<hbm>> -> memref<10000x128xf32, #tpu.memory_space<hbm>>
        tpu.enqueue_indirect_dma source(%dma_start3A_184 : memref<10000x128xf32, #tpu.memory_space<hbm>>) target(%dma_start3A_178 : memref<128x128xf32, #tpu.memory_space<vmem>>) offsets(%dma_start3A_181 : memref<128xi32, #tpu.memory_space<vmem>>) semaphore(%arg10 : memref<!tpu.dma_semaphore, #tpu.memory_space<semaphore_mem>>)
      } else {
      }
      %dma_wait3A_146 = arith.constant 1 : i32
      %dma_wait3A_147 = arith.constant 0 : i32
      %dma_wait3A_148 = arith.constant 0 : i32
      %dma_wait3A_149 = tpu.memref_slice %arg9[%dma_wait3A_146, %dma_wait3A_147, %dma_wait3A_148] : memref<2x128x128xf32, #tpu.memory_space<vmem>> -> memref<1x128x128xf32, #tpu.memory_space<vmem>>
      %dma_wait3A_150 = tpu.memref_squeeze %dma_wait3A_149 : memref<1x128x128xf32, #tpu.memory_space<vmem>> -> memref<128x128xf32, #tpu.memory_space<vmem>>
      %dma_wait3A_151 = arith.constant 0 : i32
      %dma_wait3A_152 = tpu.memref_slice %arg7[%add3A_138, %dma_wait3A_151] : memref<40x128xi32, #tpu.memory_space<vmem>> -> memref<1x128xi32, #tpu.memory_space<vmem>>
      %dma_wait3A_153 = tpu.memref_squeeze %dma_wait3A_152 : memref<1x128xi32, #tpu.memory_space<vmem>> -> memref<128xi32, #tpu.memory_space<vmem>>
      %dma_wait3A_154 = arith.constant 0 : i32
      %dma_wait3A_155 = arith.constant 0 : i32
      %dma_wait3A_156 = tpu.memref_slice %arg2[%dma_wait3A_154, %dma_wait3A_155] : memref<10000x128xf32, #tpu.memory_space<hbm>> -> memref<10000x128xf32, #tpu.memory_space<hbm>>
      tpu.wait_indirect_dma semaphore(%arg11 : memref<!tpu.dma_semaphore, #tpu.memory_space<semaphore_mem>>) src(%dma_wait3A_156 : memref<10000x128xf32, #tpu.memory_space<hbm>>) dst(%dma_wait3A_150 : memref<128x128xf32, #tpu.memory_space<vmem>>)
      %dma_start3A_157 = arith.constant 1 : i32
      %dma_start3A_158 = arith.constant 0 : i32
      %dma_start3A_159 = arith.constant 0 : i32
      %dma_start3A_160 = tpu.memref_slice %arg9[%dma_start3A_157, %dma_start3A_158, %dma_start3A_159] : memref<2x128x128xf32, #tpu.memory_space<vmem>> -> memref<1x128x128xf32, #tpu.memory_space<vmem>>
      %dma_start3A_161 = tpu.memref_squeeze %dma_start3A_160 : memref<1x128x128xf32, #tpu.memory_space<vmem>> -> memref<128x128xf32, #tpu.memory_space<vmem>>
      %dma_start3A_162 = arith.constant 0 : i32
      %dma_start3A_163 = tpu.memref_slice %arg8[%add3A_138, %dma_start3A_162] : memref<40x128xi32, #tpu.memory_space<vmem>> -> memref<1x128xi32, #tpu.memory_space<vmem>>
      %dma_start3A_164 = tpu.memref_squeeze %dma_start3A_163 : memref<1x128xi32, #tpu.memory_space<vmem>> -> memref<128xi32, #tpu.memory_space<vmem>>
      %dma_start3A_165 = arith.constant 0 : i32
      %dma_start3A_166 = arith.constant 0 : i32
      %dma_start3A_167 = tpu.memref_slice %arg6[%dma_start3A_165, %dma_start3A_166] : memref<10240x128xf32, #tpu.memory_space<vmem_shared>> -> memref<10240x128xf32, #tpu.memory_space<vmem_shared>>
      tpu.enqueue_indirect_dma source(%dma_start3A_161 : memref<128x128xf32, #tpu.memory_space<vmem>>) target(%dma_start3A_167 : memref<10240x128xf32, #tpu.memory_space<vmem_shared>>) offsets(%dma_start3A_164 : memref<128xi32, #tpu.memory_space<vmem>>) semaphore(%arg13 : memref<!tpu.dma_semaphore, #tpu.memory_space<semaphore_mem>>) {add = true}
    }
    %scan3A_73 = arith.constant 20 : i32
    %dma_wait3A_74 = arith.constant 0 : i32
    %dma_wait3A_75 = arith.constant 38 : i32
    %dma_wait3A_76 = arith.constant 0 : i32
    %dma_wait3A_77 = arith.constant 0 : i32
    %dma_wait3A_78 = tpu.memref_slice %arg9[%dma_wait3A_74, %dma_wait3A_76, %dma_wait3A_77] : memref<2x128x128xf32, #tpu.memory_space<vmem>> -> memref<1x128x128xf32, #tpu.memory_space<vmem>>
    %dma_wait3A_79 = tpu.memref_squeeze %dma_wait3A_78 : memref<1x128x128xf32, #tpu.memory_space<vmem>> -> memref<128x128xf32, #tpu.memory_space<vmem>>
    %dma_wait3A_80 = arith.constant 0 : i32
    %dma_wait3A_81 = tpu.memref_slice %arg8[%dma_wait3A_75, %dma_wait3A_80] : memref<40x128xi32, #tpu.memory_space<vmem>> -> memref<1x128xi32, #tpu.memory_space<vmem>>
    %dma_wait3A_82 = tpu.memref_squeeze %dma_wait3A_81 : memref<1x128xi32, #tpu.memory_space<vmem>> -> memref<128xi32, #tpu.memory_space<vmem>>
    %dma_wait3A_83 = arith.constant 0 : i32
    %dma_wait3A_84 = arith.constant 0 : i32
    %dma_wait3A_85 = tpu.memref_slice %arg6[%dma_wait3A_83, %dma_wait3A_84] : memref<10240x128xf32, #tpu.memory_space<vmem_shared>> -> memref<10240x128xf32, #tpu.memory_space<vmem_shared>>
    tpu.wait_indirect_dma semaphore(%arg12 : memref<!tpu.dma_semaphore, #tpu.memory_space<semaphore_mem>>) src(%dma_wait3A_79 : memref<128x128xf32, #tpu.memory_space<vmem>>) dst(%dma_wait3A_85 : memref<10240x128xf32, #tpu.memory_space<vmem_shared>>)
    %dma_wait3A_86 = arith.constant 1 : i32
    %dma_wait3A_87 = arith.constant 39 : i32
    %dma_wait3A_88 = arith.constant 0 : i32
    %dma_wait3A_89 = arith.constant 0 : i32
    %dma_wait3A_90 = tpu.memref_slice %arg9[%dma_wait3A_86, %dma_wait3A_88, %dma_wait3A_89] : memref<2x128x128xf32, #tpu.memory_space<vmem>> -> memref<1x128x128xf32, #tpu.memory_space<vmem>>
    %dma_wait3A_91 = tpu.memref_squeeze %dma_wait3A_90 : memref<1x128x128xf32, #tpu.memory_space<vmem>> -> memref<128x128xf32, #tpu.memory_space<vmem>>
    %dma_wait3A_92 = arith.constant 0 : i32
    %dma_wait3A_93 = tpu.memref_slice %arg8[%dma_wait3A_87, %dma_wait3A_92] : memref<40x128xi32, #tpu.memory_space<vmem>> -> memref<1x128xi32, #tpu.memory_space<vmem>>
    %dma_wait3A_94 = tpu.memref_squeeze %dma_wait3A_93 : memref<1x128xi32, #tpu.memory_space<vmem>> -> memref<128xi32, #tpu.memory_space<vmem>>
    %dma_wait3A_95 = arith.constant 0 : i32
    %dma_wait3A_96 = arith.constant 0 : i32
    %dma_wait3A_97 = tpu.memref_slice %arg6[%dma_wait3A_95, %dma_wait3A_96] : memref<10240x128xf32, #tpu.memory_space<vmem_shared>> -> memref<10240x128xf32, #tpu.memory_space<vmem_shared>>
    tpu.wait_indirect_dma semaphore(%arg13 : memref<!tpu.dma_semaphore, #tpu.memory_space<semaphore_mem>>) src(%dma_wait3A_91 : memref<128x128xf32, #tpu.memory_space<vmem>>) dst(%dma_wait3A_97 : memref<10240x128xf32, #tpu.memory_space<vmem_shared>>)
    %barrier3A_98 = arith.constant 0 : index
    tpu.barrier barrier_id(%barrier3A_98)
    %scan3A_99 = arith.constant 0 : i32
    %scan3A_100 = arith.constant 5 : i32
    %scan3A_101 = arith.addi %scan3A_99, %scan3A_100 : i32
    %scan3A_102 = arith.constant 1 : i32
    scf.for %scan3A_104 = %scan3A_99 to %scan3A_101 step %scan3A_102  : i32 {
      %mul3A_105 = arith.constant 1 : i32
      %mul3A_106 = arith.muli %scan3A_104, %mul3A_105 : i32
      %add3A_107 = arith.constant 0 : i32
      %add3A_108 = arith.addi %add3A_107, %mul3A_106 : i32
      %mul3A_109 = arith.constant 640 : i32
      %mul3A_110 = arith.muli %arg1, %mul3A_109 : i32
      %mul3A_111 = arith.constant 128 : i32
      %mul3A_112 = arith.muli %add3A_108, %mul3A_111 : i32
      %add3A_113 = arith.addi %mul3A_110, %mul3A_112 : i32
      %run_scoped3A = arith.constant 0 : i32
      "tpu.region"() ({
        %run_scoped3A_115 = tpu.sem_alloc : memref<!tpu.dma_semaphore, #tpu.memory_space<semaphore_mem>>
        %dma_start3A_116 = arith.constant 0 : i32
        %dma_start3A_117 = arith.constant 0 : i32
        %dma_start3A_118 = tpu.memref_slice %arg9[%run_scoped3A, %dma_start3A_116, %dma_start3A_117] : memref<2x128x128xf32, #tpu.memory_space<vmem>> -> memref<1x128x128xf32, #tpu.memory_space<vmem>>
        %dma_start3A_119 = tpu.memref_squeeze %dma_start3A_118 : memref<1x128x128xf32, #tpu.memory_space<vmem>> -> memref<128x128xf32, #tpu.memory_space<vmem>>
        %dma_start3A_120 = arith.constant 0 : i32
        %dma_start3A_121 = tpu.memref_slice %arg6[%add3A_113, %dma_start3A_120] : memref<10240x128xf32, #tpu.memory_space<vmem_shared>> -> memref<128x128xf32, #tpu.memory_space<vmem_shared>>
        %dma_start3A_122 = arith.constant 0 : i32
        %dma_start3A_123 = arith.constant 0 : i32
        %dma_start3A_124 = tpu.memref_slice %arg9[%run_scoped3A, %dma_start3A_122, %dma_start3A_123] : memref<2x128x128xf32, #tpu.memory_space<vmem>> -> memref<1x128x128xf32, #tpu.memory_space<vmem>>
        %dma_start3A_125 = tpu.memref_squeeze %dma_start3A_124 : memref<1x128x128xf32, #tpu.memory_space<vmem>> -> memref<128x128xf32, #tpu.memory_space<vmem>>
        %dma_start3A_126 = arith.constant 0 : i32
        %dma_start3A_127 = tpu.memref_slice %arg6[%add3A_113, %dma_start3A_126] : memref<10240x128xf32, #tpu.memory_space<vmem_shared>> -> memref<128x128xf32, #tpu.memory_space<vmem_shared>>
        tpu.enqueue_dma source(%dma_start3A_127 : memref<128x128xf32, #tpu.memory_space<vmem_shared>>) target(%dma_start3A_125 : memref<128x128xf32, #tpu.memory_space<vmem>>) target_semaphore(%run_scoped3A_115 : memref<!tpu.dma_semaphore, #tpu.memory_space<semaphore_mem>>)
        %dma_wait3A_128 = arith.constant 0 : i32
        %dma_wait3A_129 = arith.constant 0 : i32
        %dma_wait3A_130 = tpu.memref_slice %arg9[%run_scoped3A, %dma_wait3A_128, %dma_wait3A_129] : memref<2x128x128xf32, #tpu.memory_space<vmem>> -> memref<1x128x128xf32, #tpu.memory_space<vmem>>
        %dma_wait3A_131 = tpu.memref_squeeze %dma_wait3A_130 : memref<1x128x128xf32, #tpu.memory_space<vmem>> -> memref<128x128xf32, #tpu.memory_space<vmem>>
        %dma_wait3A_132 = arith.constant 0 : i32
        %dma_wait3A_133 = tpu.memref_slice %arg6[%add3A_113, %dma_wait3A_132] : memref<10240x128xf32, #tpu.memory_space<vmem_shared>> -> memref<128x128xf32, #tpu.memory_space<vmem_shared>>
        %dma_wait3A_134 = arith.constant 0 : i32
        %dma_wait3A_135 = arith.constant 0 : i32
        %dma_wait3A_136 = tpu.memref_slice %arg9[%run_scoped3A, %dma_wait3A_134, %dma_wait3A_135] : memref<2x128x128xf32, #tpu.memory_space<vmem>> -> memref<1x128x128xf32, #tpu.memory_space<vmem>>
        %dma_wait3A_137 = tpu.memref_squeeze %dma_wait3A_136 : memref<1x128x128xf32, #tpu.memory_space<vmem>> -> memref<128x128xf32, #tpu.memory_space<vmem>>
        %dma_wait3A_138 = arith.constant 0 : i32
        %dma_wait3A_139 = tpu.memref_slice %arg6[%add3A_113, %dma_wait3A_138] : memref<10240x128xf32, #tpu.memory_space<vmem_shared>> -> memref<128x128xf32, #tpu.memory_space<vmem_shared>>
        tpu.wait_dma2 semaphore(%run_scoped3A_115 : memref<!tpu.dma_semaphore, #tpu.memory_space<semaphore_mem>>) src(%dma_wait3A_139 : memref<128x128xf32, #tpu.memory_space<vmem_shared>>) dst(%dma_wait3A_137 : memref<128x128xf32, #tpu.memory_space<vmem>>)
        tpu.yield
      }) : () -> ()
      %run_scoped3A_114 = arith.constant 0 : i32
      "tpu.region"() ({
        %run_scoped3A_115 = tpu.sem_alloc : memref<!tpu.dma_semaphore, #tpu.memory_space<semaphore_mem>>
        %dma_start3A_116 = arith.constant 0 : i32
        %dma_start3A_117 = arith.constant 0 : i32
        %dma_start3A_118 = tpu.memref_slice %arg9[%run_scoped3A_114, %dma_start3A_116, %dma_start3A_117] : memref<2x128x128xf32, #tpu.memory_space<vmem>> -> memref<1x128x128xf32, #tpu.memory_space<vmem>>
        %dma_start3A_119 = tpu.memref_squeeze %dma_start3A_118 : memref<1x128x128xf32, #tpu.memory_space<vmem>> -> memref<128x128xf32, #tpu.memory_space<vmem>>
        %dma_start3A_120 = arith.constant 0 : i32
        %dma_start3A_121 = tpu.memref_slice %arg5[%arg0, %add3A_113, %dma_start3A_120] : memref<2x10240x128xf32, #tpu.memory_space<hbm>> -> memref<1x128x128xf32, #tpu.memory_space<hbm>>
        %dma_start3A_122 = tpu.memref_squeeze %dma_start3A_121 : memref<1x128x128xf32, #tpu.memory_space<hbm>> -> memref<128x128xf32, #tpu.memory_space<hbm>>
        %dma_start3A_123 = arith.constant 0 : i32
        %dma_start3A_124 = tpu.memref_slice %arg5[%arg0, %add3A_113, %dma_start3A_123] : memref<2x10240x128xf32, #tpu.memory_space<hbm>> -> memref<1x128x128xf32, #tpu.memory_space<hbm>>
        %dma_start3A_125 = tpu.memref_squeeze %dma_start3A_124 : memref<1x128x128xf32, #tpu.memory_space<hbm>> -> memref<128x128xf32, #tpu.memory_space<hbm>>
        %dma_start3A_126 = arith.constant 0 : i32
        %dma_start3A_127 = arith.constant 0 : i32
        %dma_start3A_128 = tpu.memref_slice %arg9[%run_scoped3A_114, %dma_start3A_126, %dma_start3A_127] : memref<2x128x128xf32, #tpu.memory_space<vmem>> -> memref<1x128x128xf32, #tpu.memory_space<vmem>>
        %dma_start3A_129 = tpu.memref_squeeze %dma_start3A_128 : memref<1x128x128xf32, #tpu.memory_space<vmem>> -> memref<128x128xf32, #tpu.memory_space<vmem>>
        tpu.enqueue_dma source(%dma_start3A_129 : memref<128x128xf32, #tpu.memory_space<vmem>>) target(%dma_start3A_125 : memref<128x128xf32, #tpu.memory_space<hbm>>) target_semaphore(%run_scoped3A_115 : memref<!tpu.dma_semaphore, #tpu.memory_space<semaphore_mem>>)
        %dma_wait3A_130 = arith.constant 0 : i32
        %dma_wait3A_131 = arith.constant 0 : i32
        %dma_wait3A_132 = tpu.memref_slice %arg9[%run_scoped3A_114, %dma_wait3A_130, %dma_wait3A_131] : memref<2x128x128xf32, #tpu.memory_space<vmem>> -> memref<1x128x128xf32, #tpu.memory_space<vmem>>
        %dma_wait3A_133 = tpu.memref_squeeze %dma_wait3A_132 : memref<1x128x128xf32, #tpu.memory_space<vmem>> -> memref<128x128xf32, #tpu.memory_space<vmem>>
        %dma_wait3A_134 = arith.constant 0 : i32
        %dma_wait3A_135 = tpu.memref_slice %arg5[%arg0, %add3A_113, %dma_wait3A_134] : memref<2x10240x128xf32, #tpu.memory_space<hbm>> -> memref<1x128x128xf32, #tpu.memory_space<hbm>>
        %dma_wait3A_136 = tpu.memref_squeeze %dma_wait3A_135 : memref<1x128x128xf32, #tpu.memory_space<hbm>> -> memref<128x128xf32, #tpu.memory_space<hbm>>
        %dma_wait3A_137 = arith.constant 0 : i32
        %dma_wait3A_138 = tpu.memref_slice %arg5[%arg0, %add3A_113, %dma_wait3A_137] : memref<2x10240x128xf32, #tpu.memory_space<hbm>> -> memref<1x128x128xf32, #tpu.memory_space<hbm>>
        %dma_wait3A_139 = tpu.memref_squeeze %dma_wait3A_138 : memref<1x128x128xf32, #tpu.memory_space<hbm>> -> memref<128x128xf32, #tpu.memory_space<hbm>>
        %dma_wait3A_140 = arith.constant 0 : i32
        %dma_wait3A_141 = arith.constant 0 : i32
        %dma_wait3A_142 = tpu.memref_slice %arg9[%run_scoped3A_114, %dma_wait3A_140, %dma_wait3A_141] : memref<2x128x128xf32, #tpu.memory_space<vmem>> -> memref<1x128x128xf32, #tpu.memory_space<vmem>>
        %dma_wait3A_143 = tpu.memref_squeeze %dma_wait3A_142 : memref<1x128x128xf32, #tpu.memory_space<vmem>> -> memref<128x128xf32, #tpu.memory_space<vmem>>
        tpu.wait_dma2 semaphore(%run_scoped3A_115 : memref<!tpu.dma_semaphore, #tpu.memory_space<semaphore_mem>>) src(%dma_wait3A_143 : memref<128x128xf32, #tpu.memory_space<vmem>>) dst(%dma_wait3A_139 : memref<128x128xf32, #tpu.memory_space<hbm>>)
        tpu.yield
      }) : () -> ()
    }
    %scan3A_103 = arith.constant 5 : i32
    return
  }
}

#map = affine_map<(d0, d1) -> (0, 0)>
#map1 = affine_map<(d0, d1) -> (0)>
module attributes {stable_mosaic.version = 14 : i64} {
  func.func @k(%arg0: i32, %arg1: i32, %arg2: memref<2560x128xi32, #tpu.memory_space<hbm>>, %arg3: memref<20480xf32, #tpu.memory_space<hbm>>, %arg4: memref<10240xf32, #tpu.memory_space<vmem_shared>>, %arg5: memref<80x128xi32, #tpu.memory_space<vmem>>, %arg6: memref<128xf32, #tpu.memory_space<vmem>>, %arg7: memref<640xf32, #tpu.memory_space<vmem>>) attributes {dimension_semantics = [#tpu.dimension_semantics<core_parallel>, #tpu.dimension_semantics<subcore_parallel>], iteration_bounds = array<i64: 2, 16>, scalar_prefetch = 0 : i64, scratch_operands = 4 : i64, tpu.core_type = #tpu.core_type<sc_vector_subcore>, window_params = [{transform_indices = #map}, {transform_indices = #map1}]} {
    %mul3A = arith.constant 16 : i32
    %mul3A_0 = arith.muli %arg0, %mul3A : i32
    %add3A = arith.addi %mul3A_0, %arg1 : i32
    %scan3A = arith.constant 0 : i32
    %scan3A_1 = arith.constant 8 : i32
    %scan3A_2 = arith.addi %scan3A, %scan3A_1 : i32
    %scan3A_3 = arith.constant 1 : i32
    scf.for %scan3A_27 = %scan3A to %scan3A_2 step %scan3A_3  : i32 {
      %mul3A_28 = arith.constant 16 : i32
      %mul3A_29 = arith.muli %scan3A_27, %mul3A_28 : i32
      %add3A_30 = arith.constant 0 : i32
      %add3A_31 = arith.addi %add3A_30, %mul3A_29 : i32
      %broadcast_in_dim3A = arith.constant 1.000000e+00 : f32
      %broadcast_in_dim3A_32 = vector.broadcast %broadcast_in_dim3A : f32 to vector<16xf32>
      %swap3A = arith.index_cast %add3A_31 : i32 to index
      %swap3A_33 = tpu.vector_load %arg6[%swap3A] {strides = array<i32>} : memref<128xf32, #tpu.memory_space<vmem>>, vector<16xf32>,
      %swap3A_34 = vector.shape_cast %swap3A_33 : vector<16xf32> to vector<16xf32>
      %swap3A_35 = vector.shape_cast %broadcast_in_dim3A_32 : vector<16xf32> to vector<16xf32>
      tpu.vector_store %arg6[%swap3A], %swap3A_35 {strides = array<i32>} : memref<128xf32, #tpu.memory_space<vmem>>, vector<16xf32>,
    }
    %scan3A_4 = arith.constant 8 : i32
    %scan3A_5 = arith.constant 0 : i32
    %scan3A_6 = arith.constant 40 : i32
    %scan3A_7 = arith.addi %scan3A_5, %scan3A_6 : i32
    %scan3A_8 = arith.constant 1 : i32
    scf.for %scan3A_27 = %scan3A_5 to %scan3A_7 step %scan3A_8  : i32 {
      %mul3A_28 = arith.constant 16 : i32
      %mul3A_29 = arith.muli %scan3A_27, %mul3A_28 : i32
      %add3A_30 = arith.constant 0 : i32
      %add3A_31 = arith.addi %add3A_30, %mul3A_29 : i32
      %broadcast_in_dim3A = arith.constant 0.000000e+00 : f32
      %broadcast_in_dim3A_32 = vector.broadcast %broadcast_in_dim3A : f32 to vector<16xf32>
      %swap3A = arith.index_cast %add3A_31 : i32 to index
      %swap3A_33 = tpu.vector_load %arg7[%swap3A] {strides = array<i32>} : memref<640xf32, #tpu.memory_space<vmem>>, vector<16xf32>,
      %swap3A_34 = vector.shape_cast %swap3A_33 : vector<16xf32> to vector<16xf32>
      %swap3A_35 = vector.shape_cast %broadcast_in_dim3A_32 : vector<16xf32> to vector<16xf32>
      tpu.vector_store %arg7[%swap3A], %swap3A_35 {strides = array<i32>} : memref<640xf32, #tpu.memory_space<vmem>>, vector<16xf32>,
    }
    %scan3A_9 = arith.constant 40 : i32
    %mul3A_10 = arith.constant 640 : i32
    %mul3A_11 = arith.muli %arg1, %mul3A_10 : i32
    "tpu.region"() ({
      %run_scoped3A = tpu.sem_alloc : memref<!tpu.dma_semaphore, #tpu.memory_space<semaphore_mem>>
      %dma_start3A = tpu.memref_slice %arg4[%mul3A_11] : memref<10240xf32, #tpu.memory_space<vmem_shared>> -> memref<640xf32, #tpu.memory_space<vmem_shared>>
      %dma_start3A_27 = tpu.memref_slice %arg4[%mul3A_11] : memref<10240xf32, #tpu.memory_space<vmem_shared>> -> memref<640xf32, #tpu.memory_space<vmem_shared>>
      tpu.enqueue_dma source(%arg7 : memref<640xf32, #tpu.memory_space<vmem>>) target(%dma_start3A_27 : memref<640xf32, #tpu.memory_space<vmem_shared>>) target_semaphore(%run_scoped3A : memref<!tpu.dma_semaphore, #tpu.memory_space<semaphore_mem>>)
      %dma_wait3A = tpu.memref_slice %arg4[%mul3A_11] : memref<10240xf32, #tpu.memory_space<vmem_shared>> -> memref<640xf32, #tpu.memory_space<vmem_shared>>
      %dma_wait3A_28 = tpu.memref_slice %arg4[%mul3A_11] : memref<10240xf32, #tpu.memory_space<vmem_shared>> -> memref<640xf32, #tpu.memory_space<vmem_shared>>
      tpu.wait_dma2 semaphore(%run_scoped3A : memref<!tpu.dma_semaphore, #tpu.memory_space<semaphore_mem>>) src(%arg7 : memref<640xf32, #tpu.memory_space<vmem>>) dst(%dma_wait3A_28 : memref<640xf32, #tpu.memory_space<vmem_shared>>)
      tpu.yield
    }) : () -> ()
    %barrier3A = arith.constant 0 : index
    tpu.barrier barrier_id(%barrier3A)
    %mul3A_12 = arith.constant 80 : i32
    %mul3A_13 = arith.muli %add3A, %mul3A_12 : i32
    "tpu.region"() ({
      %run_scoped3A = tpu.sem_alloc : memref<!tpu.dma_semaphore, #tpu.memory_space<semaphore_mem>>
      %dma_start3A = arith.constant 0 : i32
      %dma_start3A_27 = tpu.memref_slice %arg2[%mul3A_13, %dma_start3A] : memref<2560x128xi32, #tpu.memory_space<hbm>> -> memref<80x128xi32, #tpu.memory_space<hbm>>
      %dma_start3A_28 = arith.constant 0 : i32
      %dma_start3A_29 = tpu.memref_slice %arg2[%mul3A_13, %dma_start3A_28] : memref<2560x128xi32, #tpu.memory_space<hbm>> -> memref<80x128xi32, #tpu.memory_space<hbm>>
      tpu.enqueue_dma source(%dma_start3A_29 : memref<80x128xi32, #tpu.memory_space<hbm>>) target(%arg5 : memref<80x128xi32, #tpu.memory_space<vmem>>) target_semaphore(%run_scoped3A : memref<!tpu.dma_semaphore, #tpu.memory_space<semaphore_mem>>)
      %dma_wait3A = arith.constant 0 : i32
      %dma_wait3A_30 = tpu.memref_slice %arg2[%mul3A_13, %dma_wait3A] : memref<2560x128xi32, #tpu.memory_space<hbm>> -> memref<80x128xi32, #tpu.memory_space<hbm>>
      %dma_wait3A_31 = arith.constant 0 : i32
      %dma_wait3A_32 = tpu.memref_slice %arg2[%mul3A_13, %dma_wait3A_31] : memref<2560x128xi32, #tpu.memory_space<hbm>> -> memref<80x128xi32, #tpu.memory_space<hbm>>
      tpu.wait_dma2 semaphore(%run_scoped3A : memref<!tpu.dma_semaphore, #tpu.memory_space<semaphore_mem>>) src(%dma_wait3A_32 : memref<80x128xi32, #tpu.memory_space<hbm>>) dst(%arg5 : memref<80x128xi32, #tpu.memory_space<vmem>>)
      tpu.yield
    }) : () -> ()
    %scan3A_14 = arith.constant 0 : i32
    %scan3A_15 = arith.constant 80 : i32
    %scan3A_16 = arith.addi %scan3A_14, %scan3A_15 : i32
    %scan3A_17 = arith.constant 1 : i32
    scf.for %scan3A_27 = %scan3A_14 to %scan3A_16 step %scan3A_17  : i32 {
      %mul3A_28 = arith.constant 1 : i32
      %mul3A_29 = arith.muli %scan3A_27, %mul3A_28 : i32
      %add3A_30 = arith.constant 0 : i32
      %add3A_31 = arith.addi %add3A_30, %mul3A_29 : i32
      "tpu.region"() ({
        %run_scoped3A = tpu.sem_alloc : memref<!tpu.dma_semaphore, #tpu.memory_space<semaphore_mem>>
        %dma_start3A = arith.constant 0 : i32
        %dma_start3A_32 = tpu.memref_slice %arg5[%add3A_31, %dma_start3A] : memref<80x128xi32, #tpu.memory_space<vmem>> -> memref<1x128xi32, #tpu.memory_space<vmem>>
        %dma_start3A_33 = tpu.memref_squeeze %dma_start3A_32 : memref<1x128xi32, #tpu.memory_space<vmem>> -> memref<128xi32, #tpu.memory_space<vmem>>
        %dma_start3A_34 = arith.constant 0 : i32
        %dma_start3A_35 = tpu.memref_slice %arg4[%dma_start3A_34] : memref<10240xf32, #tpu.memory_space<vmem_shared>> -> memref<10240xf32, #tpu.memory_space<vmem_shared>>
        tpu.enqueue_indirect_dma source(%arg6 : memref<128xf32, #tpu.memory_space<vmem>>) target(%dma_start3A_35 : memref<10240xf32, #tpu.memory_space<vmem_shared>>) offsets(%dma_start3A_33 : memref<128xi32, #tpu.memory_space<vmem>>) semaphore(%run_scoped3A : memref<!tpu.dma_semaphore, #tpu.memory_space<semaphore_mem>>) {add = true}
        %dma_wait3A = arith.constant 0 : i32
        %dma_wait3A_36 = tpu.memref_slice %arg5[%add3A_31, %dma_wait3A] : memref<80x128xi32, #tpu.memory_space<vmem>> -> memref<1x128xi32, #tpu.memory_space<vmem>>
        %dma_wait3A_37 = tpu.memref_squeeze %dma_wait3A_36 : memref<1x128xi32, #tpu.memory_space<vmem>> -> memref<128xi32, #tpu.memory_space<vmem>>
        %dma_wait3A_38 = arith.constant 0 : i32
        %dma_wait3A_39 = tpu.memref_slice %arg4[%dma_wait3A_38] : memref<10240xf32, #tpu.memory_space<vmem_shared>> -> memref<10240xf32, #tpu.memory_space<vmem_shared>>
        tpu.wait_indirect_dma semaphore(%run_scoped3A : memref<!tpu.dma_semaphore, #tpu.memory_space<semaphore_mem>>) src(%arg6 : memref<128xf32, #tpu.memory_space<vmem>>) dst(%dma_wait3A_39 : memref<10240xf32, #tpu.memory_space<vmem_shared>>)
        tpu.yield
      }) : () -> ()
    }
    %scan3A_18 = arith.constant 80 : i32
    %barrier3A_19 = arith.constant 0 : index
    tpu.barrier barrier_id(%barrier3A_19)
    %mul3A_20 = arith.constant 640 : i32
    %mul3A_21 = arith.muli %arg1, %mul3A_20 : i32
    %mul3A_22 = arith.constant 10240 : i32
    %mul3A_23 = arith.muli %arg0, %mul3A_22 : i32
    %mul3A_24 = arith.constant 640 : i32
    %mul3A_25 = arith.muli %arg1, %mul3A_24 : i32
    %add3A_26 = arith.addi %mul3A_23, %mul3A_25 : i32
    "tpu.region"() ({
      %run_scoped3A = tpu.sem_alloc : memref<!tpu.dma_semaphore, #tpu.memory_space<semaphore_mem>>
      %dma_start3A = tpu.memref_slice %arg3[%add3A_26] : memref<20480xf32, #tpu.memory_space<hbm>> -> memref<640xf32, #tpu.memory_space<hbm>>
      %dma_start3A_27 = tpu.memref_slice %arg4[%mul3A_21] : memref<10240xf32, #tpu.memory_space<vmem_shared>> -> memref<640xf32, #tpu.memory_space<vmem_shared>>
      tpu.enqueue_dma source(%dma_start3A_27 : memref<640xf32, #tpu.memory_space<vmem_shared>>) target(%dma_start3A : memref<640xf32, #tpu.memory_space<hbm>>) target_semaphore(%run_scoped3A : memref<!tpu.dma_semaphore, #tpu.memory_space<semaphore_mem>>)
      %dma_wait3A = tpu.memref_slice %arg3[%add3A_26] : memref<20480xf32, #tpu.memory_space<hbm>> -> memref<640xf32, #tpu.memory_space<hbm>>
      %dma_wait3A_28 = tpu.memref_slice %arg4[%mul3A_21] : memref<10240xf32, #tpu.memory_space<vmem_shared>> -> memref<640xf32, #tpu.memory_space<vmem_shared>>
      tpu.wait_dma2 semaphore(%run_scoped3A : memref<!tpu.dma_semaphore, #tpu.memory_space<semaphore_mem>>) src(%dma_wait3A_28 : memref<640xf32, #tpu.memory_space<vmem_shared>>) dst(%dma_wait3A : memref<640xf32, #tpu.memory_space<hbm>>)
      tpu.yield
    }) : () -> ()
    return
  }
}

module attributes {stable_mosaic.version = 14 : i64} {
  func.func @body(%arg0: i32, %arg1: memref<2000x128xf32, #tpu.memory_space<vmem>>, %arg2: memref<128x128xf32, #tpu.memory_space<vmem>>, %arg3: memref<2000x128xf32, #tpu.memory_space<vmem>>) attributes {dimension_semantics = [#tpu.dimension_semantics<arbitrary>], iteration_bounds = array<i64: 5>, scalar_prefetch = 0 : i64, scratch_operands = 0 : i64, tpu.core_type = #tpu.core_type<tc>, window_params = [{transform_indices = @transform_0, window_bounds = array<i64: 2000, 128>}, {pipeline_mode = #tpu.pipeline_mode<synchronous>, transform_indices = @transform_1, window_bounds = array<i64: 128, 128>}, {transform_indices = @transform_2, window_bounds = array<i64: 2000, 128>}]} {
    %get3A = arith.constant 0 : index
    %get3A_0 = arith.constant 0 : index
    %get3A_1 = vector.load %arg1[%get3A, %get3A_0] : memref<2000x128xf32, #tpu.memory_space<vmem>>, vector<2000x128xf32>
    %get3A_2 = arith.constant 0 : index
    %get3A_3 = arith.constant 0 : index
    %get3A_4 = vector.load %arg2[%get3A_2, %get3A_3] : memref<128x128xf32, #tpu.memory_space<vmem>>, vector<128x128xf32>
    %dot_general3A = arith.constant dense<0.000000e+00> : vector<2000x128xf32>
    %dot_general3A_5 = tpu.matmul %get3A_1, %get3A_4, %dot_general3A {dimension_numbers = #tpu.dot_dimension_numbers<[1], [0], [0], [1], [0, 0, 1, 1], [], []>, transpose_lhs_hint = false} : vector<2000x128xf32>, vector<128x128xf32>, vector<2000x128xf32> -> vector<2000x128xf32>
    %swap3A = arith.constant 0 : index
    %swap3A_6 = arith.constant 0 : index
    %swap3A_7 = vector.load %arg3[%swap3A, %swap3A_6] : memref<2000x128xf32, #tpu.memory_space<vmem>>, vector<2000x128xf32>
    tpu.vector_store %arg3[%swap3A, %swap3A_6], %dot_general3A_5 {strides = array<i32>} : memref<2000x128xf32, #tpu.memory_space<vmem>>, vector<2000x128xf32>,
    return
  }
  func.func @transform_0(%arg0: i32) -> (i32, i32) {
    %c0_i32 = arith.constant 0 : i32
    %c0_i32_0 = arith.constant 0 : i32
    return %arg0, %c0_i32 : i32, i32
  }
  func.func @transform_1(%arg0: i32) -> (i32, i32) {
    %c0_i32 = arith.constant 0 : i32
    %c0_i32_0 = arith.constant 0 : i32
    %c0_i32_1 = arith.constant 0 : i32
    return %c0_i32, %c0_i32_0 : i32, i32
  }
  func.func @transform_2(%arg0: i32) -> (i32, i32) {
    %c0_i32 = arith.constant 0 : i32
    %c0_i32_0 = arith.constant 0 : i32
    return %arg0, %c0_i32 : i32, i32
  }
}

module attributes {stable_mosaic.version = 14 : i64} {
  func.func @body(%arg0: i32, %arg1: memref<2000x128xf32, #tpu.memory_space<vmem>>, %arg2: memref<2000x1xf32, #tpu.memory_space<vmem>>, %arg3: memref<2000x1xf32, #tpu.memory_space<vmem>>, %arg4: memref<2000x128xf32, #tpu.memory_space<vmem>>) attributes {dimension_semantics = [#tpu.dimension_semantics<arbitrary>], iteration_bounds = array<i64: 5>, scalar_prefetch = 0 : i64, scratch_operands = 0 : i64, tpu.core_type = #tpu.core_type<tc>, window_params = [{transform_indices = @transform_0, window_bounds = array<i64: 2000, 128>}, {transform_indices = @transform_1, window_bounds = array<i64: 2000, 1>}, {transform_indices = @transform_2, window_bounds = array<i64: 2000, 1>}, {transform_indices = @transform_3, window_bounds = array<i64: 2000, 128>}]} {
    %get3A = arith.constant 0 : index
    %get3A_0 = arith.constant 0 : index
    %get3A_1 = vector.load %arg2[%get3A, %get3A_0] : memref<2000x1xf32, #tpu.memory_space<vmem>>, vector<2000x1xf32>
    %get3A_2 = arith.constant 0 : index
    %get3A_3 = arith.constant 0 : index
    %get3A_4 = vector.load %arg3[%get3A_2, %get3A_3] : memref<2000x1xf32, #tpu.memory_space<vmem>>, vector<2000x1xf32>
    %add3A = arith.addf %get3A_1, %get3A_4 : vector<2000x1xf32>
    %add3A_5 = arith.constant 1.000000e+00 : f32
    %add3A_6 = vector.broadcast %add3A_5 : f32 to vector<2000x1xf32>
    %add3A_7 = arith.addf %add3A, %add3A_6 : vector<2000x1xf32>
    %rsqrt3A = math.rsqrt %add3A_7 : vector<2000x1xf32>
    %get3A_8 = arith.constant 0 : index
    %get3A_9 = arith.constant 0 : index
    %get3A_10 = vector.load %arg1[%get3A_8, %get3A_9] : memref<2000x128xf32, #tpu.memory_space<vmem>>, vector<2000x128xf32>
    %mul3A = vector.broadcast %rsqrt3A : vector<2000x1xf32> to vector<2000x128xf32>
    %mul3A_11 = arith.mulf %get3A_10, %mul3A : vector<2000x128xf32>
    %swap3A = arith.constant 0 : index
    %swap3A_12 = arith.constant 0 : index
    %swap3A_13 = vector.load %arg4[%swap3A, %swap3A_12] : memref<2000x128xf32, #tpu.memory_space<vmem>>, vector<2000x128xf32>
    tpu.vector_store %arg4[%swap3A, %swap3A_12], %mul3A_11 {strides = array<i32>} : memref<2000x128xf32, #tpu.memory_space<vmem>>, vector<2000x128xf32>,
    return
  }
  func.func @transform_0(%arg0: i32) -> (i32, i32) {
    %c0_i32 = arith.constant 0 : i32
    %c0_i32_0 = arith.constant 0 : i32
    return %arg0, %c0_i32 : i32, i32
  }
  func.func @transform_1(%arg0: i32) -> (i32, i32) {
    %c0_i32 = arith.constant 0 : i32
    %c0_i32_0 = arith.constant 0 : i32
    return %arg0, %c0_i32 : i32, i32
  }
  func.func @transform_2(%arg0: i32) -> (i32, i32) {
    %c0_i32 = arith.constant 0 : i32
    %c0_i32_0 = arith.constant 0 : i32
    return %arg0, %c0_i32 : i32, i32
  }
  func.func @transform_3(%arg0: i32) -> (i32, i32) {
    %c0_i32 = arith.constant 0 : i32
    %c0_i32_0 = arith.constant 0 : i32
    return %arg0, %c0_i32 : i32, i32
  }
}

module attributes {stable_mosaic.version = 14 : i64} {
  func.func @body(%arg0: i32, %arg1: memref<1x2000x128xf32, #tpu.memory_space<vmem>>, %arg2: memref<1x2000x128xf32, #tpu.memory_space<vmem>>, %arg3: memref<2000x128xf32, #tpu.memory_space<vmem>>, %arg4: memref<2000x1xf32, #tpu.memory_space<vmem>>, %arg5: memref<2000x1xf32, #tpu.memory_space<vmem>>, %arg6: memref<1x128xf32, #tpu.memory_space<vmem>>, %arg7: memref<1x128xf32, #tpu.memory_space<vmem>>, %arg8: memref<1x128xf32, #tpu.memory_space<vmem>>, %arg9: memref<1x128xf32, #tpu.memory_space<vmem>>, %arg10: memref<128x128xf32, #tpu.memory_space<vmem>>, %arg11: memref<2000x128xf32, #tpu.memory_space<vmem>>) attributes {dimension_semantics = [#tpu.dimension_semantics<arbitrary>], iteration_bounds = array<i64: 5>, scalar_prefetch = 0 : i64, scratch_operands = 0 : i64, tpu.core_type = #tpu.core_type<tc>, window_params = [{transform_indices = @transform_0, window_bounds = array<i64: 1, 2000, 128>}, {transform_indices = @transform_1, window_bounds = array<i64: 1, 2000, 128>}, {transform_indices = @transform_2, window_bounds = array<i64: 2000, 128>}, {transform_indices = @transform_3, window_bounds = array<i64: 2000, 1>}, {transform_indices = @transform_4, window_bounds = array<i64: 2000, 1>}, {pipeline_mode = #tpu.pipeline_mode<synchronous>, transform_indices = @transform_5, window_bounds = array<i64: 1, 128>}, {pipeline_mode = #tpu.pipeline_mode<synchronous>, transform_indices = @transform_6, window_bounds = array<i64: 1, 128>}, {pipeline_mode = #tpu.pipeline_mode<synchronous>, transform_indices = @transform_7, window_bounds = array<i64: 1, 128>}, {pipeline_mode = #tpu.pipeline_mode<synchronous>, transform_indices = @transform_8, window_bounds = array<i64: 1, 128>}, {pipeline_mode = #tpu.pipeline_mode<synchronous>, transform_indices = @transform_9, window_bounds = array<i64: 128, 128>}, {transform_indices = @transform_10, window_bounds = array<i64: 2000, 128>}]} {
    %get3A = arith.constant 0 : index
    %get3A_0 = arith.constant 0 : index
    %get3A_1 = arith.constant 0 : index
    %get3A_2 = vector.load %arg1[%get3A, %get3A_0, %get3A_1] : memref<1x2000x128xf32, #tpu.memory_space<vmem>>, vector<1x2000x128xf32>
    %get3A_3 = vector.shape_cast %get3A_2 : vector<1x2000x128xf32> to vector<2000x128xf32>
    %get3A_4 = arith.constant 0 : index
    %get3A_5 = arith.constant 0 : index
    %get3A_6 = arith.constant 0 : index
    %get3A_7 = vector.load %arg2[%get3A_4, %get3A_5, %get3A_6] : memref<1x2000x128xf32, #tpu.memory_space<vmem>>, vector<1x2000x128xf32>
    %get3A_8 = vector.shape_cast %get3A_7 : vector<1x2000x128xf32> to vector<2000x128xf32>
    %get3A_9 = arith.constant 0 : index
    %get3A_10 = arith.constant 0 : index
    %get3A_11 = vector.load %arg3[%get3A_9, %get3A_10] : memref<2000x128xf32, #tpu.memory_space<vmem>>, vector<2000x128xf32>
    %get3A_12 = arith.constant 0 : index
    %get3A_13 = arith.constant 0 : index
    %get3A_14 = vector.load %arg4[%get3A_12, %get3A_13] : memref<2000x1xf32, #tpu.memory_space<vmem>>, vector<2000x1xf32>
    %get3A_15 = arith.constant 0 : index
    %get3A_16 = arith.constant 0 : index
    %get3A_17 = vector.load %arg5[%get3A_15, %get3A_16] : memref<2000x1xf32, #tpu.memory_space<vmem>>, vector<2000x1xf32>
    %get3A_18 = arith.constant 0 : index
    %get3A_19 = arith.constant 0 : index
    %get3A_20 = vector.load %arg6[%get3A_18, %get3A_19] : memref<1x128xf32, #tpu.memory_space<vmem>>, vector<1x128xf32>
    %get3A_21 = arith.constant 0 : index
    %get3A_22 = arith.constant 0 : index
    %get3A_23 = vector.load %arg7[%get3A_21, %get3A_22] : memref<1x128xf32, #tpu.memory_space<vmem>>, vector<1x128xf32>
    %get3A_24 = arith.constant 0 : index
    %get3A_25 = arith.constant 0 : index
    %get3A_26 = vector.load %arg8[%get3A_24, %get3A_25] : memref<1x128xf32, #tpu.memory_space<vmem>>, vector<1x128xf32>
    %get3A_27 = arith.constant 0 : index
    %get3A_28 = arith.constant 0 : index
    %get3A_29 = vector.load %arg9[%get3A_27, %get3A_28] : memref<1x128xf32, #tpu.memory_space<vmem>>, vector<1x128xf32>
    %add3A = arith.addf %get3A_14, %get3A_17 : vector<2000x1xf32>
    %add3A_30 = arith.constant 1.000000e+00 : f32
    %add3A_31 = vector.broadcast %add3A_30 : f32 to vector<2000x1xf32>
    %add3A_32 = arith.addf %add3A, %add3A_31 : vector<2000x1xf32>
    %rsqrt3A = math.rsqrt %add3A_32 : vector<2000x1xf32>
    %add3A_33 = arith.addf %get3A_3, %get3A_8 : vector<2000x128xf32>
    %add3A_34 = arith.addf %add3A_33, %get3A_11 : vector<2000x128xf32>
    %mul3A = vector.broadcast %rsqrt3A : vector<2000x1xf32> to vector<2000x128xf32>
    %mul3A_35 = arith.mulf %mul3A, %add3A_34 : vector<2000x128xf32>
    %add3A_36 = vector.broadcast %get3A_20 : vector<1x128xf32> to vector<2000x128xf32>
    %add3A_37 = arith.addf %mul3A_35, %add3A_36 : vector<2000x128xf32>
    %reduce_sum3A = arith.constant dense<0.000000e+00> : vector<2000xf32>
    %reduce_sum3A_38 = vector.multi_reduction <add>, %add3A_37, %reduce_sum3A [1] : vector<2000x128xf32> to vector<2000xf32>
    %broadcast_in_dim3A = vector.shape_cast %reduce_sum3A_38 : vector<2000xf32> to vector<2000x1xf32>
    %div3A = arith.constant 1.280000e+02 : f32
    %div3A_39 = vector.broadcast %div3A : f32 to vector<2000x1xf32>
    %div3A_40 = arith.divf %broadcast_in_dim3A, %div3A_39 : vector<2000x1xf32>
    %sub3A = vector.broadcast %div3A_40 : vector<2000x1xf32> to vector<2000x128xf32>
    %sub3A_41 = arith.subf %add3A_37, %sub3A : vector<2000x128xf32>
    %integer_pow3A = arith.mulf %sub3A_41, %sub3A_41 : vector<2000x128xf32>
    %reduce_sum3A_42 = arith.constant dense<0.000000e+00> : vector<2000xf32>
    %reduce_sum3A_43 = vector.multi_reduction <add>, %integer_pow3A, %reduce_sum3A_42 [1] : vector<2000x128xf32> to vector<2000xf32>
    %broadcast_in_dim3A_44 = vector.shape_cast %reduce_sum3A_43 : vector<2000xf32> to vector<2000x1xf32>
    %div3A_45 = arith.constant 1.280000e+02 : f32
    %div3A_46 = vector.broadcast %div3A_45 : f32 to vector<2000x1xf32>
    %div3A_47 = arith.divf %broadcast_in_dim3A_44, %div3A_46 : vector<2000x1xf32>
    %sub3A_48 = vector.broadcast %div3A_40 : vector<2000x1xf32> to vector<2000x128xf32>
    %sub3A_49 = arith.subf %add3A_37, %sub3A_48 : vector<2000x128xf32>
    %add3A_50 = arith.constant 9.99999974E-6 : f32
    %add3A_51 = vector.broadcast %add3A_50 : f32 to vector<2000x1xf32>
    %add3A_52 = arith.addf %div3A_47, %add3A_51 : vector<2000x1xf32>
    %rsqrt3A_53 = math.rsqrt %add3A_52 : vector<2000x1xf32>
    %mul3A_54 = vector.broadcast %rsqrt3A_53 : vector<2000x1xf32> to vector<2000x128xf32>
    %mul3A_55 = arith.mulf %sub3A_49, %mul3A_54 : vector<2000x128xf32>
    %mul3A_56 = vector.broadcast %get3A_23 : vector<1x128xf32> to vector<2000x128xf32>
    %mul3A_57 = arith.mulf %mul3A_55, %mul3A_56 : vector<2000x128xf32>
    %add3A_58 = vector.broadcast %get3A_26 : vector<1x128xf32> to vector<2000x128xf32>
    %add3A_59 = arith.addf %mul3A_57, %add3A_58 : vector<2000x128xf32>
    %gt3A = arith.constant 0.000000e+00 : f32
    %gt3A_60 = vector.broadcast %gt3A : f32 to vector<2000x128xf32>
    %gt3A_61 = arith.cmpf ogt, %add3A_59, %gt3A_60 : vector<2000x128xf32>
    %mul3A_62 = vector.broadcast %get3A_29 : vector<1x128xf32> to vector<2000x128xf32>
    %mul3A_63 = arith.mulf %add3A_59, %mul3A_62 : vector<2000x128xf32>
    %select_n3A = arith.select %gt3A_61, %add3A_59, %mul3A_63 : vector<2000x128xi1>, vector<2000x128xf32>
    %get3A_64 = arith.constant 0 : index
    %get3A_65 = arith.constant 0 : index
    %get3A_66 = vector.load %arg4[%get3A_64, %get3A_65] : memref<2000x1xf32, #tpu.memory_space<vmem>>, vector<2000x1xf32>
    %get3A_67 = arith.constant 0 : index
    %get3A_68 = arith.constant 0 : index
    %get3A_69 = vector.load %arg5[%get3A_67, %get3A_68] : memref<2000x1xf32, #tpu.memory_space<vmem>>, vector<2000x1xf32>
    %add3A_70 = arith.addf %get3A_66, %get3A_69 : vector<2000x1xf32>
    %add3A_71 = arith.constant 1.000000e+00 : f32
    %add3A_72 = vector.broadcast %add3A_71 : f32 to vector<2000x1xf32>
    %add3A_73 = arith.addf %add3A_70, %add3A_72 : vector<2000x1xf32>
    %rsqrt3A_74 = math.rsqrt %add3A_73 : vector<2000x1xf32>
    %get3A_75 = arith.constant 0 : index
    %get3A_76 = arith.constant 0 : index
    %get3A_77 = vector.load %arg10[%get3A_75, %get3A_76] : memref<128x128xf32, #tpu.memory_space<vmem>>, vector<128x128xf32>
    %dot_general3A = arith.constant dense<0.000000e+00> : vector<2000x128xf32>
    %dot_general3A_78 = tpu.matmul %select_n3A, %get3A_77, %dot_general3A {dimension_numbers = #tpu.dot_dimension_numbers<[1], [0], [0], [1], [0, 0, 1, 1], [], []>, transpose_lhs_hint = false} : vector<2000x128xf32>, vector<128x128xf32>, vector<2000x128xf32> -> vector<2000x128xf32>
    %mul3A_79 = vector.broadcast %rsqrt3A_74 : vector<2000x1xf32> to vector<2000x128xf32>
    %mul3A_80 = arith.mulf %dot_general3A_78, %mul3A_79 : vector<2000x128xf32>
    %swap3A = arith.constant 0 : index
    %swap3A_81 = arith.constant 0 : index
    %swap3A_82 = vector.load %arg11[%swap3A, %swap3A_81] : memref<2000x128xf32, #tpu.memory_space<vmem>>, vector<2000x128xf32>
    tpu.vector_store %arg11[%swap3A, %swap3A_81], %mul3A_80 {strides = array<i32>} : memref<2000x128xf32, #tpu.memory_space<vmem>>, vector<2000x128xf32>,
    return
  }
  func.func @transform_0(%arg0: i32) -> (i32, i32, i32) {
    %c0_i32 = arith.constant 0 : i32
    %c0_i32_0 = arith.constant 0 : i32
    %c0_i32_1 = arith.constant 0 : i32
    return %c0_i32, %arg0, %c0_i32_0 : i32, i32, i32
  }
  func.func @transform_1(%arg0: i32) -> (i32, i32, i32) {
    %c1_i32 = arith.constant 1 : i32
    %c0_i32 = arith.constant 0 : i32
    %c0_i32_0 = arith.constant 0 : i32
    return %c1_i32, %arg0, %c0_i32 : i32, i32, i32
  }
  func.func @transform_2(%arg0: i32) -> (i32, i32) {
    %c0_i32 = arith.constant 0 : i32
    %c0_i32_0 = arith.constant 0 : i32
    return %arg0, %c0_i32 : i32, i32
  }
  func.func @transform_3(%arg0: i32) -> (i32, i32) {
    %c0_i32 = arith.constant 0 : i32
    %c0_i32_0 = arith.constant 0 : i32
    return %arg0, %c0_i32 : i32, i32
  }
  func.func @transform_4(%arg0: i32) -> (i32, i32) {
    %c0_i32 = arith.constant 0 : i32
    %c0_i32_0 = arith.constant 0 : i32
    return %arg0, %c0_i32 : i32, i32
  }
  func.func @transform_5(%arg0: i32) -> (i32, i32) {
    %c0_i32 = arith.constant 0 : i32
    %c0_i32_0 = arith.constant 0 : i32
    %c0_i32_1 = arith.constant 0 : i32
    return %c0_i32, %c0_i32_0 : i32, i32
  }
  func.func @transform_6(%arg0: i32) -> (i32, i32) {
    %c0_i32 = arith.constant 0 : i32
    %c0_i32_0 = arith.constant 0 : i32
    %c0_i32_1 = arith.constant 0 : i32
    return %c0_i32, %c0_i32_0 : i32, i32
  }
  func.func @transform_7(%arg0: i32) -> (i32, i32) {
    %c0_i32 = arith.constant 0 : i32
    %c0_i32_0 = arith.constant 0 : i32
    %c0_i32_1 = arith.constant 0 : i32
    return %c0_i32, %c0_i32_0 : i32, i32
  }
  func.func @transform_8(%arg0: i32) -> (i32, i32) {
    %c0_i32 = arith.constant 0 : i32
    %c0_i32_0 = arith.constant 0 : i32
    %c0_i32_1 = arith.constant 0 : i32
    return %c0_i32, %c0_i32_0 : i32, i32
  }
  func.func @transform_9(%arg0: i32) -> (i32, i32) {
    %c0_i32 = arith.constant 0 : i32
    %c0_i32_0 = arith.constant 0 : i32
    %c0_i32_1 = arith.constant 0 : i32
    return %c0_i32, %c0_i32_0 : i32, i32
  }
  func.func @transform_10(%arg0: i32) -> (i32, i32) {
    %c0_i32 = arith.constant 0 : i32
    %c0_i32_0 = arith.constant 0 : i32
    return %arg0, %c0_i32 : i32, i32
  }
}

module attributes {stable_mosaic.version = 14 : i64} {
  func.func @body(%arg0: i32, %arg1: memref<1x2000x128xf32, #tpu.memory_space<vmem>>, %arg2: memref<1x2000x128xf32, #tpu.memory_space<vmem>>, %arg3: memref<2000x128xf32, #tpu.memory_space<vmem>>, %arg4: memref<2000x1xf32, #tpu.memory_space<vmem>>, %arg5: memref<2000x1xf32, #tpu.memory_space<vmem>>, %arg6: memref<1x128xf32, #tpu.memory_space<vmem>>, %arg7: memref<1x128xf32, #tpu.memory_space<vmem>>, %arg8: memref<1x128xf32, #tpu.memory_space<vmem>>, %arg9: memref<1x128xf32, #tpu.memory_space<vmem>>, %arg10: memref<2000x128xf32, #tpu.memory_space<vmem>>) attributes {dimension_semantics = [#tpu.dimension_semantics<arbitrary>], iteration_bounds = array<i64: 5>, scalar_prefetch = 0 : i64, scratch_operands = 0 : i64, tpu.core_type = #tpu.core_type<tc>, window_params = [{transform_indices = @transform_0, window_bounds = array<i64: 1, 2000, 128>}, {transform_indices = @transform_1, window_bounds = array<i64: 1, 2000, 128>}, {transform_indices = @transform_2, window_bounds = array<i64: 2000, 128>}, {transform_indices = @transform_3, window_bounds = array<i64: 2000, 1>}, {transform_indices = @transform_4, window_bounds = array<i64: 2000, 1>}, {pipeline_mode = #tpu.pipeline_mode<synchronous>, transform_indices = @transform_5, window_bounds = array<i64: 1, 128>}, {pipeline_mode = #tpu.pipeline_mode<synchronous>, transform_indices = @transform_6, window_bounds = array<i64: 1, 128>}, {pipeline_mode = #tpu.pipeline_mode<synchronous>, transform_indices = @transform_7, window_bounds = array<i64: 1, 128>}, {pipeline_mode = #tpu.pipeline_mode<synchronous>, transform_indices = @transform_8, window_bounds = array<i64: 1, 128>}, {transform_indices = @transform_9, window_bounds = array<i64: 2000, 128>}]} {
    %get3A = arith.constant 0 : index
    %get3A_0 = arith.constant 0 : index
    %get3A_1 = arith.constant 0 : index
    %get3A_2 = vector.load %arg1[%get3A, %get3A_0, %get3A_1] : memref<1x2000x128xf32, #tpu.memory_space<vmem>>, vector<1x2000x128xf32>
    %get3A_3 = vector.shape_cast %get3A_2 : vector<1x2000x128xf32> to vector<2000x128xf32>
    %get3A_4 = arith.constant 0 : index
    %get3A_5 = arith.constant 0 : index
    %get3A_6 = arith.constant 0 : index
    %get3A_7 = vector.load %arg2[%get3A_4, %get3A_5, %get3A_6] : memref<1x2000x128xf32, #tpu.memory_space<vmem>>, vector<1x2000x128xf32>
    %get3A_8 = vector.shape_cast %get3A_7 : vector<1x2000x128xf32> to vector<2000x128xf32>
    %get3A_9 = arith.constant 0 : index
    %get3A_10 = arith.constant 0 : index
    %get3A_11 = vector.load %arg3[%get3A_9, %get3A_10] : memref<2000x128xf32, #tpu.memory_space<vmem>>, vector<2000x128xf32>
    %get3A_12 = arith.constant 0 : index
    %get3A_13 = arith.constant 0 : index
    %get3A_14 = vector.load %arg4[%get3A_12, %get3A_13] : memref<2000x1xf32, #tpu.memory_space<vmem>>, vector<2000x1xf32>
    %get3A_15 = arith.constant 0 : index
    %get3A_16 = arith.constant 0 : index
    %get3A_17 = vector.load %arg5[%get3A_15, %get3A_16] : memref<2000x1xf32, #tpu.memory_space<vmem>>, vector<2000x1xf32>
    %get3A_18 = arith.constant 0 : index
    %get3A_19 = arith.constant 0 : index
    %get3A_20 = vector.load %arg6[%get3A_18, %get3A_19] : memref<1x128xf32, #tpu.memory_space<vmem>>, vector<1x128xf32>
    %get3A_21 = arith.constant 0 : index
    %get3A_22 = arith.constant 0 : index
    %get3A_23 = vector.load %arg7[%get3A_21, %get3A_22] : memref<1x128xf32, #tpu.memory_space<vmem>>, vector<1x128xf32>
    %get3A_24 = arith.constant 0 : index
    %get3A_25 = arith.constant 0 : index
    %get3A_26 = vector.load %arg8[%get3A_24, %get3A_25] : memref<1x128xf32, #tpu.memory_space<vmem>>, vector<1x128xf32>
    %get3A_27 = arith.constant 0 : index
    %get3A_28 = arith.constant 0 : index
    %get3A_29 = vector.load %arg9[%get3A_27, %get3A_28] : memref<1x128xf32, #tpu.memory_space<vmem>>, vector<1x128xf32>
    %add3A = arith.addf %get3A_14, %get3A_17 : vector<2000x1xf32>
    %add3A_30 = arith.constant 1.000000e+00 : f32
    %add3A_31 = vector.broadcast %add3A_30 : f32 to vector<2000x1xf32>
    %add3A_32 = arith.addf %add3A, %add3A_31 : vector<2000x1xf32>
    %rsqrt3A = math.rsqrt %add3A_32 : vector<2000x1xf32>
    %add3A_33 = arith.addf %get3A_3, %get3A_8 : vector<2000x128xf32>
    %add3A_34 = arith.addf %add3A_33, %get3A_11 : vector<2000x128xf32>
    %mul3A = vector.broadcast %rsqrt3A : vector<2000x1xf32> to vector<2000x128xf32>
    %mul3A_35 = arith.mulf %mul3A, %add3A_34 : vector<2000x128xf32>
    %add3A_36 = vector.broadcast %get3A_20 : vector<1x128xf32> to vector<2000x128xf32>
    %add3A_37 = arith.addf %mul3A_35, %add3A_36 : vector<2000x128xf32>
    %reduce_sum3A = arith.constant dense<0.000000e+00> : vector<2000xf32>
    %reduce_sum3A_38 = vector.multi_reduction <add>, %add3A_37, %reduce_sum3A [1] : vector<2000x128xf32> to vector<2000xf32>
    %broadcast_in_dim3A = vector.shape_cast %reduce_sum3A_38 : vector<2000xf32> to vector<2000x1xf32>
    %div3A = arith.constant 1.280000e+02 : f32
    %div3A_39 = vector.broadcast %div3A : f32 to vector<2000x1xf32>
    %div3A_40 = arith.divf %broadcast_in_dim3A, %div3A_39 : vector<2000x1xf32>
    %sub3A = vector.broadcast %div3A_40 : vector<2000x1xf32> to vector<2000x128xf32>
    %sub3A_41 = arith.subf %add3A_37, %sub3A : vector<2000x128xf32>
    %integer_pow3A = arith.mulf %sub3A_41, %sub3A_41 : vector<2000x128xf32>
    %reduce_sum3A_42 = arith.constant dense<0.000000e+00> : vector<2000xf32>
    %reduce_sum3A_43 = vector.multi_reduction <add>, %integer_pow3A, %reduce_sum3A_42 [1] : vector<2000x128xf32> to vector<2000xf32>
    %broadcast_in_dim3A_44 = vector.shape_cast %reduce_sum3A_43 : vector<2000xf32> to vector<2000x1xf32>
    %div3A_45 = arith.constant 1.280000e+02 : f32
    %div3A_46 = vector.broadcast %div3A_45 : f32 to vector<2000x1xf32>
    %div3A_47 = arith.divf %broadcast_in_dim3A_44, %div3A_46 : vector<2000x1xf32>
    %sub3A_48 = vector.broadcast %div3A_40 : vector<2000x1xf32> to vector<2000x128xf32>
    %sub3A_49 = arith.subf %add3A_37, %sub3A_48 : vector<2000x128xf32>
    %add3A_50 = arith.constant 9.99999974E-6 : f32
    %add3A_51 = vector.broadcast %add3A_50 : f32 to vector<2000x1xf32>
    %add3A_52 = arith.addf %div3A_47, %add3A_51 : vector<2000x1xf32>
    %rsqrt3A_53 = math.rsqrt %add3A_52 : vector<2000x1xf32>
    %mul3A_54 = vector.broadcast %rsqrt3A_53 : vector<2000x1xf32> to vector<2000x128xf32>
    %mul3A_55 = arith.mulf %sub3A_49, %mul3A_54 : vector<2000x128xf32>
    %mul3A_56 = vector.broadcast %get3A_23 : vector<1x128xf32> to vector<2000x128xf32>
    %mul3A_57 = arith.mulf %mul3A_55, %mul3A_56 : vector<2000x128xf32>
    %add3A_58 = vector.broadcast %get3A_26 : vector<1x128xf32> to vector<2000x128xf32>
    %add3A_59 = arith.addf %mul3A_57, %add3A_58 : vector<2000x128xf32>
    %gt3A = arith.constant 0.000000e+00 : f32
    %gt3A_60 = vector.broadcast %gt3A : f32 to vector<2000x128xf32>
    %gt3A_61 = arith.cmpf ogt, %add3A_59, %gt3A_60 : vector<2000x128xf32>
    %mul3A_62 = vector.broadcast %get3A_29 : vector<1x128xf32> to vector<2000x128xf32>
    %mul3A_63 = arith.mulf %add3A_59, %mul3A_62 : vector<2000x128xf32>
    %select_n3A = arith.select %gt3A_61, %add3A_59, %mul3A_63 : vector<2000x128xi1>, vector<2000x128xf32>
    %swap3A = arith.constant 0 : index
    %swap3A_64 = arith.constant 0 : index
    %swap3A_65 = vector.load %arg10[%swap3A, %swap3A_64] : memref<2000x128xf32, #tpu.memory_space<vmem>>, vector<2000x128xf32>
    tpu.vector_store %arg10[%swap3A, %swap3A_64], %select_n3A {strides = array<i32>} : memref<2000x128xf32, #tpu.memory_space<vmem>>, vector<2000x128xf32>,
    return
  }
  func.func @transform_0(%arg0: i32) -> (i32, i32, i32) {
    %c0_i32 = arith.constant 0 : i32
    %c0_i32_0 = arith.constant 0 : i32
    %c0_i32_1 = arith.constant 0 : i32
    return %c0_i32, %arg0, %c0_i32_0 : i32, i32, i32
  }
  func.func @transform_1(%arg0: i32) -> (i32, i32, i32) {
    %c1_i32 = arith.constant 1 : i32
    %c0_i32 = arith.constant 0 : i32
    %c0_i32_0 = arith.constant 0 : i32
    return %c1_i32, %arg0, %c0_i32 : i32, i32, i32
  }
  func.func @transform_2(%arg0: i32) -> (i32, i32) {
    %c0_i32 = arith.constant 0 : i32
    %c0_i32_0 = arith.constant 0 : i32
    return %arg0, %c0_i32 : i32, i32
  }
  func.func @transform_3(%arg0: i32) -> (i32, i32) {
    %c0_i32 = arith.constant 0 : i32
    %c0_i32_0 = arith.constant 0 : i32
    return %arg0, %c0_i32 : i32, i32
  }
  func.func @transform_4(%arg0: i32) -> (i32, i32) {
    %c0_i32 = arith.constant 0 : i32
    %c0_i32_0 = arith.constant 0 : i32
    return %arg0, %c0_i32 : i32, i32
  }
  func.func @transform_5(%arg0: i32) -> (i32, i32) {
    %c0_i32 = arith.constant 0 : i32
    %c0_i32_0 = arith.constant 0 : i32
    %c0_i32_1 = arith.constant 0 : i32
    return %c0_i32, %c0_i32_0 : i32, i32
  }
  func.func @transform_6(%arg0: i32) -> (i32, i32) {
    %c0_i32 = arith.constant 0 : i32
    %c0_i32_0 = arith.constant 0 : i32
    %c0_i32_1 = arith.constant 0 : i32
    return %c0_i32, %c0_i32_0 : i32, i32
  }
  func.func @transform_7(%arg0: i32) -> (i32, i32) {
    %c0_i32 = arith.constant 0 : i32
    %c0_i32_0 = arith.constant 0 : i32
    %c0_i32_1 = arith.constant 0 : i32
    return %c0_i32, %c0_i32_0 : i32, i32
  }
  func.func @transform_8(%arg0: i32) -> (i32, i32) {
    %c0_i32 = arith.constant 0 : i32
    %c0_i32_0 = arith.constant 0 : i32
    %c0_i32_1 = arith.constant 0 : i32
    return %c0_i32, %c0_i32_0 : i32, i32
  }
  func.func @transform_9(%arg0: i32) -> (i32, i32) {
    %c0_i32 = arith.constant 0 : i32
    %c0_i32_0 = arith.constant 0 : i32
    return %arg0, %c0_i32 : i32, i32
  }
}

</mosaic_0001>

<sc_bundles>
// kernel: kernel.12.cloned.1.call-start
scs
__scs_entry_jumppad:
0x0: {  	(pc) =	sbr.rel $0x88, $3  }
0x1: {  	(tag) =	ssettag $0x0;
	lr =	simm.s32 $0x1  }
0x2: {  	[smem:$0x3F96] =	sst lr;
	_ =	strace $0xD0000000  }
0x3: {  	_ = 	snop  }
0x4: {  	_ = 	snop  }
0x5: {  	_ = 	snop  }
0x6: {  	_ = 	snop  }
0x7: {  	_ = 	snop  }
__scs_overlays_trampoline_lowered:
0x8: {  	[smem:$0x3FA5] =	sst s0  }
0x9: {  	[smem:$0x3FA6] =	sst s1  }
0xa: {  	[smem:$0x3FA7] =	sst s2  }
0xb: {  	[smem:$0x3FA8] =	sst s3  }
0xc: {  	[smem:$0x3FA9] =	sst s4  }
0xd: {  	[smem:$0x3FAA] =	sst s5  }
0xe: {  	[smem:$0x3FAB] =	sst s6  }
0xf: {  	[smem:$0x3FAC] =	sst s7  }
0x10: {  	[smem:$0x3FAD] =	sst s8  }
0x11: {  	[smem:$0x3FAE] =	sst s9;
	s0 =	simm.s32 @!p0 $0x0  }
0x12: {  	s1 =	sld [smem:$0x3F94];
	s0 =	simm.s32 @p0 $0x1  }
0x13: {  	[smem:$0x3FAF] =	sst s0;
	s0 =	simm.s32 @!p1 $0x0  }
0x14: {  	s2 =	sld [smem:$0x3F93];
	s0 =	simm.s32 @p1 $0x1  }
0x15: {  	[smem:$0x3FB0] =	sst s0;
	s0 =	simm.s32 @!p2 $0x0  }
0x16: {  	s3 =	sld [smem:$0x3FDB];
	s0 =	simm.s32 @p2 $0x1  }
0x17: {  	s4 =	simm.s32 $0x1BF5;
	[smem:$0x3FB2] =	sst s0  }
0x18: {  	s0 =	sld [smem:$0x3F95];
	_ =	swait.ge [sflag:s4], $0x0  }
0x19: {  	s7 =	sld [smem:$0x3F96]  }
0x1a: {  	s8 =	sadd.s32 $0xFFFFE003, lr  }
0x1b: {  	s9 =	sadd.s32 $0xFFFFFEF7, lr;
	s5 =	simm.s32 $0xFFFFFFFF;
	p2 =	slt.u32 s8, $0xFFFFF086  }
0x1c: {  	p1 =	slt.u32 s9, $0xF7A;
	s5 =	simm.s32 @!p2 $0x0  }
0x1d: {  	s5 =	simm.s32 @p1 $0x1;
	p0 =	seq.s32 s7, s2  }
0x1e: {  	s7 =	smul.u32 @!p0 $0xF7A, s2;
	p2 =	seq.s32 @!p0 s5, $0x0  }
0x1f: {  	s9 =	smul.u32 $0xF7A, s1;
	s8 =	simm.s32 @!p0 $0x1BF5;
	p2 =	por !p2, p0  }
0x20: {  	[sflag:s8] =	ssyncset.s32 @!p0 $0xFFFFF086;
	s6 =	sadd.s32 @!p0 s3, s7;
	s7 =	simm.s32 @!p0 $0x108  }
0x21: {  	s3 =	sadd.s32 s3, s9;
	s6 =	sadd.s32 @!p0 $0x88, s6;
	s7 =	simm.s32 @p2 $0x1082  }
0x22: {  	[simem:s7], [sflag:s8] =	dma.local @!p0 [hbm:s6], $0xF7A  }
0x23: {  	s9 =	sor.u32 $0xD0000000, s2;
	s6 =	simm.s32 $0x108;
	_ =	swait.ge @!p0 [sflag:s8], $0x0  }
0x24: {  	s3 =	sadd.s32 $0x88, s3;
	s6 =	simm.s32 @!p1 $0x1082;
	[sflag:s4] =	ssyncset.s32 $0xFFFFF086  }
0x25: {  	[simem:s6], [sflag:s4] =	dma.local [hbm:s3], $0xF7A  }
0x26: {  	[smem:$0x3F96] =	sst s1;
	(tag) =	ssettag s2;
	_ =	strace s9  }
0x27: {  	s1 =	sld [smem:$0x3FA6]  }
0x28: {  	s2 =	sld [smem:$0x3FA7]  }
0x29: {  	s4 =	sld [smem:$0x3FA9]  }
0x2a: {  	p0 =	seq.s32 s5, $0x0;
	s5 =	sld [smem:$0x3FAA]  }
0x2b: {  	s6 =	sld [smem:$0x3FAB]  }
0x2c: {  	s7 =	sld [smem:$0x3FAC]  }
0x2d: {  	s3 =	simm.s32 $0x108;
	s8 =	sld [smem:$0x3FAD]  }
0x2e: {  	s3 =	simm.s32 @!p0 $0x1082;
	s9 =	sld [smem:$0x3FAE]  }
0x2f: {  	lr =	sadd.s32 s0, s3;
	s0 =	sld [smem:$0x3FA5]  }
0x30: {  	s3 =	sld [smem:$0x3FA8]  }
0x31: {  	[smem:$0x3FB1] =	sst s10  }
0x32: {  	s10 =	sld [smem:$0x3FAF];
	_ =	sdelay $0x3  }
0x33: {  	p0 =	seq.s32 s10, $0x1;
	s10 =	sld [smem:$0x3FB1];
	_ =	sdelay $0x3  }
0x34: {  	[smem:$0x3FB1] =	sst s10  }
0x35: {  	s10 =	sld [smem:$0x3FB0];
	_ =	sdelay $0x3  }
0x36: {  	p1 =	seq.s32 s10, $0x1;
	s10 =	sld [smem:$0x3FB1];
	_ =	sdelay $0x3  }
0x37: {  	[smem:$0x3FB1] =	sst s10  }
0x38: {  	s10 =	sld [smem:$0x3FB2]  }
0x39: {  	_ = 	snop;
	(pc) =	sbr.ind lr, $3  }
0x3a: {  	_ = 	snop  }
0x3b: {  	_ = 	snop  }
0x3c: {  	p2 =	seq.s32 s10, $0x1;
	s10 =	sld [smem:$0x3FB1]  }
0x3d: {  	_ =	shalt  }
0x3e: {  	_ =	shalt  }
0x3f: {  	_ =	shalt  }
0x40: {  	_ =	shalt  }
0x41: {  	_ =	shalt  }
0x42: {  	_ =	shalt  }
0x43: {  	_ =	shalt  }
0x44: {  	_ =	shalt  }
0x45: {  	_ =	shalt  }
0x46: {  	_ =	shalt  }
0x47: {  	_ =	shalt  }
0x48: {  	_ =	shalt  }
0x49: {  	_ =	shalt  }
0x4a: {  	_ =	shalt  }
0x4b: {  	_ =	shalt  }
0x4c: {  	_ =	shalt  }
0x4d: {  	_ =	shalt  }
0x4e: {  	_ =	shalt  }
0x4f: {  	_ =	shalt  }
0x50: {  	_ =	shalt  }
0x51: {  	_ =	shalt  }
0x52: {  	_ =	shalt  }
0x53: {  	_ =	shalt  }
0x54: {  	_ =	shalt  }
0x55: {  	_ =	shalt  }
0x56: {  	_ =	shalt  }
0x57: {  	_ =	shalt  }
0x58: {  	_ =	shalt  }
0x59: {  	_ =	shalt  }
0x5a: {  	_ =	shalt  }
0x5b: {  	_ =	shalt  }
0x5c: {  	_ =	shalt  }
0x5d: {  	_ =	shalt  }
0x5e: {  	_ =	shalt  }
0x5f: {  	_ =	shalt  }
0x60: {  	_ =	shalt  }
0x61: {  	_ =	shalt  }
0x62: {  	_ =	shalt  }
0x63: {  	_ =	shalt  }
0x64: {  	_ =	shalt  }
0x65: {  	_ =	shalt  }
0x66: {  	_ =	shalt  }
0x67: {  	_ =	shalt  }
0x68: {  	_ =	shalt  }
0x69: {  	_ =	shalt  }
0x6a: {  	_ =	shalt  }
0x6b: {  	_ =	shalt  }
0x6c: {  	_ =	shalt  }
0x6d: {  	_ =	shalt  }
0x6e: {  	_ =	shalt  }
0x6f: {  	_ =	shalt  }
0x70: {  	_ =	shalt  }
0x71: {  	_ =	shalt  }
0x72: {  	_ =	shalt  }
0x73: {  	_ =	shalt  }
0x74: {  	_ =	shalt  }
0x75: {  	_ =	shalt  }
0x76: {  	_ =	shalt  }
0x77: {  	_ =	shalt  }
0x78: {  	_ =	shalt  }
0x79: {  	_ =	shalt  }
0x7a: {  	_ =	shalt  }
0x7b: {  	_ =	shalt  }
0x7c: {  	_ =	shalt  }
0x7d: {  	_ =	shalt  }
0x7e: {  	_ =	shalt  }
0x7f: {  	_ =	shalt  }
0x80: {  	_ =	shalt  }
0x81: {  	_ =	shalt  }
0x82: {  	_ =	shalt  }
0x83: {  	_ =	shalt  }
0x84: {  	_ =	shalt  }
0x85: {  	_ =	shalt  }
0x86: {  	_ =	shalt  }
0x87: {  	_ =	shalt  }
.Lfunc_end0:
.L_simem_size_0:
called_computation.1_lowered:
.L_overlay_start_0:
0x88: {  	s2 =	sld [smem:$0x3FD9]  }
0x89: {  	s3 =	sld [smem:$0x3FFE];
	_ =	sdelay $0x1  }
0x8a: {  	s1 =	srdreg.scid  }
0x8b: {  	s0 =	sand.u32 $0x1, s1  }
0x8c: {  	s17 =	sshll.u32 s0, $0xA;
	s2 =	sadd.s32 s3, s2  }
0x8d: {  	s2 =	sadd.s32 s2, s17  }
0x8e: {  	[smem:$0x3FBD] =	sst s2  }
0x8f: {  	_ = 	snop  }
0x90: {  	s2 =	sld [smem:$0x3FD0];
	(tm) =	ssettm $0x1  }
0x91: {  	s18 =	sld [smem:$0x3FFB];
	_ =	sdelay $0x3  }
0x92: {  	_ =	strace s18  }
0x93: {  	s3 =	sld [smem:$0x3FFC];
	_ =	sdelay $0x3  }
0x94: {  	_ =	strace s3  }
0x95: {  	s3 =	sld [smem:$0x3FFD];
	_ =	sdelay $0x3  }
0x96: {  	_ =	strace s3  }
0x97: {  	_ =	strace $0x8FFFFFFF  }
0x98: {  	s19 =	sld [smem:$0x3FDB];
	_ =	sdelay $0x1  }
0x99: {  	s4 =	simm.s32 $_scs_section_size  }
0x9a: {  	s5 =	simm.s32 $_size__tile_overlayer_lowered;
	s6 =	simm.s32 $_tile_overlayer_lowered  }
0x9b: {  	s22 =	simm.s32 $0x1BFF;
	s21 =	sshll.u32 s6, $0x1;
	s3 =	sadd.s32 s4, s19  }
0x9c: {  	s7 =	simm.s32 $0x0;
	s20 =	sshll.u32 s5, $0x1;
	s5 =	sadd.s32 s21, s3  }
0x9d: {  	[timem:s7], [sflag:s22] =	dma.local [hbm:s5], s20  }
0x9e: {  	_ =	swait.ge [sflag:s22], s20  }
0x9f: {  	s4 =	ssub.s32 $0x0, s20;
	[sflag:s22] =	ssyncset.done $0x0  }
0xa0: {  	[sflag:s22] =	ssyncadd.s32 s4;
	_ =	sdelay $0x1  }
0xa1: {  	s23 =	simm.s32 $0x1B8B  }
0xa2: {  	_ =	swait.ge [sflag:s23], $0x1  }
0xa3: {  	[sflag:s23] =	ssyncset.done $0x0  }
0xa4: {  	s25 =	simm.s32 $0x1B8E;
	s24 =	sld [smem:$0x3FFE];
	[sflag:s23] =	ssyncadd.s32 $0xFFFFFFFF  }
0xa5: {  	s26 =	simm.s32 $execute0_lowered;
	[smem:$0x3FD2] =	sst s25  }
0xa6: {  	s5 =	sshll.u32 s26, $0x1;
	_ =	strace $0x80000049;
	[dreg:$0x1] =	wrdreg $0xFFFFFFFF  }
0xa7: {  	s28 =	simm.s32 $_size_execute0_lowered;
	s3 =	sadd.s32 s3, s5;
	[dreg:$0x0] =	wrdreg $0x0  }
0xa8: {  	s5 =	sshll.u32 s28, $0x1;
	[dreg:$0x2] =	wrdreg s3  }
0xa9: {  	[dreg:$0x3] =	wrdreg s5  }
0xaa: {  	[dreg:$0x4] =	wrdreg $0xC0  }
0xab: {  	_ =	task [dreg:s7], $0x5FFFF  }
0xac: {  	[dreg:$0x1] =	wrdreg $0xFFFFFFFF  }
0xad: {  	[dreg:$0x0] =	wrdreg $0x60  }
0xae: {  	[dreg:$0x2] =	wrdreg s2  }
0xaf: {  	[dreg:$0x3] =	wrdreg s24  }
0xb0: {  	[dreg:$0x4] =	wrdreg $0x0  }
0xb1: {  	[dreg:$0x5] =	wrdreg $0x9  }
0xb2: {  	_ =	task.clear_ibuf [dreg:s7], $0x6FFFF;
	_ =	strace $0x90000049  }
0xb3: {  	s29 =	simm.s32 $0x9;
	_ =	strace $0x8000004B  }
0xb4: {  	_ =	swait.ge [sflag:s29], $0x1  }
0xb5: {  	[sflag:s29] =	ssyncadd.s32 $0xFFFFFFFF  }
0xb6: {  	_ =	strace $0x9000004B  }
0xb7: {  	_ =	sfence  }
0xb8: {  	s30 =	sld [smem:$0x0];
	_ =	sdelay $0x2  }
0xb9: {  	s31 =	sshll.u32 s1, $0xD;
	s1 =	sshrl.u32 s1, $0x2  }
0xba: {  	s3 =	sand.u32 $0x4000, s31;
	s1 =	sadd.s32 s1, s30  }
0xbb: {  	s0 =	sor.u32 s3, s0;
	s1 =	sshll.u32 s1, $0x11  }
0xbc: {  	s0 =	sor.u32 s1, s0  }
0xbd: {  	s0 =	sadd.s32 $0x8F2B, s0  }
0xbe: {  	[sflag:s0] =	ssyncadd.remote.s32 $0x1  }
0xbf: {  	_ =	sfence.sel $0xFFFF  }
0xc0: {  	[dreg:$0x0] =	wrdreg $0xFFFFFFFF;
	(pc) =	sbr.abs _section_cstart, $3  }
0xc1: {  	[dreg:$0x1] =	wrdreg $0xFFFFFFFF  }
0xc2: {  	_ =	task.clear_ibuf [dreg:s7], $0x2FFFF;
	_ =	strace $0x9FFFFFFF  }
0xc3: {  	(tm) =	ssettm $0x7FFFFFFF  }
tec
execute0_lowered:
.L_overlay_start_1:
0x0: {  	(tag) =	ssettag $0x1  }
0x1: {  	s1 =	rddreg [dreg:$0x0]  }
0x2: {  	s0 =	rddreg [dreg:$0x1]  }
0x3: {  	s2 =	rddreg [dreg:$0x2];
	s3 =	srdreg.scid;
	s4 =	simm.s32 $0x0  }
0x4: {  	s13 =	stileid.u32;
	s28 =	simm.s32 $0x15400;
	s29 =	simm.s32 $0x80  }
0x5: {  	s30 =	simm.s32 $0x14080;
	s31 =	simm.s32 $0x1A800;
	s3 =	sand.u32 $0x1, s3  }
0x6: {  	[smem:$0x7FF] =	sst s4;
	s6 =	smul.u32 $0x50000, s13;
	s7 =	sadd.s32 $0xD000, s0  }
0x7: {  	s10 =	sadd.s32 $0x3000, s0;
	s0 =	sadd.s32 $0x17000, s0;
	s5 =	sshll.u32 s3, $0x4  }
0x8: {  	_ =	strace $0x8000004A;
	s8 =	ssub.s32 $0x2, s3;
	s3 =	smul.u32 $0x140000, s3  }
0x9: {  	s5 =	sor.u32 s13, s5;
	s11 =	sshrl.u32 s8, $0x1;
	s13 =	smul.u32 $0x14000, s13  }
0xa: {  	s6 =	sshrl.u32 s6, $0x2;
	s9 =	smul.u32 $0x500, s5;
	s8 =	ssub.s32 s8, s11  }
0xb: {  	s12 =	smul.u32 $0x2800, s5;
	s5 =	sadd.s32 s6, s2;
	s14 =	smax.u32 s8, $0x1  }
0xc: {  	s15 =	sadd.s32 $0x4000, s5;
	s16 =	sadd.s32 $0x8000, s5;
	s17 =	sadd.s32 $0xC000, s5  }
0xd: {  	s18 =	sadd.s32 s3, s13;
	s19 =	sadd.s32 $0x4000, s13;
	[dreg:$0x8] =	wrdreg s14  }
0xe: {  	s20 =	sadd.s32 $0x10000, s5;
	s23 =	sadd.s32 $0x8000, s13;
	[dreg:$0x9] =	wrdreg s15  }
0xf: {  	s25 =	sadd.s32 $0xC000, s13;
	s11 =	sadd.s32 s7, s9;
	[dreg:$0xa] =	wrdreg s16  }
0x10: {  	s12 =	sshrl.u32 s12, $0x3;
	s9 =	sadd.s32 s10, s9;
	[dreg:$0xb] =	wrdreg s17  }
0x11: {  	[dreg:$0xc] =	wrdreg s20;
	s21 =	sadd.s32 s3, s19;
	s8 =	sadd.s32 s19, s2  }
0x12: {  	s24 =	sadd.s32 s3, s23;
	s26 =	sadd.s32 s3, s25;
	[dreg:$0x4] =	wrdreg s11  }
0x13: {  	s20 =	sadd.s32 s25, s2;
	s25 =	simm.s32 $0x5;
	[dreg:$0x5] =	wrdreg s9  }
0x14: {  	s6 =	sadd.s32 $0x280, s12;
	s22 =	sshrl.u32 s21, $0x3;
	[dreg:$0xe] =	wrdreg s8  }
0x15: {  	s8 =	simm.s32 $0x15480;
	s9 =	simm.s32 $0x4;
	s11 =	simm.s32 $0x16700  }
0x16: {  	s12 =	simm.s32 $0x16780;
	s7 =	sadd.s32 s7, s6;
	s6 =	sadd.s32 s10, s6  }
0x17: {  	s17 =	sadd.s32 s0, s22;
	s10 =	simm.s32 $0x15380;
	[dreg:$0x6] =	wrdreg s7  }
0x18: {  	[dreg:$0x7] =	wrdreg s6;
	s7 =	sshrl.u32 s18, $0x3;
	s18 =	sadd.s32 s23, s2  }
0x19: {  	s6 =	sadd.s32 $0x10000, s13;
	s13 =	simm.s32 $0x0;
	s7 =	sadd.s32 s0, s7  }
0x1a: {  	s3 =	sadd.s32 s3, s6;
	s22 =	sadd.s32 s6, s2;
	s6 =	simm.s32 $0x14100  }
0x1b: {  	[dreg:$0xd] =	wrdreg s7;
	s7 =	sshrl.u32 s24, $0x3;
	s3 =	sshrl.u32 s3, $0x3  }
0x1c: {  	s24 =	simm.s32 $0x16800;
	s19 =	sadd.s32 s0, s7;
	s7 =	sshrl.u32 s26, $0x3  }
0x1d: {  	s23 =	sadd.s32 s0, s3;
	s26 =	simm.s32 $0x14000;
	s3 =	simm.s32 $0x3  }
0x1e: {  	v0 =	vimm.f32 $0.0e+00;
	s21 =	sadd.s32 s0, s7;
	s0 =	simm.s32 $0x1;
	s7 =	simm.s32 $0x2  }
.LBB2_1:
0x1f: {  	s14 =	simm.s32 $0x0;
	s15 =	simm.s32 $0x200  }
.LBB2_2:
0x20: {  	p0 =	sne.s32 s15, $0xFE00;
	[tilespmem:s14+$0x16870] =	vst v0  }
0x21: {  	[tilespmem:s14+$0x16800] =	vst v0  }
0x22: {  	[tilespmem:s14+$0x16810] =	vst v0  }
.Ltmp0:
0x23: {  	[tilespmem:s14+$0x16820] =	vst v0;
	(pc) =	sbr.rel @p0 .LBB2_2-.Ltmp0, $4  }
0x24: {  	[tilespmem:s14+$0x16830] =	vst v0  }
0x25: {  	[tilespmem:s14+$0x16840] =	vst v0  }
0x26: {  	[tilespmem:s14+$0x16850] =	vst v0  }
0x27: {  	[tilespmem:s14+$0x16860] =	vst v0;
	s14 =	sshra.s32 s15, $0x2;
	s15 =	sadd.s32 $0x200, s15  }
0x28: {  	[tilespmem:s14+$0x16870] =	vst v0  }
0x29: {  	[tilespmem:s14+$0x16800] =	vst v0  }
0x2a: {  	[tilespmem:s14+$0x16810] =	vst v0  }
0x2b: {  	[tilespmem:s14+$0x16820] =	vst v0  }
0x2c: {  	[tilespmem:s14+$0x16830] =	vst v0  }
0x2d: {  	[tilespmem:s14+$0x16840] =	vst v0  }
0x2e: {  	[tilespmem:s14+$0x16850] =	vst v0  }
0x2f: {  	[tilespmem:s14+$0x16860] =	vst v0  }
0x30: {  	[spmem:s5] =	stream.linear.scatter [tilespmem:s24], [sflag:$0x5], $0x4000, $0x38;
	[tilespmem:$0x1E800] =	vst v63  }
0x31: {  	_ =	swait.ge [sflag:s25], $0x4000  }
0x32: {  	[sflag:s25] =	ssyncset.done $0x0  }
0x33: {  	s16 =	rddreg [dreg:$0x9];
	[sflag:s25] =	ssyncadd.s32 $0xFFFFC000  }
0x34: {  	[spmem:s16] =	stream.linear.scatter [tilespmem:s24], [sflag:$0x5], $0x4000, $0x38;
	[tilespmem:$0x1E800] =	vst v63  }
0x35: {  	_ =	swait.ge [sflag:s25], $0x4000  }
0x36: {  	[sflag:s25] =	ssyncset.done $0x0  }
0x37: {  	s15 =	rddreg [dreg:$0xa];
	[sflag:s25] =	ssyncadd.s32 $0xFFFFC000  }
0x38: {  	[spmem:s15] =	stream.linear.scatter [tilespmem:s24], [sflag:$0x5], $0x4000, $0x38;
	[tilespmem:$0x1E800] =	vst v63  }
0x39: {  	_ =	swait.ge [sflag:s25], $0x4000  }
0x3a: {  	[sflag:s25] =	ssyncset.done $0x0  }
0x3b: {  	s16 =	rddreg [dreg:$0xb];
	[sflag:s25] =	ssyncadd.s32 $0xFFFFC000  }
0x3c: {  	[spmem:s16] =	stream.linear.scatter [tilespmem:s24], [sflag:$0x5], $0x4000, $0x38;
	[tilespmem:$0x1E800] =	vst v63  }
0x3d: {  	_ =	swait.ge [sflag:s25], $0x4000  }
0x3e: {  	[sflag:s25] =	ssyncset.done $0x0  }
0x3f: {  	s15 =	rddreg [dreg:$0xc];
	[sflag:s25] =	ssyncadd.s32 $0xFFFFC000  }
0x40: {  	[spmem:s15] =	stream.linear.scatter [tilespmem:s24], [sflag:$0x5], $0x4000, $0x38;
	[tilespmem:$0x1E800] =	vst v63  }
0x41: {  	_ =	swait.ge [sflag:s25], $0x4000  }
0x42: {  	[sflag:s25] =	ssyncset.done $0x0  }
0x43: {  	[sflag:s25] =	ssyncadd.s32 $0xFFFFC000  }
0x44: {  	[bflag:$0x0] =	sbarrier.arrive $0xFFFF  }
0x45: {  	s16 =	rddreg [dreg:$0x4]  }
0x46: {  	[tilespmem:s26], [sflag:$0x5] =	stream.linear.gather [hbm4b:s16+s4], $0x1400, $0x38;
	[tilespmem:$0x1E800] =	vst v63  }
0x47: {  	_ =	swait.ge [sflag:s25], $0x1400  }
0x48: {  	[sflag:s25] =	ssyncset.done $0x0  }
0x49: {  	s15 =	rddreg [dreg:$0x5];
	[sflag:s25] =	ssyncadd.s32 $0xFFFFEC00  }
0x4a: {  	[tilespmem:s28], [sflag:$0x5] =	stream.linear.gather [hbm4b:s15+s4], $0x1400, $0x38;
	[tilespmem:$0x1E800] =	vst v63  }
0x4b: {  	_ =	swait.ge [sflag:s25], $0x1400  }
0x4c: {  	[sflag:s25] =	ssyncset.done $0x0  }
0x4d: {  	[sflag:s25] =	ssyncadd.s32 $0xFFFFEC00  }
0x4e: {  	[tilespmem:s24], [sflag:$0x1] =	stream.indirect.gather [hbm4b:s1+s29], $0x80, s26, s29, $0xb8;
	[tilespmem:$0x1E800] =	vst v63  }
0x4f: {  	_ = 	snop  }
0x50: {  	[tilespmem:s31], [sflag:$0x2] =	stream.indirect.gather [hbm4b:s1+s29], $0x80, s30, s29, $0xb8;
	[tilespmem:$0x1E800] =	vst v63  }
0x51: {  	_ =	swait.ge [sflag:s0], $0x4000  }
0x52: {  	[sflag:s0] =	ssyncset.done $0x0  }
0x53: {  	[sflag:s0] =	ssyncadd.s32 $0xFFFFC000  }
0x54: {  	[spmem:s2] =	stream.indirect.scatter.add.f32 [tilespmem:s24], [sflag:$0x3], $0x80, s28, s29, $0xb8;
	[tilespmem:$0x1E800] =	vst v63  }
0x55: {  	_ =	swait.ge [sflag:s3], $0x4000  }
0x56: {  	[sflag:s3] =	ssyncset.done $0x0  }
0x57: {  	[sflag:s3] =	ssyncadd.s32 $0xFFFFC000  }
0x58: {  	[tilespmem:s24], [sflag:$0x1] =	stream.indirect.gather [hbm4b:s1+s29], $0x80, s6, s29, $0xb8;
	[tilespmem:$0x1E800] =	vst v63  }
0x59: {  	_ =	swait.ge [sflag:s7], $0x4000  }
0x5a: {  	[sflag:s7] =	ssyncset.done $0x0  }
0x5b: {  	[sflag:s7] =	ssyncadd.s32 $0xFFFFC000  }
0x5c: {  	[spmem:s2] =	stream.indirect.scatter.add.f32 [tilespmem:s31], [sflag:$0x4], $0x80, s8, s29, $0xb8;
	[tilespmem:$0x1E800] =	vst v63  }
0x5d: {  	_ =	swait.ge [sflag:s9], $0x4000  }
0x5e: {  	[sflag:s9] =	ssyncset.done $0x0  }
0x5f: {  	s16 =	simm.s32 $0x14180;
	[sflag:s9] =	ssyncadd.s32 $0xFFFFC000  }
0x60: {  	[tilespmem:s31], [sflag:$0x2] =	stream.indirect.gather [hbm4b:s1+s29], $0x80, s16, s29, $0xb8;
	[tilespmem:$0x1E800] =	vst v63  }
0x61: {  	_ =	swait.ge [sflag:s0], $0x4000  }
0x62: {  	[sflag:s0] =	ssyncset.done $0x0  }
0x63: {  	s15 =	simm.s32 $0x15500;
	[sflag:s0] =	ssyncadd.s32 $0xFFFFC000  }
0x64: {  	[spmem:s2] =	stream.indirect.scatter.add.f32 [tilespmem:s24], [sflag:$0x3], $0x80, s15, s29, $0xb8;
	[tilespmem:$0x1E800] =	vst v63  }
0x65: {  	_ =	swait.ge [sflag:s3], $0x4000  }
0x66: {  	[sflag:s3] =	ssyncset.done $0x0  }
0x67: {  	s16 =	simm.s32 $0x14200;
	[sflag:s3] =	ssyncadd.s32 $0xFFFFC000  }
0x68: {  	[tilespmem:s24], [sflag:$0x1] =	stream.indirect.gather [hbm4b:s1+s29], $0x80, s16, s29, $0xb8;
	[tilespmem:$0x1E800] =	vst v63  }
0x69: {  	_ =	swait.ge [sflag:s7], $0x4000  }
0x6a: {  	[sflag:s7] =	ssyncset.done $0x0  }
0x6b: {  	s14 =	simm.s32 $0xFFFFBC00;
	s15 =	simm.s32 $0x15580;
	[sflag:s7] =	ssyncadd.s32 $0xFFFFC000  }
.LBB2_4:
0x6c: {  	[spmem:s2] =	stream.indirect.scatter.add.f32 [tilespmem:s31], [sflag:$0x4], $0x80, s15, s29, $0xb8;
	[tilespmem:$0x1E800] =	vst v63  }
0x6d: {  	s15 =	smov.u32 s14  }
0x6e: {  	p0 =	sne.s32 s14, $0xFFFFFC00;
	s14 =	sadd.s32 $0x400, s14;
	_ =	swait.ge [sflag:s9], $0x4000  }
0x6f: {  	s15 =	sshra.s32 s15, $0x2;
	[sflag:s9] =	ssyncset.done $0x0  }
0x70: {  	s16 =	sadd.s32 $0x15380, s15;
	[sflag:s9] =	ssyncadd.s32 $0xFFFFC000  }
0x71: {  	[tilespmem:s31], [sflag:$0x2] =	stream.indirect.gather [hbm4b:s1+s29], $0x80, s16, s29, $0xb8;
	[tilespmem:$0x1E800] =	vst v63  }
0x72: {  	_ =	swait.ge [sflag:s0], $0x4000  }
0x73: {  	[sflag:s0] =	ssyncset.done $0x0  }
0x74: {  	s16 =	sadd.s32 $0x16700, s15;
	[sflag:s0] =	ssyncadd.s32 $0xFFFFC000  }
0x75: {  	[spmem:s2] =	stream.indirect.scatter.add.f32 [tilespmem:s24], [sflag:$0x3], $0x80, s16, s29, $0xb8;
	[tilespmem:$0x1E800] =	vst v63  }
0x76: {  	_ =	swait.ge [sflag:s3], $0x4000  }
0x77: {  	[sflag:s3] =	ssyncset.done $0x0  }
.Ltmp1:
0x78: {  	s16 =	sadd.s32 $0x15400, s15;
	[sflag:s3] =	ssyncadd.s32 $0xFFFFC000;
	(pc) =	sbr.rel @p0 .LBB2_4-.Ltmp1, $4  }
0x79: {  	[tilespmem:s24], [sflag:$0x1] =	stream.indirect.gather [hbm4b:s1+s29], $0x80, s16, s29, $0xb8;
	[tilespmem:$0x1E800] =	vst v63  }
0x7a: {  	_ =	swait.ge [sflag:s7], $0x4000  }
0x7b: {  	[sflag:s7] =	ssyncset.done $0x0  }
0x7c: {  	s15 =	sadd.s32 $0x16780, s15;
	[sflag:s7] =	ssyncadd.s32 $0xFFFFC000  }
0x7d: {  	[spmem:s2] =	stream.indirect.scatter.add.f32 [tilespmem:s31], [sflag:$0x4], $0x80, s15, s29, $0xb8;
	[tilespmem:$0x1E800] =	vst v63  }
0x7e: {  	_ =	swait.ge [sflag:s9], $0x4000  }
0x7f: {  	[sflag:s9] =	ssyncset.done $0x0  }
0x80: {  	[sflag:s9] =	ssyncadd.s32 $0xFFFFC000  }
0x81: {  	[tilespmem:s31], [sflag:$0x2] =	stream.indirect.gather [hbm4b:s1+s29], $0x80, s10, s29, $0xb8;
	[tilespmem:$0x1E800] =	vst v63  }
0x82: {  	_ =	swait.ge [sflag:s0], $0x4000  }
0x83: {  	[sflag:s0] =	ssyncset.done $0x0  }
0x84: {  	[sflag:s0] =	ssyncadd.s32 $0xFFFFC000  }
0x85: {  	[spmem:s2] =	stream.indirect.scatter.add.f32 [tilespmem:s24], [sflag:$0x3], $0x80, s11, s29, $0xb8;
	[tilespmem:$0x1E800] =	vst v63  }
0x86: {  	_ =	swait.ge [sflag:s7], $0x4000  }
0x87: {  	[sflag:s7] =	ssyncset.done $0x0  }
0x88: {  	[sflag:s7] =	ssyncadd.s32 $0xFFFFC000  }
0x89: {  	[spmem:s2] =	stream.indirect.scatter.add.f32 [tilespmem:s31], [sflag:$0x4], $0x80, s12, s29, $0xb8;
	[tilespmem:$0x1E800] =	vst v63  }
0x8a: {  	_ =	swait.ge [sflag:s3], $0x4000  }
0x8b: {  	[sflag:s3] =	ssyncset.done $0x0  }
0x8c: {  	[sflag:s3] =	ssyncadd.s32 $0xFFFFC000  }
0x8d: {  	_ =	swait.ge [sflag:s9], $0x4000  }
0x8e: {  	[sflag:s9] =	ssyncset.done $0x0  }
0x8f: {  	s14 =	rddreg [dreg:$0x6];
	[sflag:s9] =	ssyncadd.s32 $0xFFFFC000  }
0x90: {  	[tilespmem:s26], [sflag:$0x5] =	stream.linear.gather [hbm4b:s14+s4], $0x1400, $0x38;
	[tilespmem:$0x1E800] =	vst v63  }
0x91: {  	_ =	swait.ge [sflag:s25], $0x1400  }
0x92: {  	[sflag:s25] =	ssyncset.done $0x0  }
0x93: {  	s15 =	rddreg [dreg:$0x7];
	[sflag:s25] =	ssyncadd.s32 $0xFFFFEC00  }
0x94: {  	[tilespmem:s28], [sflag:$0x5] =	stream.linear.gather [hbm4b:s15+s4], $0x1400, $0x38;
	[tilespmem:$0x1E800] =	vst v63  }
0x95: {  	_ =	swait.ge [sflag:s25], $0x1400  }
0x96: {  	[sflag:s25] =	ssyncset.done $0x0  }
0x97: {  	[sflag:s25] =	ssyncadd.s32 $0xFFFFEC00  }
0x98: {  	[tilespmem:s24], [sflag:$0x1] =	stream.indirect.gather [hbm4b:s1+s29], $0x80, s26, s29, $0xb8;
	[tilespmem:$0x1E800] =	vst v63  }
0x99: {  	_ = 	snop  }
0x9a: {  	[tilespmem:s31], [sflag:$0x2] =	stream.indirect.gather [hbm4b:s1+s29], $0x80, s30, s29, $0xb8;
	[tilespmem:$0x1E800] =	vst v63  }
0x9b: {  	_ =	swait.ge [sflag:s0], $0x4000  }
0x9c: {  	[sflag:s0] =	ssyncset.done $0x0  }
0x9d: {  	[sflag:s0] =	ssyncadd.s32 $0xFFFFC000  }
0x9e: {  	[spmem:s2] =	stream.indirect.scatter.add.f32 [tilespmem:s24], [sflag:$0x3], $0x80, s28, s29, $0xb8;
	[tilespmem:$0x1E800] =	vst v63  }
0x9f: {  	_ =	swait.ge [sflag:s3], $0x4000  }
0xa0: {  	[sflag:s3] =	ssyncset.done $0x0  }
0xa1: {  	[sflag:s3] =	ssyncadd.s32 $0xFFFFC000  }
0xa2: {  	[tilespmem:s24], [sflag:$0x1] =	stream.indirect.gather [hbm4b:s1+s29], $0x80, s6, s29, $0xb8;
	[tilespmem:$0x1E800] =	vst v63  }
0xa3: {  	_ =	swait.ge [sflag:s7], $0x4000  }
0xa4: {  	[sflag:s7] =	ssyncset.done $0x0  }
0xa5: {  	[sflag:s7] =	ssyncadd.s32 $0xFFFFC000  }
0xa6: {  	[spmem:s2] =	stream.indirect.scatter.add.f32 [tilespmem:s31], [sflag:$0x4], $0x80, s8, s29, $0xb8;
	[tilespmem:$0x1E800] =	vst v63  }
0xa7: {  	_ =	swait.ge [sflag:s9], $0x4000  }
0xa8: {  	[sflag:s9] =	ssyncset.done $0x0  }
0xa9: {  	s16 =	simm.s32 $0x14180;
	[sflag:s9] =	ssyncadd.s32 $0xFFFFC000  }
0xaa: {  	[tilespmem:s31], [sflag:$0x2] =	stream.indirect.gather [hbm4b:s1+s29], $0x80, s16, s29, $0xb8;
	[tilespmem:$0x1E800] =	vst v63  }
0xab: {  	_ =	swait.ge [sflag:s0], $0x4000  }
0xac: {  	[sflag:s0] =	ssyncset.done $0x0  }
0xad: {  	s15 =	simm.s32 $0x15500;
	[sflag:s0] =	ssyncadd.s32 $0xFFFFC000  }
0xae: {  	[spmem:s2] =	stream.indirect.scatter.add.f32 [tilespmem:s24], [sflag:$0x3], $0x80, s15, s29, $0xb8;
	[tilespmem:$0x1E800] =	vst v63  }
0xaf: {  	_ =	swait.ge [sflag:s3], $0x4000  }
0xb0: {  	[sflag:s3] =	ssyncset.done $0x0  }
0xb1: {  	s16 =	simm.s32 $0x14200;
	[sflag:s3] =	ssyncadd.s32 $0xFFFFC000  }
0xb2: {  	[tilespmem:s24], [sflag:$0x1] =	stream.indirect.gather [hbm4b:s1+s29], $0x80, s16, s29, $0xb8;
	[tilespmem:$0x1E800] =	vst v63  }
0xb3: {  	_ =	swait.ge [sflag:s7], $0x4000  }
0xb4: {  	[sflag:s7] =	ssyncset.done $0x0  }
0xb5: {  	s14 =	simm.s32 $0xFFFFBC00;
	s15 =	simm.s32 $0x15580;
	[sflag:s7] =	ssyncadd.s32 $0xFFFFC000  }
.LBB2_6:
0xb6: {  	[spmem:s2] =	stream.indirect.scatter.add.f32 [tilespmem:s31], [sflag:$0x4], $0x80, s15, s29, $0xb8;
	[tilespmem:$0x1E800] =	vst v63  }
0xb7: {  	s15 =	smov.u32 s14  }
0xb8: {  	p0 =	sne.s32 s14, $0xFFFFFC00;
	s14 =	sadd.s32 $0x400, s14;
	_ =	swait.ge [sflag:s9], $0x4000  }
0xb9: {  	s15 =	sshra.s32 s15, $0x2;
	[sflag:s9] =	ssyncset.done $0x0  }
0xba: {  	s16 =	sadd.s32 $0x15380, s15;
	[sflag:s9] =	ssyncadd.s32 $0xFFFFC000  }
0xbb: {  	[tilespmem:s31], [sflag:$0x2] =	stream.indirect.gather [hbm4b:s1+s29], $0x80, s16, s29, $0xb8;
	[tilespmem:$0x1E800] =	vst v63  }
0xbc: {  	_ =	swait.ge [sflag:s0], $0x4000  }
0xbd: {  	[sflag:s0] =	ssyncset.done $0x0  }
0xbe: {  	s16 =	sadd.s32 $0x16700, s15;
	[sflag:s0] =	ssyncadd.s32 $0xFFFFC000  }
0xbf: {  	[spmem:s2] =	stream.indirect.scatter.add.f32 [tilespmem:s24], [sflag:$0x3], $0x80, s16, s29, $0xb8;
	[tilespmem:$0x1E800] =	vst v63  }
0xc0: {  	_ =	swait.ge [sflag:s3], $0x4000  }
0xc1: {  	[sflag:s3] =	ssyncset.done $0x0  }
.Ltmp2:
0xc2: {  	s16 =	sadd.s32 $0x15400, s15;
	[sflag:s3] =	ssyncadd.s32 $0xFFFFC000;
	(pc) =	sbr.rel @p0 .LBB2_6-.Ltmp2, $4  }
0xc3: {  	[tilespmem:s24], [sflag:$0x1] =	stream.indirect.gather [hbm4b:s1+s29], $0x80, s16, s29, $0xb8;
	[tilespmem:$0x1E800] =	vst v63  }
0xc4: {  	_ =	swait.ge [sflag:s7], $0x4000  }
0xc5: {  	[sflag:s7] =	ssyncset.done $0x0  }
0xc6: {  	s15 =	sadd.s32 $0x16780, s15;
	[sflag:s7] =	ssyncadd.s32 $0xFFFFC000  }
0xc7: {  	[spmem:s2] =	stream.indirect.scatter.add.f32 [tilespmem:s31], [sflag:$0x4], $0x80, s15, s29, $0xb8;
	[tilespmem:$0x1E800] =	vst v63  }
0xc8: {  	_ =	swait.ge [sflag:s9], $0x4000  }
0xc9: {  	[sflag:s9] =	ssyncset.done $0x0  }
0xca: {  	[sflag:s9] =	ssyncadd.s32 $0xFFFFC000  }
0xcb: {  	[tilespmem:s31], [sflag:$0x2] =	stream.indirect.gather [hbm4b:s1+s29], $0x80, s10, s29, $0xb8;
	[tilespmem:$0x1E800] =	vst v63  }
0xcc: {  	_ =	swait.ge [sflag:s0], $0x4000  }
0xcd: {  	[sflag:s0] =	ssyncset.done $0x0  }
0xce: {  	[sflag:s0] =	ssyncadd.s32 $0xFFFFC000  }
0xcf: {  	[spmem:s2] =	stream.indirect.scatter.add.f32 [tilespmem:s24], [sflag:$0x3], $0x80, s11, s29, $0xb8;
	[tilespmem:$0x1E800] =	vst v63  }
0xd0: {  	_ =	swait.ge [sflag:s7], $0x4000  }
0xd1: {  	[sflag:s7] =	ssyncset.done $0x0  }
0xd2: {  	[sflag:s7] =	ssyncadd.s32 $0xFFFFC000  }
0xd3: {  	[spmem:s2] =	stream.indirect.scatter.add.f32 [tilespmem:s31], [sflag:$0x4], $0x80, s12, s29, $0xb8;
	[tilespmem:$0x1E800] =	vst v63  }
0xd4: {  	_ =	swait.ge [sflag:s3], $0x4000  }
0xd5: {  	[sflag:s3] =	ssyncset.done $0x0  }
0xd6: {  	[sflag:s3] =	ssyncadd.s32 $0xFFFFC000  }
0xd7: {  	_ =	swait.ge [sflag:s9], $0x4000  }
0xd8: {  	[sflag:s9] =	ssyncset.done $0x0  }
0xd9: {  	[sflag:s9] =	ssyncadd.s32 $0xFFFFC000  }
0xda: {  	[bflag:$0x0] =	sbarrier.arrive $0xFFFF  }
0xdb: {  	[tilespmem:s24], [sflag:$0x5] =	stream.linear.gather [spmem:s5], $0x4000, $0x38;
	[tilespmem:$0x1E800] =	vst v63  }
0xdc: {  	_ =	swait.ge [sflag:s25], $0x4000  }
0xdd: {  	[sflag:s25] =	ssyncset.done $0x0  }
0xde: {  	s14 =	rddreg [dreg:$0xd];
	[sflag:s25] =	ssyncadd.s32 $0xFFFFC000  }
0xdf: {  	[hbm4b:s14+s4] =	stream.linear.scatter [tilespmem:s24], [sflag:$0x5], $0x4000, $0x38;
	[tilespmem:$0x1E800] =	vst v63  }
0xe0: {  	_ =	swait.ge [sflag:s25], $0x4000  }
0xe1: {  	[sflag:s25] =	ssyncset.done $0x0  }
0xe2: {  	s15 =	rddreg [dreg:$0xe];
	[sflag:s25] =	ssyncadd.s32 $0xFFFFC000  }
0xe3: {  	[tilespmem:s24], [sflag:$0x5] =	stream.linear.gather [spmem:s15], $0x4000, $0x38;
	[tilespmem:$0x1E800] =	vst v63  }
0xe4: {  	_ =	swait.ge [sflag:s25], $0x4000  }
0xe5: {  	[sflag:s25] =	ssyncset.done $0x0  }
0xe6: {  	[sflag:s25] =	ssyncadd.s32 $0xFFFFC000  }
0xe7: {  	[hbm4b:s17+s4] =	stream.linear.scatter [tilespmem:s24], [sflag:$0x5], $0x4000, $0x38;
	[tilespmem:$0x1E800] =	vst v63  }
0xe8: {  	_ =	swait.ge [sflag:s25], $0x4000  }
0xe9: {  	[sflag:s25] =	ssyncset.done $0x0  }
0xea: {  	[sflag:s25] =	ssyncadd.s32 $0xFFFFC000  }
0xeb: {  	[tilespmem:s24], [sflag:$0x5] =	stream.linear.gather [spmem:s18], $0x4000, $0x38;
	[tilespmem:$0x1E800] =	vst v63  }
0xec: {  	_ =	swait.ge [sflag:s25], $0x4000  }
0xed: {  	[sflag:s25] =	ssyncset.done $0x0  }
0xee: {  	[sflag:s25] =	ssyncadd.s32 $0xFFFFC000  }
0xef: {  	[hbm4b:s19+s4] =	stream.linear.scatter [tilespmem:s24], [sflag:$0x5], $0x4000, $0x38;
	[tilespmem:$0x1E800] =	vst v63  }
0xf0: {  	_ =	swait.ge [sflag:s25], $0x4000  }
0xf1: {  	[sflag:s25] =	ssyncset.done $0x0  }
0xf2: {  	[sflag:s25] =	ssyncadd.s32 $0xFFFFC000  }
0xf3: {  	[tilespmem:s24], [sflag:$0x5] =	stream.linear.gather [spmem:s20], $0x4000, $0x38;
	[tilespmem:$0x1E800] =	vst v63  }
0xf4: {  	_ =	swait.ge [sflag:s25], $0x4000  }
0xf5: {  	[sflag:s25] =	ssyncset.done $0x0  }
0xf6: {  	[sflag:s25] =	ssyncadd.s32 $0xFFFFC000  }
0xf7: {  	[hbm4b:s21+s4] =	stream.linear.scatter [tilespmem:s24], [sflag:$0x5], $0x4000, $0x38;
	[tilespmem:$0x1E800] =	vst v63  }
0xf8: {  	_ =	swait.ge [sflag:s25], $0x4000  }
0xf9: {  	[sflag:s25] =	ssyncset.done $0x0  }
0xfa: {  	[sflag:s25] =	ssyncadd.s32 $0xFFFFC000  }
0xfb: {  	[tilespmem:s24], [sflag:$0x5] =	stream.linear.gather [spmem:s22], $0x4000, $0x38;
	[tilespmem:$0x1E800] =	vst v63  }
0xfc: {  	_ =	swait.ge [sflag:s25], $0x4000  }
0xfd: {  	[sflag:s25] =	ssyncset.done $0x0  }
0xfe: {  	[sflag:s25] =	ssyncadd.s32 $0xFFFFC000  }
0xff: {  	[hbm4b:s23+s4] =	stream.linear.scatter [tilespmem:s24], [sflag:$0x5], $0x4000, $0x38;
	[tilespmem:$0x1E800] =	vst v63  }
0x100: {  	_ =	swait.ge [sflag:s25], $0x4000  }
0x101: {  	s13 =	sadd.s32 $0x1, s13;
	s16 =	rddreg [dreg:$0x8]  }
0x102: {  	p0 =	sne.s32 s13, s16  }
.Ltmp3:
0x103: {  	_ = 	snop;
	(pc) =	sbr.rel @p0 .LBB2_1-.Ltmp3, $3  }
0x104: {  	_ =	sdelay $0x1  }
0x105: {  	[sflag:s25] =	ssyncset.done $0x0  }
0x106: {  	[sflag:s25] =	ssyncadd.s32 $0xFFFFC000  }
0x107: {  	_ =	sfence.sel $0x180000  }
0x108: {  	[bflag:$0x0] =	sbarrier.arrive $0xFFFF  }
0x109: {  	_ =	strace $0x9000004A  }
0x10a: {  	s0 =	stileid.u32;
	[bflag:$0x2] =	sbarrier.arrive $0xFFFF  }
0x10b: {  	p0 =	sne.s32 s0, $0x0;
	s0 =	rddreg [dreg:$0x3]  }
0x10c: {  	s0 =	sadd.s32 @!p0 $0x100000, s0  }
0x10d: {  	[sflag:s0] =	ssyncadd.tile.s32 @!p0 $0x1;
	_ =	shalt  }
.Lfunc_end2:
_tile_overlayer_lowered:
.L_overlay_start_2:
0x10e: {  	(tag) =	ssettag $0x2  }
0x10f: {  	s0 =	rddreg [dreg:$0x0];
	s2 =	stileid.u32  }
0x110: {  	s1 =	rddreg [dreg:$0x1];
	p0 =	sne.s32 s2, $0x0  }
0x111: {  	s3 =	rddreg [dreg:$0x2];
	[bflag:$0x3] =	sbarrier.arrive $0xFFFF;
	s2 =	simm.s32 @!p0 $0x1C05  }
0x112: {  	[timem:s3], [sflag:s2] =	dma.local @!p0 [hbm:s0], s1  }
0x113: {  	s0 =	simm.s32 @!p0 $0x5  }
0x114: {  	_ =	swait.ge @!p0 [sflag:s0], s1  }
0x115: {  	s1 =	ssub.s32 @!p0 $0x0, s1;
	[sflag:s0] =	ssyncset.done @!p0 $0x0  }
0x116: {  	[sflag:s0] =	ssyncadd.s32 @!p0 s1  }
0x117: {  	[bflag:$0x3] =	sbarrier.arrive $0xFFFF  }
0x118: {  	_ =	shalt  }

// kernel: kernel.15.cloned.1.call-start
scs
__scs_entry_jumppad:
0x0: {  	(pc) =	sbr.rel $0x88, $3  }
0x1: {  	(tag) =	ssettag $0x0;
	lr =	simm.s32 $0x1  }
0x2: {  	[smem:$0x3F96] =	sst lr;
	_ =	strace $0xD0000000  }
0x3: {  	_ = 	snop  }
0x4: {  	_ = 	snop  }
0x5: {  	_ = 	snop  }
0x6: {  	_ = 	snop  }
0x7: {  	_ = 	snop  }
__scs_overlays_trampoline_lowered:
0x8: {  	[smem:$0x3FA5] =	sst s0  }
0x9: {  	[smem:$0x3FA6] =	sst s1  }
0xa: {  	[smem:$0x3FA7] =	sst s2  }
0xb: {  	[smem:$0x3FA8] =	sst s3  }
0xc: {  	[smem:$0x3FA9] =	sst s4  }
0xd: {  	[smem:$0x3FAA] =	sst s5  }
0xe: {  	[smem:$0x3FAB] =	sst s6  }
0xf: {  	[smem:$0x3FAC] =	sst s7  }
0x10: {  	[smem:$0x3FAD] =	sst s8  }
0x11: {  	[smem:$0x3FAE] =	sst s9;
	s0 =	simm.s32 @!p0 $0x0  }
0x12: {  	s1 =	sld [smem:$0x3F94];
	s0 =	simm.s32 @p0 $0x1  }
0x13: {  	[smem:$0x3FAF] =	sst s0;
	s0 =	simm.s32 @!p1 $0x0  }
0x14: {  	s2 =	sld [smem:$0x3F93];
	s0 =	simm.s32 @p1 $0x1  }
0x15: {  	[smem:$0x3FB0] =	sst s0;
	s0 =	simm.s32 @!p2 $0x0  }
0x16: {  	s3 =	sld [smem:$0x3FDB];
	s0 =	simm.s32 @p2 $0x1  }
0x17: {  	s4 =	simm.s32 $0x1BF5;
	[smem:$0x3FB2] =	sst s0  }
0x18: {  	s0 =	sld [smem:$0x3F95];
	_ =	swait.ge [sflag:s4], $0x0  }
0x19: {  	s7 =	sld [smem:$0x3F96]  }
0x1a: {  	s8 =	sadd.s32 $0xFFFFE003, lr  }
0x1b: {  	s9 =	sadd.s32 $0xFFFFFEF7, lr;
	s5 =	simm.s32 $0xFFFFFFFF;
	p2 =	slt.u32 s8, $0xFFFFF086  }
0x1c: {  	p1 =	slt.u32 s9, $0xF7A;
	s5 =	simm.s32 @!p2 $0x0  }
0x1d: {  	s5 =	simm.s32 @p1 $0x1;
	p0 =	seq.s32 s7, s2  }
0x1e: {  	s7 =	smul.u32 @!p0 $0xF7A, s2;
	p2 =	seq.s32 @!p0 s5, $0x0  }
0x1f: {  	s9 =	smul.u32 $0xF7A, s1;
	s8 =	simm.s32 @!p0 $0x1BF5;
	p2 =	por !p2, p0  }
0x20: {  	[sflag:s8] =	ssyncset.s32 @!p0 $0xFFFFF086;
	s6 =	sadd.s32 @!p0 s3, s7;
	s7 =	simm.s32 @!p0 $0x108  }
0x21: {  	s3 =	sadd.s32 s3, s9;
	s6 =	sadd.s32 @!p0 $0x88, s6;
	s7 =	simm.s32 @p2 $0x1082  }
0x22: {  	[simem:s7], [sflag:s8] =	dma.local @!p0 [hbm:s6], $0xF7A  }
0x23: {  	s9 =	sor.u32 $0xD0000000, s2;
	s6 =	simm.s32 $0x108;
	_ =	swait.ge @!p0 [sflag:s8], $0x0  }
0x24: {  	s3 =	sadd.s32 $0x88, s3;
	s6 =	simm.s32 @!p1 $0x1082;
	[sflag:s4] =	ssyncset.s32 $0xFFFFF086  }
0x25: {  	[simem:s6], [sflag:s4] =	dma.local [hbm:s3], $0xF7A  }
0x26: {  	[smem:$0x3F96] =	sst s1;
	(tag) =	ssettag s2;
	_ =	strace s9  }
0x27: {  	s1 =	sld [smem:$0x3FA6]  }
0x28: {  	s2 =	sld [smem:$0x3FA7]  }
0x29: {  	s4 =	sld [smem:$0x3FA9]  }
0x2a: {  	p0 =	seq.s32 s5, $0x0;
	s5 =	sld [smem:$0x3FAA]  }
0x2b: {  	s6 =	sld [smem:$0x3FAB]  }
0x2c: {  	s7 =	sld [smem:$0x3FAC]  }
0x2d: {  	s3 =	simm.s32 $0x108;
	s8 =	sld [smem:$0x3FAD]  }
0x2e: {  	s3 =	simm.s32 @!p0 $0x1082;
	s9 =	sld [smem:$0x3FAE]  }
0x2f: {  	lr =	sadd.s32 s0, s3;
	s0 =	sld [smem:$0x3FA5]  }
0x30: {  	s3 =	sld [smem:$0x3FA8]  }
0x31: {  	[smem:$0x3FB1] =	sst s10  }
0x32: {  	s10 =	sld [smem:$0x3FAF];
	_ =	sdelay $0x3  }
0x33: {  	p0 =	seq.s32 s10, $0x1;
	s10 =	sld [smem:$0x3FB1];
	_ =	sdelay $0x3  }
0x34: {  	[smem:$0x3FB1] =	sst s10  }
0x35: {  	s10 =	sld [smem:$0x3FB0];
	_ =	sdelay $0x3  }
0x36: {  	p1 =	seq.s32 s10, $0x1;
	s10 =	sld [smem:$0x3FB1];
	_ =	sdelay $0x3  }
0x37: {  	[smem:$0x3FB1] =	sst s10  }
0x38: {  	s10 =	sld [smem:$0x3FB2]  }
0x39: {  	_ = 	snop;
	(pc) =	sbr.ind lr, $3  }
0x3a: {  	_ = 	snop  }
0x3b: {  	_ = 	snop  }
0x3c: {  	p2 =	seq.s32 s10, $0x1;
	s10 =	sld [smem:$0x3FB1]  }
0x3d: {  	_ =	shalt  }
0x3e: {  	_ =	shalt  }
0x3f: {  	_ =	shalt  }
0x40: {  	_ =	shalt  }
0x41: {  	_ =	shalt  }
0x42: {  	_ =	shalt  }
0x43: {  	_ =	shalt  }
0x44: {  	_ =	shalt  }
0x45: {  	_ =	shalt  }
0x46: {  	_ =	shalt  }
0x47: {  	_ =	shalt  }
0x48: {  	_ =	shalt  }
0x49: {  	_ =	shalt  }
0x4a: {  	_ =	shalt  }
0x4b: {  	_ =	shalt  }
0x4c: {  	_ =	shalt  }
0x4d: {  	_ =	shalt  }
0x4e: {  	_ =	shalt  }
0x4f: {  	_ =	shalt  }
0x50: {  	_ =	shalt  }
0x51: {  	_ =	shalt  }
0x52: {  	_ =	shalt  }
0x53: {  	_ =	shalt  }
0x54: {  	_ =	shalt  }
0x55: {  	_ =	shalt  }
0x56: {  	_ =	shalt  }
0x57: {  	_ =	shalt  }
0x58: {  	_ =	shalt  }
0x59: {  	_ =	shalt  }
0x5a: {  	_ =	shalt  }
0x5b: {  	_ =	shalt  }
0x5c: {  	_ =	shalt  }
0x5d: {  	_ =	shalt  }
0x5e: {  	_ =	shalt  }
0x5f: {  	_ =	shalt  }
0x60: {  	_ =	shalt  }
0x61: {  	_ =	shalt  }
0x62: {  	_ =	shalt  }
0x63: {  	_ =	shalt  }
0x64: {  	_ =	shalt  }
0x65: {  	_ =	shalt  }
0x66: {  	_ =	shalt  }
0x67: {  	_ =	shalt  }
0x68: {  	_ =	shalt  }
0x69: {  	_ =	shalt  }
0x6a: {  	_ =	shalt  }
0x6b: {  	_ =	shalt  }
0x6c: {  	_ =	shalt  }
0x6d: {  	_ =	shalt  }
0x6e: {  	_ =	shalt  }
0x6f: {  	_ =	shalt  }
0x70: {  	_ =	shalt  }
0x71: {  	_ =	shalt  }
0x72: {  	_ =	shalt  }
0x73: {  	_ =	shalt  }
0x74: {  	_ =	shalt  }
0x75: {  	_ =	shalt  }
0x76: {  	_ =	shalt  }
0x77: {  	_ =	shalt  }
0x78: {  	_ =	shalt  }
0x79: {  	_ =	shalt  }
0x7a: {  	_ =	shalt  }
0x7b: {  	_ =	shalt  }
0x7c: {  	_ =	shalt  }
0x7d: {  	_ =	shalt  }
0x7e: {  	_ =	shalt  }
0x7f: {  	_ =	shalt  }
0x80: {  	_ =	shalt  }
0x81: {  	_ =	shalt  }
0x82: {  	_ =	shalt  }
0x83: {  	_ =	shalt  }
0x84: {  	_ =	shalt  }
0x85: {  	_ =	shalt  }
0x86: {  	_ =	shalt  }
0x87: {  	_ =	shalt  }
.Lfunc_end0:
.L_simem_size_0:
called_computation.2_lowered:
.L_overlay_start_0:
0x88: {  	s2 =	sld [smem:$0x3FD9]  }
0x89: {  	s3 =	sld [smem:$0x3FFE];
	_ =	sdelay $0x1  }
0x8a: {  	s1 =	srdreg.scid  }
0x8b: {  	s0 =	sand.u32 $0x1, s1  }
0x8c: {  	s17 =	sshll.u32 s0, $0xA;
	s2 =	sadd.s32 s3, s2  }
0x8d: {  	s2 =	sadd.s32 s2, s17  }
0x8e: {  	[smem:$0x3FBD] =	sst s2  }
0x8f: {  	_ = 	snop  }
0x90: {  	s2 =	sld [smem:$0x3FD0];
	(tm) =	ssettm $0x1  }
0x91: {  	s18 =	sld [smem:$0x3FFB];
	_ =	sdelay $0x3  }
0x92: {  	_ =	strace s18  }
0x93: {  	s3 =	sld [smem:$0x3FFC];
	_ =	sdelay $0x3  }
0x94: {  	_ =	strace s3  }
0x95: {  	s3 =	sld [smem:$0x3FFD];
	_ =	sdelay $0x3  }
0x96: {  	_ =	strace s3  }
0x97: {  	_ =	strace $0x8FFFFFFF  }
0x98: {  	s19 =	sld [smem:$0x3FDB];
	_ =	sdelay $0x1  }
0x99: {  	s4 =	simm.s32 $_scs_section_size  }
0x9a: {  	s5 =	simm.s32 $_size__tile_overlayer_lowered;
	s6 =	simm.s32 $_tile_overlayer_lowered  }
0x9b: {  	s22 =	simm.s32 $0x1BFF;
	s21 =	sshll.u32 s6, $0x1;
	s3 =	sadd.s32 s4, s19  }
0x9c: {  	s7 =	simm.s32 $0x0;
	s20 =	sshll.u32 s5, $0x1;
	s5 =	sadd.s32 s21, s3  }
0x9d: {  	[timem:s7], [sflag:s22] =	dma.local [hbm:s5], s20  }
0x9e: {  	_ =	swait.ge [sflag:s22], s20  }
0x9f: {  	s4 =	ssub.s32 $0x0, s20;
	[sflag:s22] =	ssyncset.done $0x0  }
0xa0: {  	[sflag:s22] =	ssyncadd.s32 s4;
	_ =	sdelay $0x1  }
0xa1: {  	s23 =	simm.s32 $0x1B8B  }
0xa2: {  	_ =	swait.ge [sflag:s23], $0x1  }
0xa3: {  	[sflag:s23] =	ssyncset.done $0x0  }
0xa4: {  	s25 =	simm.s32 $0x1B8E;
	s24 =	sld [smem:$0x3FFE];
	[sflag:s23] =	ssyncadd.s32 $0xFFFFFFFF  }
0xa5: {  	s26 =	simm.s32 $execute0_lowered;
	[smem:$0x3FD2] =	sst s25  }
0xa6: {  	s5 =	sshll.u32 s26, $0x1;
	_ =	strace $0x8000004C;
	[dreg:$0x1] =	wrdreg $0xFFFFFFFF  }
0xa7: {  	s28 =	simm.s32 $_size_execute0_lowered;
	s3 =	sadd.s32 s3, s5;
	[dreg:$0x0] =	wrdreg $0x0  }
0xa8: {  	s5 =	sshll.u32 s28, $0x1;
	[dreg:$0x2] =	wrdreg s3  }
0xa9: {  	[dreg:$0x3] =	wrdreg s5  }
0xaa: {  	[dreg:$0x4] =	wrdreg $0xC0  }
0xab: {  	_ =	task [dreg:s7], $0x5FFFF  }
0xac: {  	[dreg:$0x1] =	wrdreg $0xFFFFFFFF  }
0xad: {  	[dreg:$0x0] =	wrdreg $0x60  }
0xae: {  	[dreg:$0x2] =	wrdreg s2  }
0xaf: {  	[dreg:$0x3] =	wrdreg s24  }
0xb0: {  	[dreg:$0x4] =	wrdreg $0x0  }
0xb1: {  	[dreg:$0x5] =	wrdreg $0x9  }
0xb2: {  	_ =	task.clear_ibuf [dreg:s7], $0x6FFFF;
	_ =	strace $0x9000004C  }
0xb3: {  	s29 =	simm.s32 $0x9;
	_ =	strace $0x8000004E  }
0xb4: {  	_ =	swait.ge [sflag:s29], $0x1  }
0xb5: {  	[sflag:s29] =	ssyncadd.s32 $0xFFFFFFFF  }
0xb6: {  	_ =	strace $0x9000004E  }
0xb7: {  	_ =	sfence  }
0xb8: {  	s30 =	sld [smem:$0x0];
	_ =	sdelay $0x2  }
0xb9: {  	s31 =	sshll.u32 s1, $0xD;
	s1 =	sshrl.u32 s1, $0x2  }
0xba: {  	s3 =	sand.u32 $0x4000, s31;
	s1 =	sadd.s32 s1, s30  }
0xbb: {  	s0 =	sor.u32 s3, s0;
	s1 =	sshll.u32 s1, $0x11  }
0xbc: {  	s0 =	sor.u32 s1, s0  }
0xbd: {  	s0 =	sadd.s32 $0x8F2B, s0  }
0xbe: {  	[sflag:s0] =	ssyncadd.remote.s32 $0x1  }
0xbf: {  	_ =	sfence.sel $0xFFFF  }
0xc0: {  	[dreg:$0x0] =	wrdreg $0xFFFFFFFF;
	(pc) =	sbr.abs _section_cstart, $3  }
0xc1: {  	[dreg:$0x1] =	wrdreg $0xFFFFFFFF  }
0xc2: {  	_ =	task.clear_ibuf [dreg:s7], $0x2FFFF;
	_ =	strace $0x9FFFFFFF  }
0xc3: {  	(tm) =	ssettm $0x7FFFFFFF  }
tec
execute0_lowered:
.L_overlay_start_1:
0x0: {  	(tag) =	ssettag $0x1  }
0x1: {  	s1 =	rddreg [dreg:$0x0]  }
0x2: {  	s0 =	rddreg [dreg:$0x1]  }
0x3: {  	s2 =	rddreg [dreg:$0x2];
	s3 =	srdreg.scid;
	s4 =	simm.s32 $0x0  }
0x4: {  	s13 =	stileid.u32;
	s28 =	simm.s32 $0x15400;
	s29 =	simm.s32 $0x80  }
0x5: {  	s30 =	simm.s32 $0x14080;
	s31 =	simm.s32 $0x1A800;
	s3 =	sand.u32 $0x1, s3  }
0x6: {  	[smem:$0x7FF] =	sst s4;
	s6 =	smul.u32 $0x50000, s13;
	s7 =	sadd.s32 $0xD000, s0  }
0x7: {  	s10 =	sadd.s32 $0x3000, s0;
	s0 =	sadd.s32 $0x17000, s0;
	s5 =	sshll.u32 s3, $0x4  }
0x8: {  	_ =	strace $0x8000004D;
	s8 =	ssub.s32 $0x2, s3;
	s3 =	smul.u32 $0x140000, s3  }
0x9: {  	s5 =	sor.u32 s13, s5;
	s11 =	sshrl.u32 s8, $0x1;
	s13 =	smul.u32 $0x14000, s13  }
0xa: {  	s6 =	sshrl.u32 s6, $0x2;
	s9 =	smul.u32 $0x500, s5;
	s8 =	ssub.s32 s8, s11  }
0xb: {  	s12 =	smul.u32 $0x2800, s5;
	s5 =	sadd.s32 s6, s2;
	s14 =	smax.u32 s8, $0x1  }
0xc: {  	s15 =	sadd.s32 $0x4000, s5;
	s16 =	sadd.s32 $0x8000, s5;
	s17 =	sadd.s32 $0xC000, s5  }
0xd: {  	s18 =	sadd.s32 s3, s13;
	s19 =	sadd.s32 $0x4000, s13;
	[dreg:$0x8] =	wrdreg s14  }
0xe: {  	s20 =	sadd.s32 $0x10000, s5;
	s23 =	sadd.s32 $0x8000, s13;
	[dreg:$0x9] =	wrdreg s15  }
0xf: {  	s25 =	sadd.s32 $0xC000, s13;
	s11 =	sadd.s32 s7, s9;
	[dreg:$0xa] =	wrdreg s16  }
0x10: {  	s12 =	sshrl.u32 s12, $0x3;
	s9 =	sadd.s32 s10, s9;
	[dreg:$0xb] =	wrdreg s17  }
0x11: {  	[dreg:$0xc] =	wrdreg s20;
	s21 =	sadd.s32 s3, s19;
	s8 =	sadd.s32 s19, s2  }
0x12: {  	s24 =	sadd.s32 s3, s23;
	s26 =	sadd.s32 s3, s25;
	[dreg:$0x4] =	wrdreg s11  }
0x13: {  	s20 =	sadd.s32 s25, s2;
	s25 =	simm.s32 $0x5;
	[dreg:$0x5] =	wrdreg s9  }
0x14: {  	s6 =	sadd.s32 $0x280, s12;
	s22 =	sshrl.u32 s21, $0x3;
	[dreg:$0xe] =	wrdreg s8  }
0x15: {  	s8 =	simm.s32 $0x15480;
	s9 =	simm.s32 $0x4;
	s11 =	simm.s32 $0x16700  }
0x16: {  	s12 =	simm.s32 $0x16780;
	s7 =	sadd.s32 s7, s6;
	s6 =	sadd.s32 s10, s6  }
0x17: {  	s17 =	sadd.s32 s0, s22;
	s10 =	simm.s32 $0x15380;
	[dreg:$0x6] =	wrdreg s7  }
0x18: {  	[dreg:$0x7] =	wrdreg s6;
	s7 =	sshrl.u32 s18, $0x3;
	s18 =	sadd.s32 s23, s2  }
0x19: {  	s6 =	sadd.s32 $0x10000, s13;
	s13 =	simm.s32 $0x0;
	s7 =	sadd.s32 s0, s7  }
0x1a: {  	s3 =	sadd.s32 s3, s6;
	s22 =	sadd.s32 s6, s2;
	s6 =	simm.s32 $0x14100  }
0x1b: {  	[dreg:$0xd] =	wrdreg s7;
	s7 =	sshrl.u32 s24, $0x3;
	s3 =	sshrl.u32 s3, $0x3  }
0x1c: {  	s24 =	simm.s32 $0x16800;
	s19 =	sadd.s32 s0, s7;
	s7 =	sshrl.u32 s26, $0x3  }
0x1d: {  	s23 =	sadd.s32 s0, s3;
	s26 =	simm.s32 $0x14000;
	s3 =	simm.s32 $0x3  }
0x1e: {  	v0 =	vimm.f32 $0.0e+00;
	s21 =	sadd.s32 s0, s7;
	s0 =	simm.s32 $0x1;
	s7 =	simm.s32 $0x2  }
.LBB2_1:
0x1f: {  	s14 =	simm.s32 $0x0;
	s15 =	simm.s32 $0x200  }
.LBB2_2:
0x20: {  	p0 =	sne.s32 s15, $0xFE00;
	[tilespmem:s14+$0x16870] =	vst v0  }
0x21: {  	[tilespmem:s14+$0x16800] =	vst v0  }
0x22: {  	[tilespmem:s14+$0x16810] =	vst v0  }
.Ltmp0:
0x23: {  	[tilespmem:s14+$0x16820] =	vst v0;
	(pc) =	sbr.rel @p0 .LBB2_2-.Ltmp0, $4  }
0x24: {  	[tilespmem:s14+$0x16830] =	vst v0  }
0x25: {  	[tilespmem:s14+$0x16840] =	vst v0  }
0x26: {  	[tilespmem:s14+$0x16850] =	vst v0  }
0x27: {  	[tilespmem:s14+$0x16860] =	vst v0;
	s14 =	sshra.s32 s15, $0x2;
	s15 =	sadd.s32 $0x200, s15  }
0x28: {  	[tilespmem:s14+$0x16870] =	vst v0  }
0x29: {  	[tilespmem:s14+$0x16800] =	vst v0  }
0x2a: {  	[tilespmem:s14+$0x16810] =	vst v0  }
0x2b: {  	[tilespmem:s14+$0x16820] =	vst v0  }
0x2c: {  	[tilespmem:s14+$0x16830] =	vst v0  }
0x2d: {  	[tilespmem:s14+$0x16840] =	vst v0  }
0x2e: {  	[tilespmem:s14+$0x16850] =	vst v0  }
0x2f: {  	[tilespmem:s14+$0x16860] =	vst v0  }
0x30: {  	[spmem:s5] =	stream.linear.scatter [tilespmem:s24], [sflag:$0x5], $0x4000, $0x38;
	[tilespmem:$0x1E800] =	vst v63  }
0x31: {  	_ =	swait.ge [sflag:s25], $0x4000  }
0x32: {  	[sflag:s25] =	ssyncset.done $0x0  }
0x33: {  	s16 =	rddreg [dreg:$0x9];
	[sflag:s25] =	ssyncadd.s32 $0xFFFFC000  }
0x34: {  	[spmem:s16] =	stream.linear.scatter [tilespmem:s24], [sflag:$0x5], $0x4000, $0x38;
	[tilespmem:$0x1E800] =	vst v63  }
0x35: {  	_ =	swait.ge [sflag:s25], $0x4000  }
0x36: {  	[sflag:s25] =	ssyncset.done $0x0  }
0x37: {  	s15 =	rddreg [dreg:$0xa];
	[sflag:s25] =	ssyncadd.s32 $0xFFFFC000  }
0x38: {  	[spmem:s15] =	stream.linear.scatter [tilespmem:s24], [sflag:$0x5], $0x4000, $0x38;
	[tilespmem:$0x1E800] =	vst v63  }
0x39: {  	_ =	swait.ge [sflag:s25], $0x4000  }
0x3a: {  	[sflag:s25] =	ssyncset.done $0x0  }
0x3b: {  	s16 =	rddreg [dreg:$0xb];
	[sflag:s25] =	ssyncadd.s32 $0xFFFFC000  }
0x3c: {  	[spmem:s16] =	stream.linear.scatter [tilespmem:s24], [sflag:$0x5], $0x4000, $0x38;
	[tilespmem:$0x1E800] =	vst v63  }
0x3d: {  	_ =	swait.ge [sflag:s25], $0x4000  }
0x3e: {  	[sflag:s25] =	ssyncset.done $0x0  }
0x3f: {  	s15 =	rddreg [dreg:$0xc];
	[sflag:s25] =	ssyncadd.s32 $0xFFFFC000  }
0x40: {  	[spmem:s15] =	stream.linear.scatter [tilespmem:s24], [sflag:$0x5], $0x4000, $0x38;
	[tilespmem:$0x1E800] =	vst v63  }
0x41: {  	_ =	swait.ge [sflag:s25], $0x4000  }
0x42: {  	[sflag:s25] =	ssyncset.done $0x0  }
0x43: {  	[sflag:s25] =	ssyncadd.s32 $0xFFFFC000  }
0x44: {  	[bflag:$0x0] =	sbarrier.arrive $0xFFFF  }
0x45: {  	s16 =	rddreg [dreg:$0x4]  }
0x46: {  	[tilespmem:s26], [sflag:$0x5] =	stream.linear.gather [hbm4b:s16+s4], $0x1400, $0x38;
	[tilespmem:$0x1E800] =	vst v63  }
0x47: {  	_ =	swait.ge [sflag:s25], $0x1400  }
0x48: {  	[sflag:s25] =	ssyncset.done $0x0  }
0x49: {  	s15 =	rddreg [dreg:$0x5];
	[sflag:s25] =	ssyncadd.s32 $0xFFFFEC00  }
0x4a: {  	[tilespmem:s28], [sflag:$0x5] =	stream.linear.gather [hbm4b:s15+s4], $0x1400, $0x38;
	[tilespmem:$0x1E800] =	vst v63  }
0x4b: {  	_ =	swait.ge [sflag:s25], $0x1400  }
0x4c: {  	[sflag:s25] =	ssyncset.done $0x0  }
0x4d: {  	[sflag:s25] =	ssyncadd.s32 $0xFFFFEC00  }
0x4e: {  	[tilespmem:s24], [sflag:$0x1] =	stream.indirect.gather [hbm4b:s1+s29], $0x80, s26, s29, $0xb8;
	[tilespmem:$0x1E800] =	vst v63  }
0x4f: {  	_ = 	snop  }
0x50: {  	[tilespmem:s31], [sflag:$0x2] =	stream.indirect.gather [hbm4b:s1+s29], $0x80, s30, s29, $0xb8;
	[tilespmem:$0x1E800] =	vst v63  }
0x51: {  	_ =	swait.ge [sflag:s0], $0x4000  }
0x52: {  	[sflag:s0] =	ssyncset.done $0x0  }
0x53: {  	[sflag:s0] =	ssyncadd.s32 $0xFFFFC000  }
0x54: {  	[spmem:s2] =	stream.indirect.scatter.add.f32 [tilespmem:s24], [sflag:$0x3], $0x80, s28, s29, $0xb8;
	[tilespmem:$0x1E800] =	vst v63  }
0x55: {  	_ =	swait.ge [sflag:s3], $0x4000  }
0x56: {  	[sflag:s3] =	ssyncset.done $0x0  }
0x57: {  	[sflag:s3] =	ssyncadd.s32 $0xFFFFC000  }
0x58: {  	[tilespmem:s24], [sflag:$0x1] =	stream.indirect.gather [hbm4b:s1+s29], $0x80, s6, s29, $0xb8;
	[tilespmem:$0x1E800] =	vst v63  }
0x59: {  	_ =	swait.ge [sflag:s7], $0x4000  }
0x5a: {  	[sflag:s7] =	ssyncset.done $0x0  }
0x5b: {  	[sflag:s7] =	ssyncadd.s32 $0xFFFFC000  }
0x5c: {  	[spmem:s2] =	stream.indirect.scatter.add.f32 [tilespmem:s31], [sflag:$0x4], $0x80, s8, s29, $0xb8;
	[tilespmem:$0x1E800] =	vst v63  }
0x5d: {  	_ =	swait.ge [sflag:s9], $0x4000  }
0x5e: {  	[sflag:s9] =	ssyncset.done $0x0  }
0x5f: {  	s16 =	simm.s32 $0x14180;
	[sflag:s9] =	ssyncadd.s32 $0xFFFFC000  }
0x60: {  	[tilespmem:s31], [sflag:$0x2] =	stream.indirect.gather [hbm4b:s1+s29], $0x80, s16, s29, $0xb8;
	[tilespmem:$0x1E800] =	vst v63  }
0x61: {  	_ =	swait.ge [sflag:s0], $0x4000  }
0x62: {  	[sflag:s0] =	ssyncset.done $0x0  }
0x63: {  	s15 =	simm.s32 $0x15500;
	[sflag:s0] =	ssyncadd.s32 $0xFFFFC000  }
0x64: {  	[spmem:s2] =	stream.indirect.scatter.add.f32 [tilespmem:s24], [sflag:$0x3], $0x80, s15, s29, $0xb8;
	[tilespmem:$0x1E800] =	vst v63  }
0x65: {  	_ =	swait.ge [sflag:s3], $0x4000  }
0x66: {  	[sflag:s3] =	ssyncset.done $0x0  }
0x67: {  	s16 =	simm.s32 $0x14200;
	[sflag:s3] =	ssyncadd.s32 $0xFFFFC000  }
0x68: {  	[tilespmem:s24], [sflag:$0x1] =	stream.indirect.gather [hbm4b:s1+s29], $0x80, s16, s29, $0xb8;
	[tilespmem:$0x1E800] =	vst v63  }
0x69: {  	_ =	swait.ge [sflag:s7], $0x4000  }
0x6a: {  	[sflag:s7] =	ssyncset.done $0x0  }
0x6b: {  	s14 =	simm.s32 $0xFFFFBC00;
	s15 =	simm.s32 $0x15580;
	[sflag:s7] =	ssyncadd.s32 $0xFFFFC000  }
.LBB2_4:
0x6c: {  	[spmem:s2] =	stream.indirect.scatter.add.f32 [tilespmem:s31], [sflag:$0x4], $0x80, s15, s29, $0xb8;
	[tilespmem:$0x1E800] =	vst v63  }
0x6d: {  	s15 =	smov.u32 s14  }
0x6e: {  	p0 =	sne.s32 s14, $0xFFFFFC00;
	s14 =	sadd.s32 $0x400, s14;
	_ =	swait.ge [sflag:s9], $0x4000  }
0x6f: {  	s15 =	sshra.s32 s15, $0x2;
	[sflag:s9] =	ssyncset.done $0x0  }
0x70: {  	s16 =	sadd.s32 $0x15380, s15;
	[sflag:s9] =	ssyncadd.s32 $0xFFFFC000  }
0x71: {  	[tilespmem:s31], [sflag:$0x2] =	stream.indirect.gather [hbm4b:s1+s29], $0x80, s16, s29, $0xb8;
	[tilespmem:$0x1E800] =	vst v63  }
0x72: {  	_ =	swait.ge [sflag:s0], $0x4000  }
0x73: {  	[sflag:s0] =	ssyncset.done $0x0  }
0x74: {  	s16 =	sadd.s32 $0x16700, s15;
	[sflag:s0] =	ssyncadd.s32 $0xFFFFC000  }
0x75: {  	[spmem:s2] =	stream.indirect.scatter.add.f32 [tilespmem:s24], [sflag:$0x3], $0x80, s16, s29, $0xb8;
	[tilespmem:$0x1E800] =	vst v63  }
0x76: {  	_ =	swait.ge [sflag:s3], $0x4000  }
0x77: {  	[sflag:s3] =	ssyncset.done $0x0  }
.Ltmp1:
0x78: {  	s16 =	sadd.s32 $0x15400, s15;
	[sflag:s3] =	ssyncadd.s32 $0xFFFFC000;
	(pc) =	sbr.rel @p0 .LBB2_4-.Ltmp1, $4  }
0x79: {  	[tilespmem:s24], [sflag:$0x1] =	stream.indirect.gather [hbm4b:s1+s29], $0x80, s16, s29, $0xb8;
	[tilespmem:$0x1E800] =	vst v63  }
0x7a: {  	_ =	swait.ge [sflag:s7], $0x4000  }
0x7b: {  	[sflag:s7] =	ssyncset.done $0x0  }
0x7c: {  	s15 =	sadd.s32 $0x16780, s15;
	[sflag:s7] =	ssyncadd.s32 $0xFFFFC000  }
0x7d: {  	[spmem:s2] =	stream.indirect.scatter.add.f32 [tilespmem:s31], [sflag:$0x4], $0x80, s15, s29, $0xb8;
	[tilespmem:$0x1E800] =	vst v63  }
0x7e: {  	_ =	swait.ge [sflag:s9], $0x4000  }
0x7f: {  	[sflag:s9] =	ssyncset.done $0x0  }
0x80: {  	[sflag:s9] =	ssyncadd.s32 $0xFFFFC000  }
0x81: {  	[tilespmem:s31], [sflag:$0x2] =	stream.indirect.gather [hbm4b:s1+s29], $0x80, s10, s29, $0xb8;
	[tilespmem:$0x1E800] =	vst v63  }
0x82: {  	_ =	swait.ge [sflag:s0], $0x4000  }
0x83: {  	[sflag:s0] =	ssyncset.done $0x0  }
0x84: {  	[sflag:s0] =	ssyncadd.s32 $0xFFFFC000  }
0x85: {  	[spmem:s2] =	stream.indirect.scatter.add.f32 [tilespmem:s24], [sflag:$0x3], $0x80, s11, s29, $0xb8;
	[tilespmem:$0x1E800] =	vst v63  }
0x86: {  	_ =	swait.ge [sflag:s7], $0x4000  }
0x87: {  	[sflag:s7] =	ssyncset.done $0x0  }
0x88: {  	[sflag:s7] =	ssyncadd.s32 $0xFFFFC000  }
0x89: {  	[spmem:s2] =	stream.indirect.scatter.add.f32 [tilespmem:s31], [sflag:$0x4], $0x80, s12, s29, $0xb8;
	[tilespmem:$0x1E800] =	vst v63  }
0x8a: {  	_ =	swait.ge [sflag:s3], $0x4000  }
0x8b: {  	[sflag:s3] =	ssyncset.done $0x0  }
0x8c: {  	[sflag:s3] =	ssyncadd.s32 $0xFFFFC000  }
0x8d: {  	_ =	swait.ge [sflag:s9], $0x4000  }
0x8e: {  	[sflag:s9] =	ssyncset.done $0x0  }
0x8f: {  	s14 =	rddreg [dreg:$0x6];
	[sflag:s9] =	ssyncadd.s32 $0xFFFFC000  }
0x90: {  	[tilespmem:s26], [sflag:$0x5] =	stream.linear.gather [hbm4b:s14+s4], $0x1400, $0x38;
	[tilespmem:$0x1E800] =	vst v63  }
0x91: {  	_ =	swait.ge [sflag:s25], $0x1400  }
0x92: {  	[sflag:s25] =	ssyncset.done $0x0  }
0x93: {  	s15 =	rddreg [dreg:$0x7];
	[sflag:s25] =	ssyncadd.s32 $0xFFFFEC00  }
0x94: {  	[tilespmem:s28], [sflag:$0x5] =	stream.linear.gather [hbm4b:s15+s4], $0x1400, $0x38;
	[tilespmem:$0x1E800] =	vst v63  }
0x95: {  	_ =	swait.ge [sflag:s25], $0x1400  }
0x96: {  	[sflag:s25] =	ssyncset.done $0x0  }
0x97: {  	[sflag:s25] =	ssyncadd.s32 $0xFFFFEC00  }
0x98: {  	[tilespmem:s24], [sflag:$0x1] =	stream.indirect.gather [hbm4b:s1+s29], $0x80, s26, s29, $0xb8;
	[tilespmem:$0x1E800] =	vst v63  }
0x99: {  	_ = 	snop  }
0x9a: {  	[tilespmem:s31], [sflag:$0x2] =	stream.indirect.gather [hbm4b:s1+s29], $0x80, s30, s29, $0xb8;
	[tilespmem:$0x1E800] =	vst v63  }
0x9b: {  	_ =	swait.ge [sflag:s0], $0x4000  }
0x9c: {  	[sflag:s0] =	ssyncset.done $0x0  }
0x9d: {  	[sflag:s0] =	ssyncadd.s32 $0xFFFFC000  }
0x9e: {  	[spmem:s2] =	stream.indirect.scatter.add.f32 [tilespmem:s24], [sflag:$0x3], $0x80, s28, s29, $0xb8;
	[tilespmem:$0x1E800] =	vst v63  }
0x9f: {  	_ =	swait.ge [sflag:s3], $0x4000  }
0xa0: {  	[sflag:s3] =	ssyncset.done $0x0  }
0xa1: {  	[sflag:s3] =	ssyncadd.s32 $0xFFFFC000  }
0xa2: {  	[tilespmem:s24], [sflag:$0x1] =	stream.indirect.gather [hbm4b:s1+s29], $0x80, s6, s29, $0xb8;
	[tilespmem:$0x1E800] =	vst v63  }
0xa3: {  	_ =	swait.ge [sflag:s7], $0x4000  }
0xa4: {  	[sflag:s7] =	ssyncset.done $0x0  }
0xa5: {  	[sflag:s7] =	ssyncadd.s32 $0xFFFFC000  }
0xa6: {  	[spmem:s2] =	stream.indirect.scatter.add.f32 [tilespmem:s31], [sflag:$0x4], $0x80, s8, s29, $0xb8;
	[tilespmem:$0x1E800] =	vst v63  }
0xa7: {  	_ =	swait.ge [sflag:s9], $0x4000  }
0xa8: {  	[sflag:s9] =	ssyncset.done $0x0  }
0xa9: {  	s16 =	simm.s32 $0x14180;
	[sflag:s9] =	ssyncadd.s32 $0xFFFFC000  }
0xaa: {  	[tilespmem:s31], [sflag:$0x2] =	stream.indirect.gather [hbm4b:s1+s29], $0x80, s16, s29, $0xb8;
	[tilespmem:$0x1E800] =	vst v63  }
0xab: {  	_ =	swait.ge [sflag:s0], $0x4000  }
0xac: {  	[sflag:s0] =	ssyncset.done $0x0  }
0xad: {  	s15 =	simm.s32 $0x15500;
	[sflag:s0] =	ssyncadd.s32 $0xFFFFC000  }
0xae: {  	[spmem:s2] =	stream.indirect.scatter.add.f32 [tilespmem:s24], [sflag:$0x3], $0x80, s15, s29, $0xb8;
	[tilespmem:$0x1E800] =	vst v63  }
0xaf: {  	_ =	swait.ge [sflag:s3], $0x4000  }
0xb0: {  	[sflag:s3] =	ssyncset.done $0x0  }
0xb1: {  	s16 =	simm.s32 $0x14200;
	[sflag:s3] =	ssyncadd.s32 $0xFFFFC000  }
0xb2: {  	[tilespmem:s24], [sflag:$0x1] =	stream.indirect.gather [hbm4b:s1+s29], $0x80, s16, s29, $0xb8;
	[tilespmem:$0x1E800] =	vst v63  }
0xb3: {  	_ =	swait.ge [sflag:s7], $0x4000  }
0xb4: {  	[sflag:s7] =	ssyncset.done $0x0  }
0xb5: {  	s14 =	simm.s32 $0xFFFFBC00;
	s15 =	simm.s32 $0x15580;
	[sflag:s7] =	ssyncadd.s32 $0xFFFFC000  }
.LBB2_6:
0xb6: {  	[spmem:s2] =	stream.indirect.scatter.add.f32 [tilespmem:s31], [sflag:$0x4], $0x80, s15, s29, $0xb8;
	[tilespmem:$0x1E800] =	vst v63  }
0xb7: {  	s15 =	smov.u32 s14  }
0xb8: {  	p0 =	sne.s32 s14, $0xFFFFFC00;
	s14 =	sadd.s32 $0x400, s14;
	_ =	swait.ge [sflag:s9], $0x4000  }
0xb9: {  	s15 =	sshra.s32 s15, $0x2;
	[sflag:s9] =	ssyncset.done $0x0  }
0xba: {  	s16 =	sadd.s32 $0x15380, s15;
	[sflag:s9] =	ssyncadd.s32 $0xFFFFC000  }
0xbb: {  	[tilespmem:s31], [sflag:$0x2] =	stream.indirect.gather [hbm4b:s1+s29], $0x80, s16, s29, $0xb8;
	[tilespmem:$0x1E800] =	vst v63  }
0xbc: {  	_ =	swait.ge [sflag:s0], $0x4000  }
0xbd: {  	[sflag:s0] =	ssyncset.done $0x0  }
0xbe: {  	s16 =	sadd.s32 $0x16700, s15;
	[sflag:s0] =	ssyncadd.s32 $0xFFFFC000  }
0xbf: {  	[spmem:s2] =	stream.indirect.scatter.add.f32 [tilespmem:s24], [sflag:$0x3], $0x80, s16, s29, $0xb8;
	[tilespmem:$0x1E800] =	vst v63  }
0xc0: {  	_ =	swait.ge [sflag:s3], $0x4000  }
0xc1: {  	[sflag:s3] =	ssyncset.done $0x0  }
.Ltmp2:
0xc2: {  	s16 =	sadd.s32 $0x15400, s15;
	[sflag:s3] =	ssyncadd.s32 $0xFFFFC000;
	(pc) =	sbr.rel @p0 .LBB2_6-.Ltmp2, $4  }
0xc3: {  	[tilespmem:s24], [sflag:$0x1] =	stream.indirect.gather [hbm4b:s1+s29], $0x80, s16, s29, $0xb8;
	[tilespmem:$0x1E800] =	vst v63  }
0xc4: {  	_ =	swait.ge [sflag:s7], $0x4000  }
0xc5: {  	[sflag:s7] =	ssyncset.done $0x0  }
0xc6: {  	s15 =	sadd.s32 $0x16780, s15;
	[sflag:s7] =	ssyncadd.s32 $0xFFFFC000  }
0xc7: {  	[spmem:s2] =	stream.indirect.scatter.add.f32 [tilespmem:s31], [sflag:$0x4], $0x80, s15, s29, $0xb8;
	[tilespmem:$0x1E800] =	vst v63  }
0xc8: {  	_ =	swait.ge [sflag:s9], $0x4000  }
0xc9: {  	[sflag:s9] =	ssyncset.done $0x0  }
0xca: {  	[sflag:s9] =	ssyncadd.s32 $0xFFFFC000  }
0xcb: {  	[tilespmem:s31], [sflag:$0x2] =	stream.indirect.gather [hbm4b:s1+s29], $0x80, s10, s29, $0xb8;
	[tilespmem:$0x1E800] =	vst v63  }
0xcc: {  	_ =	swait.ge [sflag:s0], $0x4000  }
0xcd: {  	[sflag:s0] =	ssyncset.done $0x0  }
0xce: {  	[sflag:s0] =	ssyncadd.s32 $0xFFFFC000  }
0xcf: {  	[spmem:s2] =	stream.indirect.scatter.add.f32 [tilespmem:s24], [sflag:$0x3], $0x80, s11, s29, $0xb8;
	[tilespmem:$0x1E800] =	vst v63  }
0xd0: {  	_ =	swait.ge [sflag:s7], $0x4000  }
0xd1: {  	[sflag:s7] =	ssyncset.done $0x0  }
0xd2: {  	[sflag:s7] =	ssyncadd.s32 $0xFFFFC000  }
0xd3: {  	[spmem:s2] =	stream.indirect.scatter.add.f32 [tilespmem:s31], [sflag:$0x4], $0x80, s12, s29, $0xb8;
	[tilespmem:$0x1E800] =	vst v63  }
0xd4: {  	_ =	swait.ge [sflag:s3], $0x4000  }
0xd5: {  	[sflag:s3] =	ssyncset.done $0x0  }
0xd6: {  	[sflag:s3] =	ssyncadd.s32 $0xFFFFC000  }
0xd7: {  	_ =	swait.ge [sflag:s9], $0x4000  }
0xd8: {  	[sflag:s9] =	ssyncset.done $0x0  }
0xd9: {  	[sflag:s9] =	ssyncadd.s32 $0xFFFFC000  }
0xda: {  	[bflag:$0x0] =	sbarrier.arrive $0xFFFF  }
0xdb: {  	[tilespmem:s24], [sflag:$0x5] =	stream.linear.gather [spmem:s5], $0x4000, $0x38;
	[tilespmem:$0x1E800] =	vst v63  }
0xdc: {  	_ =	swait.ge [sflag:s25], $0x4000  }
0xdd: {  	[sflag:s25] =	ssyncset.done $0x0  }
0xde: {  	s14 =	rddreg [dreg:$0xd];
	[sflag:s25] =	ssyncadd.s32 $0xFFFFC000  }
0xdf: {  	[hbm4b:s14+s4] =	stream.linear.scatter [tilespmem:s24], [sflag:$0x5], $0x4000, $0x38;
	[tilespmem:$0x1E800] =	vst v63  }
0xe0: {  	_ =	swait.ge [sflag:s25], $0x4000  }
0xe1: {  	[sflag:s25] =	ssyncset.done $0x0  }
0xe2: {  	s15 =	rddreg [dreg:$0xe];
	[sflag:s25] =	ssyncadd.s32 $0xFFFFC000  }
0xe3: {  	[tilespmem:s24], [sflag:$0x5] =	stream.linear.gather [spmem:s15], $0x4000, $0x38;
	[tilespmem:$0x1E800] =	vst v63  }
0xe4: {  	_ =	swait.ge [sflag:s25], $0x4000  }
0xe5: {  	[sflag:s25] =	ssyncset.done $0x0  }
0xe6: {  	[sflag:s25] =	ssyncadd.s32 $0xFFFFC000  }
0xe7: {  	[hbm4b:s17+s4] =	stream.linear.scatter [tilespmem:s24], [sflag:$0x5], $0x4000, $0x38;
	[tilespmem:$0x1E800] =	vst v63  }
0xe8: {  	_ =	swait.ge [sflag:s25], $0x4000  }
0xe9: {  	[sflag:s25] =	ssyncset.done $0x0  }
0xea: {  	[sflag:s25] =	ssyncadd.s32 $0xFFFFC000  }
0xeb: {  	[tilespmem:s24], [sflag:$0x5] =	stream.linear.gather [spmem:s18], $0x4000, $0x38;
	[tilespmem:$0x1E800] =	vst v63  }
0xec: {  	_ =	swait.ge [sflag:s25], $0x4000  }
0xed: {  	[sflag:s25] =	ssyncset.done $0x0  }
0xee: {  	[sflag:s25] =	ssyncadd.s32 $0xFFFFC000  }
0xef: {  	[hbm4b:s19+s4] =	stream.linear.scatter [tilespmem:s24], [sflag:$0x5], $0x4000, $0x38;
	[tilespmem:$0x1E800] =	vst v63  }
0xf0: {  	_ =	swait.ge [sflag:s25], $0x4000  }
0xf1: {  	[sflag:s25] =	ssyncset.done $0x0  }
0xf2: {  	[sflag:s25] =	ssyncadd.s32 $0xFFFFC000  }
0xf3: {  	[tilespmem:s24], [sflag:$0x5] =	stream.linear.gather [spmem:s20], $0x4000, $0x38;
	[tilespmem:$0x1E800] =	vst v63  }
0xf4: {  	_ =	swait.ge [sflag:s25], $0x4000  }
0xf5: {  	[sflag:s25] =	ssyncset.done $0x0  }
0xf6: {  	[sflag:s25] =	ssyncadd.s32 $0xFFFFC000  }
0xf7: {  	[hbm4b:s21+s4] =	stream.linear.scatter [tilespmem:s24], [sflag:$0x5], $0x4000, $0x38;
	[tilespmem:$0x1E800] =	vst v63  }
0xf8: {  	_ =	swait.ge [sflag:s25], $0x4000  }
0xf9: {  	[sflag:s25] =	ssyncset.done $0x0  }
0xfa: {  	[sflag:s25] =	ssyncadd.s32 $0xFFFFC000  }
0xfb: {  	[tilespmem:s24], [sflag:$0x5] =	stream.linear.gather [spmem:s22], $0x4000, $0x38;
	[tilespmem:$0x1E800] =	vst v63  }
0xfc: {  	_ =	swait.ge [sflag:s25], $0x4000  }
0xfd: {  	[sflag:s25] =	ssyncset.done $0x0  }
0xfe: {  	[sflag:s25] =	ssyncadd.s32 $0xFFFFC000  }
0xff: {  	[hbm4b:s23+s4] =	stream.linear.scatter [tilespmem:s24], [sflag:$0x5], $0x4000, $0x38;
	[tilespmem:$0x1E800] =	vst v63  }
0x100: {  	_ =	swait.ge [sflag:s25], $0x4000  }
0x101: {  	s13 =	sadd.s32 $0x1, s13;
	s16 =	rddreg [dreg:$0x8]  }
0x102: {  	p0 =	sne.s32 s13, s16  }
.Ltmp3:
0x103: {  	_ = 	snop;
	(pc) =	sbr.rel @p0 .LBB2_1-.Ltmp3, $3  }
0x104: {  	_ =	sdelay $0x1  }
0x105: {  	[sflag:s25] =	ssyncset.done $0x0  }
0x106: {  	[sflag:s25] =	ssyncadd.s32 $0xFFFFC000  }
0x107: {  	_ =	sfence.sel $0x180000  }
0x108: {  	[bflag:$0x0] =	sbarrier.arrive $0xFFFF  }
0x109: {  	_ =	strace $0x9000004D  }
0x10a: {  	s0 =	stileid.u32;
	[bflag:$0x2] =	sbarrier.arrive $0xFFFF  }
0x10b: {  	p0 =	sne.s32 s0, $0x0;
	s0 =	rddreg [dreg:$0x3]  }
0x10c: {  	s0 =	sadd.s32 @!p0 $0x100000, s0  }
0x10d: {  	[sflag:s0] =	ssyncadd.tile.s32 @!p0 $0x1;
	_ =	shalt  }
.Lfunc_end2:
_tile_overlayer_lowered:
.L_overlay_start_2:
0x10e: {  	(tag) =	ssettag $0x2  }
0x10f: {  	s0 =	rddreg [dreg:$0x0];
	s2 =	stileid.u32  }
0x110: {  	s1 =	rddreg [dreg:$0x1];
	p0 =	sne.s32 s2, $0x0  }
0x111: {  	s3 =	rddreg [dreg:$0x2];
	[bflag:$0x3] =	sbarrier.arrive $0xFFFF;
	s2 =	simm.s32 @!p0 $0x1C05  }
0x112: {  	[timem:s3], [sflag:s2] =	dma.local @!p0 [hbm:s0], s1  }
0x113: {  	s0 =	simm.s32 @!p0 $0x5  }
0x114: {  	_ =	swait.ge @!p0 [sflag:s0], s1  }
0x115: {  	s1 =	ssub.s32 @!p0 $0x0, s1;
	[sflag:s0] =	ssyncset.done @!p0 $0x0  }
0x116: {  	[sflag:s0] =	ssyncadd.s32 @!p0 s1  }
0x117: {  	[bflag:$0x3] =	sbarrier.arrive $0xFFFF  }
0x118: {  	_ =	shalt  }

// kernel: kernel.9.cloned.1.call-start
scs
__scs_entry_jumppad:
0x0: {  	(pc) =	sbr.rel $0x88, $3  }
0x1: {  	(tag) =	ssettag $0x0;
	lr =	simm.s32 $0x1  }
0x2: {  	[smem:$0x3F96] =	sst lr;
	_ =	strace $0xD0000000  }
0x3: {  	_ = 	snop  }
0x4: {  	_ = 	snop  }
0x5: {  	_ = 	snop  }
0x6: {  	_ = 	snop  }
0x7: {  	_ = 	snop  }
__scs_overlays_trampoline_lowered:
0x8: {  	[smem:$0x3FA5] =	sst s0  }
0x9: {  	[smem:$0x3FA6] =	sst s1  }
0xa: {  	[smem:$0x3FA7] =	sst s2  }
0xb: {  	[smem:$0x3FA8] =	sst s3  }
0xc: {  	[smem:$0x3FA9] =	sst s4  }
0xd: {  	[smem:$0x3FAA] =	sst s5  }
0xe: {  	[smem:$0x3FAB] =	sst s6  }
0xf: {  	[smem:$0x3FAC] =	sst s7  }
0x10: {  	[smem:$0x3FAD] =	sst s8  }
0x11: {  	[smem:$0x3FAE] =	sst s9;
	s0 =	simm.s32 @!p0 $0x0  }
0x12: {  	s1 =	sld [smem:$0x3F94];
	s0 =	simm.s32 @p0 $0x1  }
0x13: {  	[smem:$0x3FAF] =	sst s0;
	s0 =	simm.s32 @!p1 $0x0  }
0x14: {  	s2 =	sld [smem:$0x3F93];
	s0 =	simm.s32 @p1 $0x1  }
0x15: {  	[smem:$0x3FB0] =	sst s0;
	s0 =	simm.s32 @!p2 $0x0  }
0x16: {  	s3 =	sld [smem:$0x3FDB];
	s0 =	simm.s32 @p2 $0x1  }
0x17: {  	s4 =	simm.s32 $0x1BF5;
	[smem:$0x3FB2] =	sst s0  }
0x18: {  	s0 =	sld [smem:$0x3F95];
	_ =	swait.ge [sflag:s4], $0x0  }
0x19: {  	s7 =	sld [smem:$0x3F96]  }
0x1a: {  	s8 =	sadd.s32 $0xFFFFE003, lr  }
0x1b: {  	s9 =	sadd.s32 $0xFFFFFEF7, lr;
	s5 =	simm.s32 $0xFFFFFFFF;
	p2 =	slt.u32 s8, $0xFFFFF086  }
0x1c: {  	p1 =	slt.u32 s9, $0xF7A;
	s5 =	simm.s32 @!p2 $0x0  }
0x1d: {  	s5 =	simm.s32 @p1 $0x1;
	p0 =	seq.s32 s7, s2  }
0x1e: {  	s7 =	smul.u32 @!p0 $0xF7A, s2;
	p2 =	seq.s32 @!p0 s5, $0x0  }
0x1f: {  	s9 =	smul.u32 $0xF7A, s1;
	s8 =	simm.s32 @!p0 $0x1BF5;
	p2 =	por !p2, p0  }
0x20: {  	[sflag:s8] =	ssyncset.s32 @!p0 $0xFFFFF086;
	s6 =	sadd.s32 @!p0 s3, s7;
	s7 =	simm.s32 @!p0 $0x108  }
0x21: {  	s3 =	sadd.s32 s3, s9;
	s6 =	sadd.s32 @!p0 $0x88, s6;
	s7 =	simm.s32 @p2 $0x1082  }
0x22: {  	[simem:s7], [sflag:s8] =	dma.local @!p0 [hbm:s6], $0xF7A  }
0x23: {  	s9 =	sor.u32 $0xD0000000, s2;
	s6 =	simm.s32 $0x108;
	_ =	swait.ge @!p0 [sflag:s8], $0x0  }
0x24: {  	s3 =	sadd.s32 $0x88, s3;
	s6 =	simm.s32 @!p1 $0x1082;
	[sflag:s4] =	ssyncset.s32 $0xFFFFF086  }
0x25: {  	[simem:s6], [sflag:s4] =	dma.local [hbm:s3], $0xF7A  }
0x26: {  	[smem:$0x3F96] =	sst s1;
	(tag) =	ssettag s2;
	_ =	strace s9  }
0x27: {  	s1 =	sld [smem:$0x3FA6]  }
0x28: {  	s2 =	sld [smem:$0x3FA7]  }
0x29: {  	s4 =	sld [smem:$0x3FA9]  }
0x2a: {  	p0 =	seq.s32 s5, $0x0;
	s5 =	sld [smem:$0x3FAA]  }
0x2b: {  	s6 =	sld [smem:$0x3FAB]  }
0x2c: {  	s7 =	sld [smem:$0x3FAC]  }
0x2d: {  	s3 =	simm.s32 $0x108;
	s8 =	sld [smem:$0x3FAD]  }
0x2e: {  	s3 =	simm.s32 @!p0 $0x1082;
	s9 =	sld [smem:$0x3FAE]  }
0x2f: {  	lr =	sadd.s32 s0, s3;
	s0 =	sld [smem:$0x3FA5]  }
0x30: {  	s3 =	sld [smem:$0x3FA8]  }
0x31: {  	[smem:$0x3FB1] =	sst s10  }
0x32: {  	s10 =	sld [smem:$0x3FAF];
	_ =	sdelay $0x3  }
0x33: {  	p0 =	seq.s32 s10, $0x1;
	s10 =	sld [smem:$0x3FB1];
	_ =	sdelay $0x3  }
0x34: {  	[smem:$0x3FB1] =	sst s10  }
0x35: {  	s10 =	sld [smem:$0x3FB0];
	_ =	sdelay $0x3  }
0x36: {  	p1 =	seq.s32 s10, $0x1;
	s10 =	sld [smem:$0x3FB1];
	_ =	sdelay $0x3  }
0x37: {  	[smem:$0x3FB1] =	sst s10  }
0x38: {  	s10 =	sld [smem:$0x3FB2]  }
0x39: {  	_ = 	snop;
	(pc) =	sbr.ind lr, $3  }
0x3a: {  	_ = 	snop  }
0x3b: {  	_ = 	snop  }
0x3c: {  	p2 =	seq.s32 s10, $0x1;
	s10 =	sld [smem:$0x3FB1]  }
0x3d: {  	_ =	shalt  }
0x3e: {  	_ =	shalt  }
0x3f: {  	_ =	shalt  }
0x40: {  	_ =	shalt  }
0x41: {  	_ =	shalt  }
0x42: {  	_ =	shalt  }
0x43: {  	_ =	shalt  }
0x44: {  	_ =	shalt  }
0x45: {  	_ =	shalt  }
0x46: {  	_ =	shalt  }
0x47: {  	_ =	shalt  }
0x48: {  	_ =	shalt  }
0x49: {  	_ =	shalt  }
0x4a: {  	_ =	shalt  }
0x4b: {  	_ =	shalt  }
0x4c: {  	_ =	shalt  }
0x4d: {  	_ =	shalt  }
0x4e: {  	_ =	shalt  }
0x4f: {  	_ =	shalt  }
0x50: {  	_ =	shalt  }
0x51: {  	_ =	shalt  }
0x52: {  	_ =	shalt  }
0x53: {  	_ =	shalt  }
0x54: {  	_ =	shalt  }
0x55: {  	_ =	shalt  }
0x56: {  	_ =	shalt  }
0x57: {  	_ =	shalt  }
0x58: {  	_ =	shalt  }
0x59: {  	_ =	shalt  }
0x5a: {  	_ =	shalt  }
0x5b: {  	_ =	shalt  }
0x5c: {  	_ =	shalt  }
0x5d: {  	_ =	shalt  }
0x5e: {  	_ =	shalt  }
0x5f: {  	_ =	shalt  }
0x60: {  	_ =	shalt  }
0x61: {  	_ =	shalt  }
0x62: {  	_ =	shalt  }
0x63: {  	_ =	shalt  }
0x64: {  	_ =	shalt  }
0x65: {  	_ =	shalt  }
0x66: {  	_ =	shalt  }
0x67: {  	_ =	shalt  }
0x68: {  	_ =	shalt  }
0x69: {  	_ =	shalt  }
0x6a: {  	_ =	shalt  }
0x6b: {  	_ =	shalt  }
0x6c: {  	_ =	shalt  }
0x6d: {  	_ =	shalt  }
0x6e: {  	_ =	shalt  }
0x6f: {  	_ =	shalt  }
0x70: {  	_ =	shalt  }
0x71: {  	_ =	shalt  }
0x72: {  	_ =	shalt  }
0x73: {  	_ =	shalt  }
0x74: {  	_ =	shalt  }
0x75: {  	_ =	shalt  }
0x76: {  	_ =	shalt  }
0x77: {  	_ =	shalt  }
0x78: {  	_ =	shalt  }
0x79: {  	_ =	shalt  }
0x7a: {  	_ =	shalt  }
0x7b: {  	_ =	shalt  }
0x7c: {  	_ =	shalt  }
0x7d: {  	_ =	shalt  }
0x7e: {  	_ =	shalt  }
0x7f: {  	_ =	shalt  }
0x80: {  	_ =	shalt  }
0x81: {  	_ =	shalt  }
0x82: {  	_ =	shalt  }
0x83: {  	_ =	shalt  }
0x84: {  	_ =	shalt  }
0x85: {  	_ =	shalt  }
0x86: {  	_ =	shalt  }
0x87: {  	_ =	shalt  }
.Lfunc_end0:
.L_simem_size_0:
called_computation_lowered:
.L_overlay_start_0:
0x88: {  	s2 =	sld [smem:$0x3FD9]  }
0x89: {  	s3 =	sld [smem:$0x3FFE];
	_ =	sdelay $0x1  }
0x8a: {  	s1 =	srdreg.scid  }
0x8b: {  	s0 =	sand.u32 $0x1, s1  }
0x8c: {  	s17 =	sshll.u32 s0, $0xA;
	s2 =	sadd.s32 s3, s2  }
0x8d: {  	s2 =	sadd.s32 s2, s17  }
0x8e: {  	[smem:$0x3FBD] =	sst s2  }
0x8f: {  	_ = 	snop  }
0x90: {  	s2 =	sld [smem:$0x3FD0];
	(tm) =	ssettm $0x1  }
0x91: {  	s18 =	sld [smem:$0x3FFB];
	_ =	sdelay $0x3  }
0x92: {  	_ =	strace s18  }
0x93: {  	s3 =	sld [smem:$0x3FFC];
	_ =	sdelay $0x3  }
0x94: {  	_ =	strace s3  }
0x95: {  	s3 =	sld [smem:$0x3FFD];
	_ =	sdelay $0x3  }
0x96: {  	_ =	strace s3  }
0x97: {  	_ =	strace $0x8FFFFFFF  }
0x98: {  	s19 =	sld [smem:$0x3FDB];
	_ =	sdelay $0x1  }
0x99: {  	s4 =	simm.s32 $_scs_section_size  }
0x9a: {  	s5 =	simm.s32 $_size__tile_overlayer_lowered;
	s6 =	simm.s32 $_tile_overlayer_lowered  }
0x9b: {  	s22 =	simm.s32 $0x1BFF;
	s21 =	sshll.u32 s6, $0x1;
	s3 =	sadd.s32 s4, s19  }
0x9c: {  	s7 =	simm.s32 $0x0;
	s20 =	sshll.u32 s5, $0x1;
	s5 =	sadd.s32 s21, s3  }
0x9d: {  	[timem:s7], [sflag:s22] =	dma.local [hbm:s5], s20  }
0x9e: {  	_ =	swait.ge [sflag:s22], s20  }
0x9f: {  	s4 =	ssub.s32 $0x0, s20;
	[sflag:s22] =	ssyncset.done $0x0  }
0xa0: {  	[sflag:s22] =	ssyncadd.s32 s4;
	_ =	sdelay $0x1  }
0xa1: {  	s23 =	simm.s32 $0x1B8B  }
0xa2: {  	_ =	swait.ge [sflag:s23], $0x1  }
0xa3: {  	[sflag:s23] =	ssyncset.done $0x0  }
0xa4: {  	s25 =	simm.s32 $0x1B8E;
	s24 =	sld [smem:$0x3FFE];
	[sflag:s23] =	ssyncadd.s32 $0xFFFFFFFF  }
0xa5: {  	s26 =	simm.s32 $execute0_lowered;
	[smem:$0x3FD2] =	sst s25  }
0xa6: {  	s5 =	sshll.u32 s26, $0x1;
	_ =	strace $0x80000046;
	[dreg:$0x1] =	wrdreg $0xFFFFFFFF  }
0xa7: {  	s28 =	simm.s32 $_size_execute0_lowered;
	s3 =	sadd.s32 s3, s5;
	[dreg:$0x0] =	wrdreg $0x0  }
0xa8: {  	s5 =	sshll.u32 s28, $0x1;
	[dreg:$0x2] =	wrdreg s3  }
0xa9: {  	[dreg:$0x3] =	wrdreg s5  }
0xaa: {  	[dreg:$0x4] =	wrdreg $0xC0  }
0xab: {  	_ =	task [dreg:s7], $0x5FFFF  }
0xac: {  	[dreg:$0x1] =	wrdreg $0xFFFFFFFF  }
0xad: {  	[dreg:$0x0] =	wrdreg $0x60  }
0xae: {  	[dreg:$0x2] =	wrdreg s24  }
0xaf: {  	[dreg:$0x3] =	wrdreg s2  }
0xb0: {  	[dreg:$0x4] =	wrdreg $0x0  }
0xb1: {  	[dreg:$0x5] =	wrdreg $0x9  }
0xb2: {  	_ =	task.clear_ibuf [dreg:s7], $0x6FFFF;
	_ =	strace $0x90000046  }
0xb3: {  	s29 =	simm.s32 $0x9;
	_ =	strace $0x80000048  }
0xb4: {  	_ =	swait.ge [sflag:s29], $0x1  }
0xb5: {  	[sflag:s29] =	ssyncadd.s32 $0xFFFFFFFF  }
0xb6: {  	_ =	strace $0x90000048  }
0xb7: {  	_ =	sfence  }
0xb8: {  	s30 =	sld [smem:$0x0];
	_ =	sdelay $0x2  }
0xb9: {  	s31 =	sshll.u32 s1, $0xD;
	s1 =	sshrl.u32 s1, $0x2  }
0xba: {  	s3 =	sand.u32 $0x4000, s31;
	s1 =	sadd.s32 s1, s30  }
0xbb: {  	s0 =	sor.u32 s3, s0;
	s1 =	sshll.u32 s1, $0x11  }
0xbc: {  	s0 =	sor.u32 s1, s0  }
0xbd: {  	s0 =	sadd.s32 $0x8F2B, s0  }
0xbe: {  	[sflag:s0] =	ssyncadd.remote.s32 $0x1  }
0xbf: {  	_ =	sfence.sel $0xFFFF  }
0xc0: {  	[dreg:$0x0] =	wrdreg $0xFFFFFFFF;
	(pc) =	sbr.abs _section_cstart, $3  }
0xc1: {  	[dreg:$0x1] =	wrdreg $0xFFFFFFFF  }
0xc2: {  	_ =	task.clear_ibuf [dreg:s7], $0x2FFFF;
	_ =	strace $0x9FFFFFFF  }
0xc3: {  	(tm) =	ssettm $0x7FFFFFFF  }
tec
execute0_lowered:
.L_overlay_start_1:
0x0: {  	(tag) =	ssettag $0x1  }
0x1: {  	s5 =	rddreg [dreg:$0x0]  }
0x2: {  	s6 =	rddreg [dreg:$0x1]  }
0x3: {  	s0 =	srdreg.scid;
	s2 =	rddreg [dreg:$0x2]  }
0x4: {  	s3 =	simm.s32 $0x0;
	s10 =	simm.s32 $0x280;
	s11 =	simm.s32 $0x80  }
0x5: {  	s12 =	simm.s32 $0x2A80;
	s4 =	sand.u32 $0x1, s0;
	s0 =	stileid.u32  }
0x6: {  	s15 =	simm.s32 $0x0;
	[smem:$0x7FF] =	sst s3;
	s8 =	smul.u32 $0x280, s0  }
0x7: {  	s1 =	sshll.u32 s4, $0x4;
	s9 =	smul.u32 $0x2800, s4;
	s4 =	ssub.s32 $0x2, s4  }
0x8: {  	s13 =	sshll.u32 s0, $0x6;
	s1 =	sor.u32 s0, s1;
	s30 =	sshrl.u32 s4, $0x1  }
0x9: {  	s13 =	sor.u32 $0x1C01, s13;
	s7 =	smul.u32 $0x500, s1;
	s9 =	sadd.s32 s8, s9  }
0xa: {  	s1 =	rddreg [dreg:$0x3];
	_ =	strace $0x80000047;
	s31 =	sshrl.u32 s9, $0x3  }
0xb: {  	s9 =	simm.s32 $0x1;
	s5 =	sadd.s32 s7, s5;
	s7 =	ssub.s32 s4, s30  }
0xc: {  	s4 =	sadd.s32 s8, s2;
	s6 =	sadd.s32 s6, s31;
	s8 =	simm.s32 $0x2B00  }
0xd: {  	v0 =	vimm.f32 $1.000000000e+00;
	v1 =	vimm.f32 $0.0e+00;
	s5 =	sadd.s32 $0x3000, s5;
	s7 =	smax.u32 s7, $0x1;
	s14 =	sshrl.u32 s4, $0x3  }
.LBB2_1:
0xe: {  	[tilespmem:$0x2A80] =	vst v0  }
0xf: {  	[tilespmem:$0x2A90] =	vst v0  }
0x10: {  	[tilespmem:$0x2AA0] =	vst v0  }
0x11: {  	[tilespmem:$0x2AB0] =	vst v0  }
0x12: {  	[tilespmem:$0x2AC0] =	vst v0  }
0x13: {  	[tilespmem:$0x2AD0] =	vst v0  }
0x14: {  	[tilespmem:$0x2AE0] =	vst v0  }
0x15: {  	[tilespmem:$0x2AF0] =	vst v0  }
0x16: {  	[tilespmem:$0x2B00] =	vst v1  }
0x17: {  	[tilespmem:$0x2B10] =	vst v1  }
0x18: {  	[tilespmem:$0x2B20] =	vst v1  }
0x19: {  	[tilespmem:$0x2B30] =	vst v1  }
0x1a: {  	[tilespmem:$0x2B40] =	vst v1  }
0x1b: {  	[tilespmem:$0x2B50] =	vst v1  }
0x1c: {  	[tilespmem:$0x2B60] =	vst v1  }
0x1d: {  	[tilespmem:$0x2B70] =	vst v1  }
0x1e: {  	[tilespmem:$0x2B80] =	vst v1  }
0x1f: {  	[tilespmem:$0x2B90] =	vst v1  }
0x20: {  	[tilespmem:$0x2BA0] =	vst v1  }
0x21: {  	[tilespmem:$0x2BB0] =	vst v1  }
0x22: {  	[tilespmem:$0x2BC0] =	vst v1  }
0x23: {  	[tilespmem:$0x2BD0] =	vst v1  }
0x24: {  	[tilespmem:$0x2BE0] =	vst v1  }
0x25: {  	[tilespmem:$0x2BF0] =	vst v1  }
0x26: {  	[tilespmem:$0x2C00] =	vst v1  }
0x27: {  	[tilespmem:$0x2C10] =	vst v1  }
0x28: {  	[tilespmem:$0x2C20] =	vst v1  }
0x29: {  	[tilespmem:$0x2C30] =	vst v1  }
0x2a: {  	[tilespmem:$0x2C40] =	vst v1  }
0x2b: {  	[tilespmem:$0x2C50] =	vst v1  }
0x2c: {  	[tilespmem:$0x2C60] =	vst v1  }
0x2d: {  	[tilespmem:$0x2C70] =	vst v1  }
0x2e: {  	[tilespmem:$0x2C80] =	vst v1  }
0x2f: {  	[tilespmem:$0x2C90] =	vst v1  }
0x30: {  	[tilespmem:$0x2CA0] =	vst v1  }
0x31: {  	[tilespmem:$0x2CB0] =	vst v1  }
0x32: {  	[tilespmem:$0x2CC0] =	vst v1  }
0x33: {  	[tilespmem:$0x2CD0] =	vst v1  }
0x34: {  	[tilespmem:$0x2CE0] =	vst v1  }
0x35: {  	[tilespmem:$0x2CF0] =	vst v1  }
0x36: {  	[tilespmem:$0x2D00] =	vst v1  }
0x37: {  	[tilespmem:$0x2D10] =	vst v1  }
0x38: {  	[tilespmem:$0x2D20] =	vst v1  }
0x39: {  	[tilespmem:$0x2D30] =	vst v1  }
0x3a: {  	[tilespmem:$0x2D40] =	vst v1  }
0x3b: {  	[tilespmem:$0x2D50] =	vst v1  }
0x3c: {  	[tilespmem:$0x2D60] =	vst v1  }
0x3d: {  	[tilespmem:$0x2D70] =	vst v1  }
0x3e: {  	[spmem:s4] =	stream.linear.scatter [tilespmem:s8], [sflag:$0x1], $0x280, $0x38;
	[tilespmem:$0x2D80] =	vst v63  }
0x3f: {  	_ =	swait.ge [sflag:s9], $0x280  }
0x40: {  	[sflag:s9] =	ssyncset.done $0x0  }
0x41: {  	[sflag:s9] =	ssyncadd.s32 $0xFFFFFD80  }
0x42: {  	[bflag:$0x0] =	sbarrier.arrive $0xFFFF  }
0x43: {  	[tilespmem:s10], [sflag:$0x1] =	stream.linear.gather [hbm4b:s5+s3], $0x2800, $0x38;
	[tilespmem:$0x2D80] =	vst v63  }
0x44: {  	_ =	swait.ge [sflag:s9], $0x2800  }
0x45: {  	[sflag:s9] =	ssyncset.done $0x0  }
0x46: {  	s16 =	simm.s32 $0x280;
	[sflag:s9] =	ssyncadd.s32 $0xFFFFD800  }
0x47: {  	[spmem:s2] =	stream.indirect.scatter.add.f32 [tilespmem:s12], [sflag:$0x1], $0x1, s16, s11, $0xb8;
	[tilespmem:$0x2D80] =	vst v63  }
0x48: {  	s16 =	simm.s32 $0x200;
	_ =	swait.ge [sflag:s9], $0x80  }
.LBB2_2:
0x49: {  	s17 =	sshra.s32 s16, $0x2;
	[sflag:s9] =	ssyncset.done $0x0;
	p0 =	sne.s32 s16, $0x9E00  }
.Ltmp0:
0x4a: {  	s17 =	sadd.s32 $0x280, s17;
	[sflag:s9] =	ssyncadd.s32 $0xFFFFFF80;
	(pc) =	sbr.rel @p0 .LBB2_2-.Ltmp0, $3  }
0x4b: {  	[spmem:s2] =	stream.indirect.scatter.add.f32 [tilespmem:s12], [sflag:$0x1], $0x1, s17, s11, $0xb8;
	[tilespmem:$0x2D80] =	vst v63  }
0x4c: {  	s16 =	sadd.s32 $0x200, s16;
	_ =	sdelay $0x1  }
0x4d: {  	_ =	swait.ge [sflag:s9], $0x80  }
0x4e: {  	[sflag:s9] =	ssyncset.done $0x0;
	s15 =	sadd.s32 $0x1, s15  }
0x4f: {  	[sflag:s9] =	ssyncadd.s32 $0xFFFFFF80;
	p0 =	sne.s32 s15, s7  }
.Ltmp1:
0x50: {  	[bflag:$0x0] =	sbarrier.arrive $0xFFFF;
	(pc) =	sbr.rel @p0 .LBB2_1-.Ltmp1, $4  }
0x51: {  	[hbm:s6], [sflag:s13] =	dma.local [spmem:s14], $0x50  }
0x52: {  	_ =	swait.ge [sflag:s9], $0x50  }
0x53: {  	[sflag:s9] =	ssyncset.done $0x0  }
0x54: {  	[sflag:s9] =	ssyncadd.s32 $0xFFFFFFB0  }
0x55: {  	_ =	sfence.sel $0x180000  }
0x56: {  	[bflag:$0x0] =	sbarrier.arrive $0xFFFF  }
0x57: {  	p0 =	sne.s32 s0, $0x0;
	_ =	strace $0x90000047  }
0x58: {  	s0 =	sadd.s32 @!p0 $0x100000, s1;
	[bflag:$0x2] =	sbarrier.arrive $0xFFFF  }
0x59: {  	[sflag:s0] =	ssyncadd.tile.s32 @!p0 $0x1;
	_ =	shalt  }
.Lfunc_end2:
_tile_overlayer_lowered:
.L_overlay_start_2:
0x5a: {  	(tag) =	ssettag $0x2  }
0x5b: {  	s0 =	rddreg [dreg:$0x0];
	s2 =	stileid.u32  }
0x5c: {  	s1 =	rddreg [dreg:$0x1];
	p0 =	sne.s32 s2, $0x0  }
0x5d: {  	s3 =	rddreg [dreg:$0x2];
	[bflag:$0x3] =	sbarrier.arrive $0xFFFF;
	s2 =	simm.s32 @!p0 $0x1C01  }
0x5e: {  	[timem:s3], [sflag:s2] =	dma.local @!p0 [hbm:s0], s1  }
0x5f: {  	s0 =	simm.s32 @!p0 $0x1  }
0x60: {  	_ =	swait.ge @!p0 [sflag:s0], s1  }
0x61: {  	s1 =	ssub.s32 @!p0 $0x0, s1;
	[sflag:s0] =	ssyncset.done @!p0 $0x0  }
0x62: {  	[sflag:s0] =	ssyncadd.s32 @!p0 s1  }
0x63: {  	[bflag:$0x3] =	sbarrier.arrive $0xFFFF  }
0x64: {  	_ =	shalt  }

</sc_bundles>
